<compile_context>
chip_gen: v7x
topology: tpu7x:2x2x1
jax: 0.10.2.dev20260603
libtpu: 0.0.44.dev20260713+nightly
codegen_flags: <defaults>
</compile_context>

<pallas_src>
import functools

import jax
import jax.numpy as jnp
from jax import lax
from jax.experimental import pallas as pl
from jax.experimental.pallas import tpu as pltpu, tpu_sc as plsc

_BATCH = 16384
_DIM = 64
_ROWS = 100001
_SEG0 = 50048
_SEG1 = 49920
_TAIL0 = _SEG0 + _SEG1
_ROWBUF = _TAIL0 + 128
_CHUNK = 4096
_NCHUNK = _BATCH // _CHUNK
_NL = 16


@jax.jit
def _lookup(die_idx, table_t, tail_t):
    info = plsc.get_sparse_core_info()
    nw = info.num_cores * info.num_subcores
    rows_per_w = _DIM // nw
    assert rows_per_w == 2 and info.num_lanes == _NL

    mesh = plsc.VectorSubcoreMesh(core_axis_name="c", subcore_axis_name="s")

    @functools.partial(
        pl.kernel,
        mesh=mesh,
        compiler_params=pltpu.CompilerParams(needs_layout_passes=False),
        out_type=jax.ShapeDtypeStruct((_DIM, _BATCH), jnp.float32),
        scratch_types=[
            pltpu.VMEM((1, _ROWBUF), jnp.float32),
            pltpu.VMEM((_BATCH,), jnp.int32),
            pltpu.VMEM((1, _CHUNK), jnp.float32),
            pltpu.VMEM((1, _CHUNK), jnp.float32),
            pltpu.SemaphoreType.DMA,
            pltpu.SemaphoreType.DMA,
            pltpu.SemaphoreType.DMA,
        ],
    )
    def k(idx_hbm, table_hbm, tail_hbm, out_hbm, row_v, idx_v, out0, out1,
          sem_r, sem_w0, sem_w1):
        wid = lax.axis_index("s") * info.num_cores + lax.axis_index("c")
        zv = jnp.zeros((_NL,), jnp.int32)
        outc = (out0, out1)
        sem_w = (sem_w0, sem_w1)

        def row_descs(r):
            return (
                pltpu.make_async_copy(
                    table_hbm.at[pl.ds(r, 1), pl.ds(0, _SEG0)],
                    row_v.at[:, pl.ds(0, _SEG0)],
                    sem_r,
                ),
                pltpu.make_async_copy(
                    table_hbm.at[pl.ds(r, 1), pl.ds(_SEG0, _SEG1)],
                    row_v.at[:, pl.ds(_SEG0, _SEG1)],
                    sem_r,
                ),
                pltpu.make_async_copy(
                    tail_hbm.at[pl.ds(r, 1), :],
                    row_v.at[:, pl.ds(_TAIL0, 128)],
                    sem_r,
                ),
            )

        def fire_row(r):
            for d in row_descs(r):
                d.start()

        def wait_row():
            for d in row_descs(0):
                d.wait()

        def gather_chunk(chunk):
            buf = outc[chunk % 2]
            gb_w = 8 * _NL

            def body(gb, carry):
                base = chunk * _CHUNK + gb * gb_w
                ivs = [
                    idx_v[pl.ds(base + j * _NL, _NL)] for j in range(8)
                ]
                vals = [plsc.load_gather(row_v, [zv, iv]) for iv in ivs]
                for j in range(8):
                    buf[0, pl.ds(gb * gb_w + j * _NL, _NL)] = vals[j]
                return carry

            lax.fori_loop(0, _CHUNK // gb_w, body, 0, unroll=2)

        def wb_start(r, chunk):
            pltpu.make_async_copy(
                outc[chunk % 2],
                out_hbm.at[pl.ds(r, 1), pl.ds(chunk * _CHUNK, _CHUNK)],
                sem_w[chunk % 2],
            ).start()

        def wb_wait(r, chunk):
            pltpu.make_async_copy(
                outc[chunk % 2],
                out_hbm.at[pl.ds(r, 1), pl.ds(chunk * _CHUNK, _CHUNK)],
                sem_w[chunk % 2],
            ).wait()

        r0 = wid * rows_per_w
        pending = [None, None]

        def drain(buf_i):
            if pending[buf_i] is not None:
                wb_wait(*pending[buf_i])
                pending[buf_i] = None

        fire_row(r0)
        pltpu.sync_copy(idx_hbm, idx_v)
        for row_i in range(rows_per_w):
            r = r0 + row_i
            wait_row()
            for chunk in range(_NCHUNK):
                drain(chunk % 2)
                gather_chunk(chunk)
                wb_start(r, chunk)
                pending[chunk % 2] = (r, chunk)
            if row_i + 1 < rows_per_w:
                fire_row(r + 1)
        drain(0)
        drain(1)

    return k(die_idx, table_t, tail_t)


def kernel(die_idx, die_embedding):
    table_t = die_embedding.T
    tail_t = jnp.pad(table_t[:, _TAIL0:], ((0, 0), (0, 128 - (_ROWS - _TAIL0))))
    out_t = _lookup(die_idx.astype(jnp.int32), table_t, tail_t)
    return out_t.T

# --- scband reference (transcript-rebuilt; emitter-appended) ---
"""Pipeline reference for scband-die-embedding-764504179322 (READ-ONLY COPY).

The authoritative reference and input builder live on the scoring server;
editing this copy changes nothing except your own understanding.
"""

import jax, jax.numpy as jnp
import numpy as np

NUM_DIE = 100000
DIM = 64
BATCH = 16384

def setup_inputs(seed: int = 0) -> dict:
    key = jax.random.key(seed)
    k_idx, k_tab = jax.random.split(key)
    die_idx = jax.random.randint(k_idx, (BATCH,), 0, NUM_DIE + 1, dtype=jnp.int64 if jax.config.read('jax_enable_x64') else jnp.int32)
    die_embedding = jax.random.normal(k_tab, (NUM_DIE + 1, DIM), dtype=jnp.float32)
    return {"die_idx": die_idx, "die_embedding": die_embedding}

def reference(die_idx, die_embedding):
    # trainable=True path: nn.Embedding lookup -> table[idx]
    return jnp.take(die_embedding, die_idx, axis=0)

if __name__ == "__main__":
    import jax
    _d = setup_inputs()
    print(jax.jit(kernel)(*tuple(_d.values())))

</pallas_src>

<mosaic_0001>
#map = affine_map<(d0, d1) -> (0)>
#map1 = affine_map<(d0, d1) -> (0, 0)>
module attributes {stable_mosaic.version = 14 : i64} {
  func.func @k(%arg0: i32, %arg1: i32, %arg2: memref<16384xi32, #tpu.memory_space<hbm>>, %arg3: memref<64x100001xf32, #tpu.memory_space<hbm>>, %arg4: memref<64x128xf32, #tpu.memory_space<hbm>>, %arg5: memref<64x16384xf32, #tpu.memory_space<hbm>>, %arg6: memref<1x100096xf32, #tpu.memory_space<vmem>>, %arg7: memref<16384xi32, #tpu.memory_space<vmem>>, %arg8: memref<1x4096xf32, #tpu.memory_space<vmem>>, %arg9: memref<1x4096xf32, #tpu.memory_space<vmem>>, %arg10: memref<!tpu.dma_semaphore, #tpu.memory_space<semaphore_mem>>, %arg11: memref<!tpu.dma_semaphore, #tpu.memory_space<semaphore_mem>>, %arg12: memref<!tpu.dma_semaphore, #tpu.memory_space<semaphore_mem>>) attributes {dimension_semantics = [#tpu.dimension_semantics<core_parallel>, #tpu.dimension_semantics<subcore_parallel>], iteration_bounds = array<i64: 2, 16>, scalar_prefetch = 0 : i64, scratch_operands = 7 : i64, tpu.core_type = #tpu.core_type<sc_vector_subcore>, window_params = [{transform_indices = #map}, {transform_indices = #map1}, {transform_indices = #map1}, {transform_indices = #map1}]} {
    %mul3A = arith.constant 2 : i32
    %mul3A_0 = arith.muli %arg1, %mul3A : i32
    %add3A = arith.addi %mul3A_0, %arg0 : i32
    %broadcast_in_dim3A = arith.constant 0 : i32
    %broadcast_in_dim3A_1 = vector.broadcast %broadcast_in_dim3A : i32 to vector<16xi32>
    %mul3A_2 = arith.constant 2 : i32
    %mul3A_3 = arith.muli %add3A, %mul3A_2 : i32
    %dma_start3A = arith.constant 0 : i32
    %dma_start3A_4 = arith.constant 0 : i32
    %dma_start3A_5 = tpu.memref_slice %arg6[%dma_start3A, %dma_start3A_4] : memref<1x100096xf32, #tpu.memory_space<vmem>> -> memref<1x50048xf32, #tpu.memory_space<vmem>>
    %dma_start3A_6 = arith.constant 0 : i32
    %dma_start3A_7 = tpu.memref_slice %arg3[%mul3A_3, %dma_start3A_6] : memref<64x100001xf32, #tpu.memory_space<hbm>> -> memref<1x50048xf32, #tpu.memory_space<hbm>>
    %dma_start3A_8 = arith.constant 0 : i32
    %dma_start3A_9 = arith.constant 0 : i32
    %dma_start3A_10 = tpu.memref_slice %arg6[%dma_start3A_8, %dma_start3A_9] : memref<1x100096xf32, #tpu.memory_space<vmem>> -> memref<1x50048xf32, #tpu.memory_space<vmem>>
    %dma_start3A_11 = arith.constant 0 : i32
    %dma_start3A_12 = tpu.memref_slice %arg3[%mul3A_3, %dma_start3A_11] : memref<64x100001xf32, #tpu.memory_space<hbm>> -> memref<1x50048xf32, #tpu.memory_space<hbm>>
    tpu.enqueue_dma source(%dma_start3A_12 : memref<1x50048xf32, #tpu.memory_space<hbm>>) target(%dma_start3A_10 : memref<1x50048xf32, #tpu.memory_space<vmem>>) target_semaphore(%arg10 : memref<!tpu.dma_semaphore, #tpu.memory_space<semaphore_mem>>)
    %dma_start3A_13 = arith.constant 0 : i32
    %dma_start3A_14 = arith.constant 50048 : i32
    %dma_start3A_15 = tpu.memref_slice %arg6[%dma_start3A_13, %dma_start3A_14] : memref<1x100096xf32, #tpu.memory_space<vmem>> -> memref<1x49920xf32, #tpu.memory_space<vmem>>
    %dma_start3A_16 = arith.constant 50048 : i32
    %dma_start3A_17 = tpu.memref_slice %arg3[%mul3A_3, %dma_start3A_16] : memref<64x100001xf32, #tpu.memory_space<hbm>> -> memref<1x49920xf32, #tpu.memory_space<hbm>>
    %dma_start3A_18 = arith.constant 0 : i32
    %dma_start3A_19 = arith.constant 50048 : i32
    %dma_start3A_20 = tpu.memref_slice %arg6[%dma_start3A_18, %dma_start3A_19] : memref<1x100096xf32, #tpu.memory_space<vmem>> -> memref<1x49920xf32, #tpu.memory_space<vmem>>
    %dma_start3A_21 = arith.constant 50048 : i32
    %dma_start3A_22 = tpu.memref_slice %arg3[%mul3A_3, %dma_start3A_21] : memref<64x100001xf32, #tpu.memory_space<hbm>> -> memref<1x49920xf32, #tpu.memory_space<hbm>>
    tpu.enqueue_dma source(%dma_start3A_22 : memref<1x49920xf32, #tpu.memory_space<hbm>>) target(%dma_start3A_20 : memref<1x49920xf32, #tpu.memory_space<vmem>>) target_semaphore(%arg10 : memref<!tpu.dma_semaphore, #tpu.memory_space<semaphore_mem>>)
    %dma_start3A_23 = arith.constant 0 : i32
    %dma_start3A_24 = arith.constant 99968 : i32
    %dma_start3A_25 = tpu.memref_slice %arg6[%dma_start3A_23, %dma_start3A_24] : memref<1x100096xf32, #tpu.memory_space<vmem>> -> memref<1x128xf32, #tpu.memory_space<vmem>>
    %dma_start3A_26 = arith.constant 0 : i32
    %dma_start3A_27 = tpu.memref_slice %arg4[%mul3A_3, %dma_start3A_26] : memref<64x128xf32, #tpu.memory_space<hbm>> -> memref<1x128xf32, #tpu.memory_space<hbm>>
    %dma_start3A_28 = arith.constant 0 : i32
    %dma_start3A_29 = arith.constant 99968 : i32
    %dma_start3A_30 = tpu.memref_slice %arg6[%dma_start3A_28, %dma_start3A_29] : memref<1x100096xf32, #tpu.memory_space<vmem>> -> memref<1x128xf32, #tpu.memory_space<vmem>>
    %dma_start3A_31 = arith.constant 0 : i32
    %dma_start3A_32 = tpu.memref_slice %arg4[%mul3A_3, %dma_start3A_31] : memref<64x128xf32, #tpu.memory_space<hbm>> -> memref<1x128xf32, #tpu.memory_space<hbm>>
    tpu.enqueue_dma source(%dma_start3A_32 : memref<1x128xf32, #tpu.memory_space<hbm>>) target(%dma_start3A_30 : memref<1x128xf32, #tpu.memory_space<vmem>>) target_semaphore(%arg10 : memref<!tpu.dma_semaphore, #tpu.memory_space<semaphore_mem>>)
    "tpu.region"() ({
      %run_scoped3A = tpu.sem_alloc : memref<!tpu.dma_semaphore, #tpu.memory_space<semaphore_mem>>
      tpu.enqueue_dma source(%arg2 : memref<16384xi32, #tpu.memory_space<hbm>>) target(%arg7 : memref<16384xi32, #tpu.memory_space<vmem>>) target_semaphore(%run_scoped3A : memref<!tpu.dma_semaphore, #tpu.memory_space<semaphore_mem>>)
      tpu.wait_dma2 semaphore(%run_scoped3A : memref<!tpu.dma_semaphore, #tpu.memory_space<semaphore_mem>>) src(%arg2 : memref<16384xi32, #tpu.memory_space<hbm>>) dst(%arg7 : memref<16384xi32, #tpu.memory_space<vmem>>)
      tpu.yield
    }) : () -> ()
    %add3A_33 = arith.constant 0 : i32
    %add3A_34 = arith.addi %mul3A_3, %add3A_33 : i32
    %dma_wait3A = arith.constant 0 : i32
    %dma_wait3A_35 = arith.constant 0 : i32
    %dma_wait3A_36 = tpu.memref_slice %arg6[%dma_wait3A, %dma_wait3A_35] : memref<1x100096xf32, #tpu.memory_space<vmem>> -> memref<1x50048xf32, #tpu.memory_space<vmem>>
    %dma_wait3A_37 = arith.constant 0 : i32
    %dma_wait3A_38 = arith.constant 0 : i32
    %dma_wait3A_39 = tpu.memref_slice %arg3[%dma_wait3A_37, %dma_wait3A_38] : memref<64x100001xf32, #tpu.memory_space<hbm>> -> memref<1x50048xf32, #tpu.memory_space<hbm>>
    %dma_wait3A_40 = arith.constant 0 : i32
    %dma_wait3A_41 = arith.constant 0 : i32
    %dma_wait3A_42 = tpu.memref_slice %arg6[%dma_wait3A_40, %dma_wait3A_41] : memref<1x100096xf32, #tpu.memory_space<vmem>> -> memref<1x50048xf32, #tpu.memory_space<vmem>>
    %dma_wait3A_43 = arith.constant 0 : i32
    %dma_wait3A_44 = arith.constant 0 : i32
    %dma_wait3A_45 = tpu.memref_slice %arg3[%dma_wait3A_43, %dma_wait3A_44] : memref<64x100001xf32, #tpu.memory_space<hbm>> -> memref<1x50048xf32, #tpu.memory_space<hbm>>
    tpu.wait_dma2 semaphore(%arg10 : memref<!tpu.dma_semaphore, #tpu.memory_space<semaphore_mem>>) src(%dma_wait3A_45 : memref<1x50048xf32, #tpu.memory_space<hbm>>) dst(%dma_wait3A_42 : memref<1x50048xf32, #tpu.memory_space<vmem>>)
    %dma_wait3A_46 = arith.constant 0 : i32
    %dma_wait3A_47 = arith.constant 50048 : i32
    %dma_wait3A_48 = tpu.memref_slice %arg6[%dma_wait3A_46, %dma_wait3A_47] : memref<1x100096xf32, #tpu.memory_space<vmem>> -> memref<1x49920xf32, #tpu.memory_space<vmem>>
    %dma_wait3A_49 = arith.constant 0 : i32
    %dma_wait3A_50 = arith.constant 50048 : i32
    %dma_wait3A_51 = tpu.memref_slice %arg3[%dma_wait3A_49, %dma_wait3A_50] : memref<64x100001xf32, #tpu.memory_space<hbm>> -> memref<1x49920xf32, #tpu.memory_space<hbm>>
    %dma_wait3A_52 = arith.constant 0 : i32
    %dma_wait3A_53 = arith.constant 50048 : i32
    %dma_wait3A_54 = tpu.memref_slice %arg6[%dma_wait3A_52, %dma_wait3A_53] : memref<1x100096xf32, #tpu.memory_space<vmem>> -> memref<1x49920xf32, #tpu.memory_space<vmem>>
    %dma_wait3A_55 = arith.constant 0 : i32
    %dma_wait3A_56 = arith.constant 50048 : i32
    %dma_wait3A_57 = tpu.memref_slice %arg3[%dma_wait3A_55, %dma_wait3A_56] : memref<64x100001xf32, #tpu.memory_space<hbm>> -> memref<1x49920xf32, #tpu.memory_space<hbm>>
    tpu.wait_dma2 semaphore(%arg10 : memref<!tpu.dma_semaphore, #tpu.memory_space<semaphore_mem>>) src(%dma_wait3A_57 : memref<1x49920xf32, #tpu.memory_space<hbm>>) dst(%dma_wait3A_54 : memref<1x49920xf32, #tpu.memory_space<vmem>>)
    %dma_wait3A_58 = arith.constant 0 : i32
    %dma_wait3A_59 = arith.constant 99968 : i32
    %dma_wait3A_60 = tpu.memref_slice %arg6[%dma_wait3A_58, %dma_wait3A_59] : memref<1x100096xf32, #tpu.memory_space<vmem>> -> memref<1x128xf32, #tpu.memory_space<vmem>>
    %dma_wait3A_61 = arith.constant 0 : i32
    %dma_wait3A_62 = arith.constant 0 : i32
    %dma_wait3A_63 = tpu.memref_slice %arg4[%dma_wait3A_61, %dma_wait3A_62] : memref<64x128xf32, #tpu.memory_space<hbm>> -> memref<1x128xf32, #tpu.memory_space<hbm>>
    %dma_wait3A_64 = arith.constant 0 : i32
    %dma_wait3A_65 = arith.constant 99968 : i32
    %dma_wait3A_66 = tpu.memref_slice %arg6[%dma_wait3A_64, %dma_wait3A_65] : memref<1x100096xf32, #tpu.memory_space<vmem>> -> memref<1x128xf32, #tpu.memory_space<vmem>>
    %dma_wait3A_67 = arith.constant 0 : i32
    %dma_wait3A_68 = arith.constant 0 : i32
    %dma_wait3A_69 = tpu.memref_slice %arg4[%dma_wait3A_67, %dma_wait3A_68] : memref<64x128xf32, #tpu.memory_space<hbm>> -> memref<1x128xf32, #tpu.memory_space<hbm>>
    tpu.wait_dma2 semaphore(%arg10 : memref<!tpu.dma_semaphore, #tpu.memory_space<semaphore_mem>>) src(%dma_wait3A_69 : memref<1x128xf32, #tpu.memory_space<hbm>>) dst(%dma_wait3A_66 : memref<1x128xf32, #tpu.memory_space<vmem>>)
    %scan3A = arith.constant 0 : i32
    %scan3A_70 = arith.constant 0 : i32
    %scan3A_71 = arith.constant 32 : i32
    %scan3A_72 = arith.addi %scan3A_70, %scan3A_71 : i32
    %scan3A_73 = arith.constant 2 : i32
    scf.for %scan3A_251 = %scan3A_70 to %scan3A_72 step %scan3A_73  : i32 {
      %mul3A_252 = arith.constant 128 : i32
      %mul3A_253 = arith.muli %scan3A_251, %mul3A_252 : i32
      %add3A_254 = arith.constant 0 : i32
      %add3A_255 = arith.addi %add3A_254, %mul3A_253 : i32
      %add3A_256 = arith.constant 0 : i32
      %add3A_257 = arith.addi %add3A_255, %add3A_256 : i32
      %get3A = arith.index_cast %add3A_257 : i32 to index
      %get3A_258 = tpu.vector_load %arg7[%get3A] {strides = array<i32>} : memref<16384xi32, #tpu.memory_space<vmem>>, vector<16xi32>,
      %add3A_259 = arith.constant 16 : i32
      %add3A_260 = arith.addi %add3A_255, %add3A_259 : i32
      %get3A_261 = arith.index_cast %add3A_260 : i32 to index
      %get3A_262 = tpu.vector_load %arg7[%get3A_261] {strides = array<i32>} : memref<16384xi32, #tpu.memory_space<vmem>>, vector<16xi32>,
      %add3A_263 = arith.constant 32 : i32
      %add3A_264 = arith.addi %add3A_255, %add3A_263 : i32
      %get3A_265 = arith.index_cast %add3A_264 : i32 to index
      %get3A_266 = tpu.vector_load %arg7[%get3A_265] {strides = array<i32>} : memref<16384xi32, #tpu.memory_space<vmem>>, vector<16xi32>,
      %add3A_267 = arith.constant 48 : i32
      %add3A_268 = arith.addi %add3A_255, %add3A_267 : i32
      %get3A_269 = arith.index_cast %add3A_268 : i32 to index
      %get3A_270 = tpu.vector_load %arg7[%get3A_269] {strides = array<i32>} : memref<16384xi32, #tpu.memory_space<vmem>>, vector<16xi32>,
      %add3A_271 = arith.constant 64 : i32
      %add3A_272 = arith.addi %add3A_255, %add3A_271 : i32
      %get3A_273 = arith.index_cast %add3A_272 : i32 to index
      %get3A_274 = tpu.vector_load %arg7[%get3A_273] {strides = array<i32>} : memref<16384xi32, #tpu.memory_space<vmem>>, vector<16xi32>,
      %add3A_275 = arith.constant 80 : i32
      %add3A_276 = arith.addi %add3A_255, %add3A_275 : i32
      %get3A_277 = arith.index_cast %add3A_276 : i32 to index
      %get3A_278 = tpu.vector_load %arg7[%get3A_277] {strides = array<i32>} : memref<16384xi32, #tpu.memory_space<vmem>>, vector<16xi32>,
      %add3A_279 = arith.constant 96 : i32
      %add3A_280 = arith.addi %add3A_255, %add3A_279 : i32
      %get3A_281 = arith.index_cast %add3A_280 : i32 to index
      %get3A_282 = tpu.vector_load %arg7[%get3A_281] {strides = array<i32>} : memref<16384xi32, #tpu.memory_space<vmem>>, vector<16xi32>,
      %add3A_283 = arith.constant 112 : i32
      %add3A_284 = arith.addi %add3A_255, %add3A_283 : i32
      %get3A_285 = arith.index_cast %add3A_284 : i32 to index
      %get3A_286 = tpu.vector_load %arg7[%get3A_285] {strides = array<i32>} : memref<16384xi32, #tpu.memory_space<vmem>>, vector<16xi32>,
      %gather3A = tpu.vector_load_idx %arg6[%broadcast_in_dim3A_1, %get3A_258] : memref<1x100096xf32, #tpu.memory_space<vmem>>[vector<16xi32>, vector<16xi32>], vector<16xf32>,
      %gather3A_287 = tpu.vector_load_idx %arg6[%broadcast_in_dim3A_1, %get3A_262] : memref<1x100096xf32, #tpu.memory_space<vmem>>[vector<16xi32>, vector<16xi32>], vector<16xf32>,
      %gather3A_288 = tpu.vector_load_idx %arg6[%broadcast_in_dim3A_1, %get3A_266] : memref<1x100096xf32, #tpu.memory_space<vmem>>[vector<16xi32>, vector<16xi32>], vector<16xf32>,
      %gather3A_289 = tpu.vector_load_idx %arg6[%broadcast_in_dim3A_1, %get3A_270] : memref<1x100096xf32, #tpu.memory_space<vmem>>[vector<16xi32>, vector<16xi32>], vector<16xf32>,
      %gather3A_290 = tpu.vector_load_idx %arg6[%broadcast_in_dim3A_1, %get3A_274] : memref<1x100096xf32, #tpu.memory_space<vmem>>[vector<16xi32>, vector<16xi32>], vector<16xf32>,
      %gather3A_291 = tpu.vector_load_idx %arg6[%broadcast_in_dim3A_1, %get3A_278] : memref<1x100096xf32, #tpu.memory_space<vmem>>[vector<16xi32>, vector<16xi32>], vector<16xf32>,
      %gather3A_292 = tpu.vector_load_idx %arg6[%broadcast_in_dim3A_1, %get3A_282] : memref<1x100096xf32, #tpu.memory_space<vmem>>[vector<16xi32>, vector<16xi32>], vector<16xf32>,
      %gather3A_293 = tpu.vector_load_idx %arg6[%broadcast_in_dim3A_1, %get3A_286] : memref<1x100096xf32, #tpu.memory_space<vmem>>[vector<16xi32>, vector<16xi32>], vector<16xf32>,
      %mul3A_294 = arith.constant 128 : i32
      %mul3A_295 = arith.muli %scan3A_251, %mul3A_294 : i32
      %add3A_296 = arith.constant 0 : i32
      %add3A_297 = arith.addi %mul3A_295, %add3A_296 : i32
      %swap3A = arith.constant 0 : i32
      %swap3A_298 = arith.index_cast %swap3A : i32 to index
      %swap3A_299 = arith.index_cast %add3A_297 : i32 to index
      %swap3A_300 = tpu.vector_load %arg8[%swap3A_298, %swap3A_299] {strides = array<i32>} : memref<1x4096xf32, #tpu.memory_space<vmem>>, vector<16xf32>,
      tpu.vector_store %arg8[%swap3A_298, %swap3A_299], %gather3A {strides = array<i32>} : memref<1x4096xf32, #tpu.memory_space<vmem>>, vector<16xf32>,
      %mul3A_301 = arith.constant 128 : i32
      %mul3A_302 = arith.muli %scan3A_251, %mul3A_301 : i32
      %add3A_303 = arith.constant 16 : i32
      %add3A_304 = arith.addi %mul3A_302, %add3A_303 : i32
      %swap3A_305 = arith.constant 0 : i32
      %swap3A_306 = arith.index_cast %swap3A_305 : i32 to index
      %swap3A_307 = arith.index_cast %add3A_304 : i32 to index
      %swap3A_308 = tpu.vector_load %arg8[%swap3A_306, %swap3A_307] {strides = array<i32>} : memref<1x4096xf32, #tpu.memory_space<vmem>>, vector<16xf32>,
      tpu.vector_store %arg8[%swap3A_306, %swap3A_307], %gather3A_287 {strides = array<i32>} : memref<1x4096xf32, #tpu.memory_space<vmem>>, vector<16xf32>,
      %mul3A_309 = arith.constant 128 : i32
      %mul3A_310 = arith.muli %scan3A_251, %mul3A_309 : i32
      %add3A_311 = arith.constant 32 : i32
      %add3A_312 = arith.addi %mul3A_310, %add3A_311 : i32
      %swap3A_313 = arith.constant 0 : i32
      %swap3A_314 = arith.index_cast %swap3A_313 : i32 to index
      %swap3A_315 = arith.index_cast %add3A_312 : i32 to index
      %swap3A_316 = tpu.vector_load %arg8[%swap3A_314, %swap3A_315] {strides = array<i32>} : memref<1x4096xf32, #tpu.memory_space<vmem>>, vector<16xf32>,
      tpu.vector_store %arg8[%swap3A_314, %swap3A_315], %gather3A_288 {strides = array<i32>} : memref<1x4096xf32, #tpu.memory_space<vmem>>, vector<16xf32>,
      %mul3A_317 = arith.constant 128 : i32
      %mul3A_318 = arith.muli %scan3A_251, %mul3A_317 : i32
      %add3A_319 = arith.constant 48 : i32
      %add3A_320 = arith.addi %mul3A_318, %add3A_319 : i32
      %swap3A_321 = arith.constant 0 : i32
      %swap3A_322 = arith.index_cast %swap3A_321 : i32 to index
      %swap3A_323 = arith.index_cast %add3A_320 : i32 to index
      %swap3A_324 = tpu.vector_load %arg8[%swap3A_322, %swap3A_323] {strides = array<i32>} : memref<1x4096xf32, #tpu.memory_space<vmem>>, vector<16xf32>,
      tpu.vector_store %arg8[%swap3A_322, %swap3A_323], %gather3A_289 {strides = array<i32>} : memref<1x4096xf32, #tpu.memory_space<vmem>>, vector<16xf32>,
      %mul3A_325 = arith.constant 128 : i32
      %mul3A_326 = arith.muli %scan3A_251, %mul3A_325 : i32
      %add3A_327 = arith.constant 64 : i32
      %add3A_328 = arith.addi %mul3A_326, %add3A_327 : i32
      %swap3A_329 = arith.constant 0 : i32
      %swap3A_330 = arith.index_cast %swap3A_329 : i32 to index
      %swap3A_331 = arith.index_cast %add3A_328 : i32 to index
      %swap3A_332 = tpu.vector_load %arg8[%swap3A_330, %swap3A_331] {strides = array<i32>} : memref<1x4096xf32, #tpu.memory_space<vmem>>, vector<16xf32>,
      tpu.vector_store %arg8[%swap3A_330, %swap3A_331], %gather3A_290 {strides = array<i32>} : memref<1x4096xf32, #tpu.memory_space<vmem>>, vector<16xf32>,
      %mul3A_333 = arith.constant 128 : i32
      %mul3A_334 = arith.muli %scan3A_251, %mul3A_333 : i32
      %add3A_335 = arith.constant 80 : i32
      %add3A_336 = arith.addi %mul3A_334, %add3A_335 : i32
      %swap3A_337 = arith.constant 0 : i32
      %swap3A_338 = arith.index_cast %swap3A_337 : i32 to index
      %swap3A_339 = arith.index_cast %add3A_336 : i32 to index
      %swap3A_340 = tpu.vector_load %arg8[%swap3A_338, %swap3A_339] {strides = array<i32>} : memref<1x4096xf32, #tpu.memory_space<vmem>>, vector<16xf32>,
      tpu.vector_store %arg8[%swap3A_338, %swap3A_339], %gather3A_291 {strides = array<i32>} : memref<1x4096xf32, #tpu.memory_space<vmem>>, vector<16xf32>,
      %mul3A_341 = arith.constant 128 : i32
      %mul3A_342 = arith.muli %scan3A_251, %mul3A_341 : i32
      %add3A_343 = arith.constant 96 : i32
      %add3A_344 = arith.addi %mul3A_342, %add3A_343 : i32
      %swap3A_345 = arith.constant 0 : i32
      %swap3A_346 = arith.index_cast %swap3A_345 : i32 to index
      %swap3A_347 = arith.index_cast %add3A_344 : i32 to index
      %swap3A_348 = tpu.vector_load %arg8[%swap3A_346, %swap3A_347] {strides = array<i32>} : memref<1x4096xf32, #tpu.memory_space<vmem>>, vector<16xf32>,
      tpu.vector_store %arg8[%swap3A_346, %swap3A_347], %gather3A_292 {strides = array<i32>} : memref<1x4096xf32, #tpu.memory_space<vmem>>, vector<16xf32>,
      %mul3A_349 = arith.constant 128 : i32
      %mul3A_350 = arith.muli %scan3A_251, %mul3A_349 : i32
      %add3A_351 = arith.constant 112 : i32
      %add3A_352 = arith.addi %mul3A_350, %add3A_351 : i32
      %swap3A_353 = arith.constant 0 : i32
      %swap3A_354 = arith.index_cast %swap3A_353 : i32 to index
      %swap3A_355 = arith.index_cast %add3A_352 : i32 to index
      %swap3A_356 = tpu.vector_load %arg8[%swap3A_354, %swap3A_355] {strides = array<i32>} : memref<1x4096xf32, #tpu.memory_space<vmem>>, vector<16xf32>,
      tpu.vector_store %arg8[%swap3A_354, %swap3A_355], %gather3A_293 {strides = array<i32>} : memref<1x4096xf32, #tpu.memory_space<vmem>>, vector<16xf32>,
      %scan3A_357 = arith.constant 1 : i32
      %scan3A_358 = arith.addi %scan3A_251, %scan3A_357 : i32
      %mul3A_359 = arith.constant 128 : i32
      %mul3A_360 = arith.muli %scan3A_358, %mul3A_359 : i32
      %add3A_361 = arith.constant 0 : i32
      %add3A_362 = arith.addi %add3A_361, %mul3A_360 : i32
      %add3A_363 = arith.constant 0 : i32
      %add3A_364 = arith.addi %add3A_362, %add3A_363 : i32
      %get3A_365 = arith.index_cast %add3A_364 : i32 to index
      %get3A_366 = tpu.vector_load %arg7[%get3A_365] {strides = array<i32>} : memref<16384xi32, #tpu.memory_space<vmem>>, vector<16xi32>,
      %add3A_367 = arith.constant 16 : i32
      %add3A_368 = arith.addi %add3A_362, %add3A_367 : i32
      %get3A_369 = arith.index_cast %add3A_368 : i32 to index
      %get3A_370 = tpu.vector_load %arg7[%get3A_369] {strides = array<i32>} : memref<16384xi32, #tpu.memory_space<vmem>>, vector<16xi32>,
      %add3A_371 = arith.constant 32 : i32
      %add3A_372 = arith.addi %add3A_362, %add3A_371 : i32
      %get3A_373 = arith.index_cast %add3A_372 : i32 to index
      %get3A_374 = tpu.vector_load %arg7[%get3A_373] {strides = array<i32>} : memref<16384xi32, #tpu.memory_space<vmem>>, vector<16xi32>,
      %add3A_375 = arith.constant 48 : i32
      %add3A_376 = arith.addi %add3A_362, %add3A_375 : i32
      %get3A_377 = arith.index_cast %add3A_376 : i32 to index
      %get3A_378 = tpu.vector_load %arg7[%get3A_377] {strides = array<i32>} : memref<16384xi32, #tpu.memory_space<vmem>>, vector<16xi32>,
      %add3A_379 = arith.constant 64 : i32
      %add3A_380 = arith.addi %add3A_362, %add3A_379 : i32
      %get3A_381 = arith.index_cast %add3A_380 : i32 to index
      %get3A_382 = tpu.vector_load %arg7[%get3A_381] {strides = array<i32>} : memref<16384xi32, #tpu.memory_space<vmem>>, vector<16xi32>,
      %add3A_383 = arith.constant 80 : i32
      %add3A_384 = arith.addi %add3A_362, %add3A_383 : i32
      %get3A_385 = arith.index_cast %add3A_384 : i32 to index
      %get3A_386 = tpu.vector_load %arg7[%get3A_385] {strides = array<i32>} : memref<16384xi32, #tpu.memory_space<vmem>>, vector<16xi32>,
      %add3A_387 = arith.constant 96 : i32
      %add3A_388 = arith.addi %add3A_362, %add3A_387 : i32
      %get3A_389 = arith.index_cast %add3A_388 : i32 to index
      %get3A_390 = tpu.vector_load %arg7[%get3A_389] {strides = array<i32>} : memref<16384xi32, #tpu.memory_space<vmem>>, vector<16xi32>,
      %add3A_391 = arith.constant 112 : i32
      %add3A_392 = arith.addi %add3A_362, %add3A_391 : i32
      %get3A_393 = arith.index_cast %add3A_392 : i32 to index
      %get3A_394 = tpu.vector_load %arg7[%get3A_393] {strides = array<i32>} : memref<16384xi32, #tpu.memory_space<vmem>>, vector<16xi32>,
      %gather3A_395 = tpu.vector_load_idx %arg6[%broadcast_in_dim3A_1, %get3A_366] : memref<1x100096xf32, #tpu.memory_space<vmem>>[vector<16xi32>, vector<16xi32>], vector<16xf32>,
      %gather3A_396 = tpu.vector_load_idx %arg6[%broadcast_in_dim3A_1, %get3A_370] : memref<1x100096xf32, #tpu.memory_space<vmem>>[vector<16xi32>, vector<16xi32>], vector<16xf32>,
      %gather3A_397 = tpu.vector_load_idx %arg6[%broadcast_in_dim3A_1, %get3A_374] : memref<1x100096xf32, #tpu.memory_space<vmem>>[vector<16xi32>, vector<16xi32>], vector<16xf32>,
      %gather3A_398 = tpu.vector_load_idx %arg6[%broadcast_in_dim3A_1, %get3A_378] : memref<1x100096xf32, #tpu.memory_space<vmem>>[vector<16xi32>, vector<16xi32>], vector<16xf32>,
      %gather3A_399 = tpu.vector_load_idx %arg6[%broadcast_in_dim3A_1, %get3A_382] : memref<1x100096xf32, #tpu.memory_space<vmem>>[vector<16xi32>, vector<16xi32>], vector<16xf32>,
      %gather3A_400 = tpu.vector_load_idx %arg6[%broadcast_in_dim3A_1, %get3A_386] : memref<1x100096xf32, #tpu.memory_space<vmem>>[vector<16xi32>, vector<16xi32>], vector<16xf32>,
      %gather3A_401 = tpu.vector_load_idx %arg6[%broadcast_in_dim3A_1, %get3A_390] : memref<1x100096xf32, #tpu.memory_space<vmem>>[vector<16xi32>, vector<16xi32>], vector<16xf32>,
      %gather3A_402 = tpu.vector_load_idx %arg6[%broadcast_in_dim3A_1, %get3A_394] : memref<1x100096xf32, #tpu.memory_space<vmem>>[vector<16xi32>, vector<16xi32>], vector<16xf32>,
      %mul3A_403 = arith.constant 128 : i32
      %mul3A_404 = arith.muli %scan3A_358, %mul3A_403 : i32
      %add3A_405 = arith.constant 0 : i32
      %add3A_406 = arith.addi %mul3A_404, %add3A_405 : i32
      %swap3A_407 = arith.constant 0 : i32
      %swap3A_408 = arith.index_cast %swap3A_407 : i32 to index
      %swap3A_409 = arith.index_cast %add3A_406 : i32 to index
      %swap3A_410 = tpu.vector_load %arg8[%swap3A_408, %swap3A_409] {strides = array<i32>} : memref<1x4096xf32, #tpu.memory_space<vmem>>, vector<16xf32>,
      tpu.vector_store %arg8[%swap3A_408, %swap3A_409], %gather3A_395 {strides = array<i32>} : memref<1x4096xf32, #tpu.memory_space<vmem>>, vector<16xf32>,
      %mul3A_411 = arith.constant 128 : i32
      %mul3A_412 = arith.muli %scan3A_358, %mul3A_411 : i32
      %add3A_413 = arith.constant 16 : i32
      %add3A_414 = arith.addi %mul3A_412, %add3A_413 : i32
      %swap3A_415 = arith.constant 0 : i32
      %swap3A_416 = arith.index_cast %swap3A_415 : i32 to index
      %swap3A_417 = arith.index_cast %add3A_414 : i32 to index
      %swap3A_418 = tpu.vector_load %arg8[%swap3A_416, %swap3A_417] {strides = array<i32>} : memref<1x4096xf32, #tpu.memory_space<vmem>>, vector<16xf32>,
      tpu.vector_store %arg8[%swap3A_416, %swap3A_417], %gather3A_396 {strides = array<i32>} : memref<1x4096xf32, #tpu.memory_space<vmem>>, vector<16xf32>,
      %mul3A_419 = arith.constant 128 : i32
      %mul3A_420 = arith.muli %scan3A_358, %mul3A_419 : i32
      %add3A_421 = arith.constant 32 : i32
      %add3A_422 = arith.addi %mul3A_420, %add3A_421 : i32
      %swap3A_423 = arith.constant 0 : i32
      %swap3A_424 = arith.index_cast %swap3A_423 : i32 to index
      %swap3A_425 = arith.index_cast %add3A_422 : i32 to index
      %swap3A_426 = tpu.vector_load %arg8[%swap3A_424, %swap3A_425] {strides = array<i32>} : memref<1x4096xf32, #tpu.memory_space<vmem>>, vector<16xf32>,
      tpu.vector_store %arg8[%swap3A_424, %swap3A_425], %gather3A_397 {strides = array<i32>} : memref<1x4096xf32, #tpu.memory_space<vmem>>, vector<16xf32>,
      %mul3A_427 = arith.constant 128 : i32
      %mul3A_428 = arith.muli %scan3A_358, %mul3A_427 : i32
      %add3A_429 = arith.constant 48 : i32
      %add3A_430 = arith.addi %mul3A_428, %add3A_429 : i32
      %swap3A_431 = arith.constant 0 : i32
      %swap3A_432 = arith.index_cast %swap3A_431 : i32 to index
      %swap3A_433 = arith.index_cast %add3A_430 : i32 to index
      %swap3A_434 = tpu.vector_load %arg8[%swap3A_432, %swap3A_433] {strides = array<i32>} : memref<1x4096xf32, #tpu.memory_space<vmem>>, vector<16xf32>,
      tpu.vector_store %arg8[%swap3A_432, %swap3A_433], %gather3A_398 {strides = array<i32>} : memref<1x4096xf32, #tpu.memory_space<vmem>>, vector<16xf32>,
      %mul3A_435 = arith.constant 128 : i32
      %mul3A_436 = arith.muli %scan3A_358, %mul3A_435 : i32
      %add3A_437 = arith.constant 64 : i32
      %add3A_438 = arith.addi %mul3A_436, %add3A_437 : i32
      %swap3A_439 = arith.constant 0 : i32
      %swap3A_440 = arith.index_cast %swap3A_439 : i32 to index
      %swap3A_441 = arith.index_cast %add3A_438 : i32 to index
      %swap3A_442 = tpu.vector_load %arg8[%swap3A_440, %swap3A_441] {strides = array<i32>} : memref<1x4096xf32, #tpu.memory_space<vmem>>, vector<16xf32>,
      tpu.vector_store %arg8[%swap3A_440, %swap3A_441], %gather3A_399 {strides = array<i32>} : memref<1x4096xf32, #tpu.memory_space<vmem>>, vector<16xf32>,
      %mul3A_443 = arith.constant 128 : i32
      %mul3A_444 = arith.muli %scan3A_358, %mul3A_443 : i32
      %add3A_445 = arith.constant 80 : i32
      %add3A_446 = arith.addi %mul3A_444, %add3A_445 : i32
      %swap3A_447 = arith.constant 0 : i32
      %swap3A_448 = arith.index_cast %swap3A_447 : i32 to index
      %swap3A_449 = arith.index_cast %add3A_446 : i32 to index
      %swap3A_450 = tpu.vector_load %arg8[%swap3A_448, %swap3A_449] {strides = array<i32>} : memref<1x4096xf32, #tpu.memory_space<vmem>>, vector<16xf32>,
      tpu.vector_store %arg8[%swap3A_448, %swap3A_449], %gather3A_400 {strides = array<i32>} : memref<1x4096xf32, #tpu.memory_space<vmem>>, vector<16xf32>,
      %mul3A_451 = arith.constant 128 : i32
      %mul3A_452 = arith.muli %scan3A_358, %mul3A_451 : i32
      %add3A_453 = arith.constant 96 : i32
      %add3A_454 = arith.addi %mul3A_452, %add3A_453 : i32
      %swap3A_455 = arith.constant 0 : i32
      %swap3A_456 = arith.index_cast %swap3A_455 : i32 to index
      %swap3A_457 = arith.index_cast %add3A_454 : i32 to index
      %swap3A_458 = tpu.vector_load %arg8[%swap3A_456, %swap3A_457] {strides = array<i32>} : memref<1x4096xf32, #tpu.memory_space<vmem>>, vector<16xf32>,
      tpu.vector_store %arg8[%swap3A_456, %swap3A_457], %gather3A_401 {strides = array<i32>} : memref<1x4096xf32, #tpu.memory_space<vmem>>, vector<16xf32>,
      %mul3A_459 = arith.constant 128 : i32
      %mul3A_460 = arith.muli %scan3A_358, %mul3A_459 : i32
      %add3A_461 = arith.constant 112 : i32
      %add3A_462 = arith.addi %mul3A_460, %add3A_461 : i32
      %swap3A_463 = arith.constant 0 : i32
      %swap3A_464 = arith.index_cast %swap3A_463 : i32 to index
      %swap3A_465 = arith.index_cast %add3A_462 : i32 to index
      %swap3A_466 = tpu.vector_load %arg8[%swap3A_464, %swap3A_465] {strides = array<i32>} : memref<1x4096xf32, #tpu.memory_space<vmem>>, vector<16xf32>,
      tpu.vector_store %arg8[%swap3A_464, %swap3A_465], %gather3A_402 {strides = array<i32>} : memref<1x4096xf32, #tpu.memory_space<vmem>>, vector<16xf32>,
    }
    %scan3A_74 = arith.constant 32 : i32
    %dma_start3A_75 = arith.constant 0 : i32
    %dma_start3A_76 = tpu.memref_slice %arg5[%add3A_34, %dma_start3A_75] : memref<64x16384xf32, #tpu.memory_space<hbm>> -> memref<1x4096xf32, #tpu.memory_space<hbm>>
    %dma_start3A_77 = arith.constant 0 : i32
    %dma_start3A_78 = tpu.memref_slice %arg5[%add3A_34, %dma_start3A_77] : memref<64x16384xf32, #tpu.memory_space<hbm>> -> memref<1x4096xf32, #tpu.memory_space<hbm>>
    tpu.enqueue_dma source(%arg8 : memref<1x4096xf32, #tpu.memory_space<vmem>>) target(%dma_start3A_78 : memref<1x4096xf32, #tpu.memory_space<hbm>>) target_semaphore(%arg11 : memref<!tpu.dma_semaphore, #tpu.memory_space<semaphore_mem>>)
    %scan3A_79 = arith.constant 0 : i32
    %scan3A_80 = arith.constant 0 : i32
    %scan3A_81 = arith.constant 32 : i32
    %scan3A_82 = arith.addi %scan3A_80, %scan3A_81 : i32
    %scan3A_83 = arith.constant 2 : i32
    scf.for %scan3A_251 = %scan3A_80 to %scan3A_82 step %scan3A_83  : i32 {
      %mul3A_252 = arith.constant 128 : i32
      %mul3A_253 = arith.muli %scan3A_251, %mul3A_252 : i32
      %add3A_254 = arith.constant 4096 : i32
      %add3A_255 = arith.addi %add3A_254, %mul3A_253 : i32
      %add3A_256 = arith.constant 0 : i32
      %add3A_257 = arith.addi %add3A_255, %add3A_256 : i32
      %get3A = arith.index_cast %add3A_257 : i32 to index
      %get3A_258 = tpu.vector_load %arg7[%get3A] {strides = array<i32>} : memref<16384xi32, #tpu.memory_space<vmem>>, vector<16xi32>,
      %add3A_259 = arith.constant 16 : i32
      %add3A_260 = arith.addi %add3A_255, %add3A_259 : i32
      %get3A_261 = arith.index_cast %add3A_260 : i32 to index
      %get3A_262 = tpu.vector_load %arg7[%get3A_261] {strides = array<i32>} : memref<16384xi32, #tpu.memory_space<vmem>>, vector<16xi32>,
      %add3A_263 = arith.constant 32 : i32
      %add3A_264 = arith.addi %add3A_255, %add3A_263 : i32
      %get3A_265 = arith.index_cast %add3A_264 : i32 to index
      %get3A_266 = tpu.vector_load %arg7[%get3A_265] {strides = array<i32>} : memref<16384xi32, #tpu.memory_space<vmem>>, vector<16xi32>,
      %add3A_267 = arith.constant 48 : i32
      %add3A_268 = arith.addi %add3A_255, %add3A_267 : i32
      %get3A_269 = arith.index_cast %add3A_268 : i32 to index
      %get3A_270 = tpu.vector_load %arg7[%get3A_269] {strides = array<i32>} : memref<16384xi32, #tpu.memory_space<vmem>>, vector<16xi32>,
      %add3A_271 = arith.constant 64 : i32
      %add3A_272 = arith.addi %add3A_255, %add3A_271 : i32
      %get3A_273 = arith.index_cast %add3A_272 : i32 to index
      %get3A_274 = tpu.vector_load %arg7[%get3A_273] {strides = array<i32>} : memref<16384xi32, #tpu.memory_space<vmem>>, vector<16xi32>,
      %add3A_275 = arith.constant 80 : i32
      %add3A_276 = arith.addi %add3A_255, %add3A_275 : i32
      %get3A_277 = arith.index_cast %add3A_276 : i32 to index
      %get3A_278 = tpu.vector_load %arg7[%get3A_277] {strides = array<i32>} : memref<16384xi32, #tpu.memory_space<vmem>>, vector<16xi32>,
      %add3A_279 = arith.constant 96 : i32
      %add3A_280 = arith.addi %add3A_255, %add3A_279 : i32
      %get3A_281 = arith.index_cast %add3A_280 : i32 to index
      %get3A_282 = tpu.vector_load %arg7[%get3A_281] {strides = array<i32>} : memref<16384xi32, #tpu.memory_space<vmem>>, vector<16xi32>,
      %add3A_283 = arith.constant 112 : i32
      %add3A_284 = arith.addi %add3A_255, %add3A_283 : i32
      %get3A_285 = arith.index_cast %add3A_284 : i32 to index
      %get3A_286 = tpu.vector_load %arg7[%get3A_285] {strides = array<i32>} : memref<16384xi32, #tpu.memory_space<vmem>>, vector<16xi32>,
      %gather3A = tpu.vector_load_idx %arg6[%broadcast_in_dim3A_1, %get3A_258] : memref<1x100096xf32, #tpu.memory_space<vmem>>[vector<16xi32>, vector<16xi32>], vector<16xf32>,
      %gather3A_287 = tpu.vector_load_idx %arg6[%broadcast_in_dim3A_1, %get3A_262] : memref<1x100096xf32, #tpu.memory_space<vmem>>[vector<16xi32>, vector<16xi32>], vector<16xf32>,
      %gather3A_288 = tpu.vector_load_idx %arg6[%broadcast_in_dim3A_1, %get3A_266] : memref<1x100096xf32, #tpu.memory_space<vmem>>[vector<16xi32>, vector<16xi32>], vector<16xf32>,
      %gather3A_289 = tpu.vector_load_idx %arg6[%broadcast_in_dim3A_1, %get3A_270] : memref<1x100096xf32, #tpu.memory_space<vmem>>[vector<16xi32>, vector<16xi32>], vector<16xf32>,
      %gather3A_290 = tpu.vector_load_idx %arg6[%broadcast_in_dim3A_1, %get3A_274] : memref<1x100096xf32, #tpu.memory_space<vmem>>[vector<16xi32>, vector<16xi32>], vector<16xf32>,
      %gather3A_291 = tpu.vector_load_idx %arg6[%broadcast_in_dim3A_1, %get3A_278] : memref<1x100096xf32, #tpu.memory_space<vmem>>[vector<16xi32>, vector<16xi32>], vector<16xf32>,
      %gather3A_292 = tpu.vector_load_idx %arg6[%broadcast_in_dim3A_1, %get3A_282] : memref<1x100096xf32, #tpu.memory_space<vmem>>[vector<16xi32>, vector<16xi32>], vector<16xf32>,
      %gather3A_293 = tpu.vector_load_idx %arg6[%broadcast_in_dim3A_1, %get3A_286] : memref<1x100096xf32, #tpu.memory_space<vmem>>[vector<16xi32>, vector<16xi32>], vector<16xf32>,
      %mul3A_294 = arith.constant 128 : i32
      %mul3A_295 = arith.muli %scan3A_251, %mul3A_294 : i32
      %add3A_296 = arith.constant 0 : i32
      %add3A_297 = arith.addi %mul3A_295, %add3A_296 : i32
      %swap3A = arith.constant 0 : i32
      %swap3A_298 = arith.index_cast %swap3A : i32 to index
      %swap3A_299 = arith.index_cast %add3A_297 : i32 to index
      %swap3A_300 = tpu.vector_load %arg9[%swap3A_298, %swap3A_299] {strides = array<i32>} : memref<1x4096xf32, #tpu.memory_space<vmem>>, vector<16xf32>,
      tpu.vector_store %arg9[%swap3A_298, %swap3A_299], %gather3A {strides = array<i32>} : memref<1x4096xf32, #tpu.memory_space<vmem>>, vector<16xf32>,
      %mul3A_301 = arith.constant 128 : i32
      %mul3A_302 = arith.muli %scan3A_251, %mul3A_301 : i32
      %add3A_303 = arith.constant 16 : i32
      %add3A_304 = arith.addi %mul3A_302, %add3A_303 : i32
      %swap3A_305 = arith.constant 0 : i32
      %swap3A_306 = arith.index_cast %swap3A_305 : i32 to index
      %swap3A_307 = arith.index_cast %add3A_304 : i32 to index
      %swap3A_308 = tpu.vector_load %arg9[%swap3A_306, %swap3A_307] {strides = array<i32>} : memref<1x4096xf32, #tpu.memory_space<vmem>>, vector<16xf32>,
      tpu.vector_store %arg9[%swap3A_306, %swap3A_307], %gather3A_287 {strides = array<i32>} : memref<1x4096xf32, #tpu.memory_space<vmem>>, vector<16xf32>,
      %mul3A_309 = arith.constant 128 : i32
      %mul3A_310 = arith.muli %scan3A_251, %mul3A_309 : i32
      %add3A_311 = arith.constant 32 : i32
      %add3A_312 = arith.addi %mul3A_310, %add3A_311 : i32
      %swap3A_313 = arith.constant 0 : i32
      %swap3A_314 = arith.index_cast %swap3A_313 : i32 to index
      %swap3A_315 = arith.index_cast %add3A_312 : i32 to index
      %swap3A_316 = tpu.vector_load %arg9[%swap3A_314, %swap3A_315] {strides = array<i32>} : memref<1x4096xf32, #tpu.memory_space<vmem>>, vector<16xf32>,
      tpu.vector_store %arg9[%swap3A_314, %swap3A_315], %gather3A_288 {strides = array<i32>} : memref<1x4096xf32, #tpu.memory_space<vmem>>, vector<16xf32>,
      %mul3A_317 = arith.constant 128 : i32
      %mul3A_318 = arith.muli %scan3A_251, %mul3A_317 : i32
      %add3A_319 = arith.constant 48 : i32
      %add3A_320 = arith.addi %mul3A_318, %add3A_319 : i32
      %swap3A_321 = arith.constant 0 : i32
      %swap3A_322 = arith.index_cast %swap3A_321 : i32 to index
      %swap3A_323 = arith.index_cast %add3A_320 : i32 to index
      %swap3A_324 = tpu.vector_load %arg9[%swap3A_322, %swap3A_323] {strides = array<i32>} : memref<1x4096xf32, #tpu.memory_space<vmem>>, vector<16xf32>,
      tpu.vector_store %arg9[%swap3A_322, %swap3A_323], %gather3A_289 {strides = array<i32>} : memref<1x4096xf32, #tpu.memory_space<vmem>>, vector<16xf32>,
      %mul3A_325 = arith.constant 128 : i32
      %mul3A_326 = arith.muli %scan3A_251, %mul3A_325 : i32
      %add3A_327 = arith.constant 64 : i32
      %add3A_328 = arith.addi %mul3A_326, %add3A_327 : i32
      %swap3A_329 = arith.constant 0 : i32
      %swap3A_330 = arith.index_cast %swap3A_329 : i32 to index
      %swap3A_331 = arith.index_cast %add3A_328 : i32 to index
      %swap3A_332 = tpu.vector_load %arg9[%swap3A_330, %swap3A_331] {strides = array<i32>} : memref<1x4096xf32, #tpu.memory_space<vmem>>, vector<16xf32>,
      tpu.vector_store %arg9[%swap3A_330, %swap3A_331], %gather3A_290 {strides = array<i32>} : memref<1x4096xf32, #tpu.memory_space<vmem>>, vector<16xf32>,
      %mul3A_333 = arith.constant 128 : i32
      %mul3A_334 = arith.muli %scan3A_251, %mul3A_333 : i32
      %add3A_335 = arith.constant 80 : i32
      %add3A_336 = arith.addi %mul3A_334, %add3A_335 : i32
      %swap3A_337 = arith.constant 0 : i32
      %swap3A_338 = arith.index_cast %swap3A_337 : i32 to index
      %swap3A_339 = arith.index_cast %add3A_336 : i32 to index
      %swap3A_340 = tpu.vector_load %arg9[%swap3A_338, %swap3A_339] {strides = array<i32>} : memref<1x4096xf32, #tpu.memory_space<vmem>>, vector<16xf32>,
      tpu.vector_store %arg9[%swap3A_338, %swap3A_339], %gather3A_291 {strides = array<i32>} : memref<1x4096xf32, #tpu.memory_space<vmem>>, vector<16xf32>,
      %mul3A_341 = arith.constant 128 : i32
      %mul3A_342 = arith.muli %scan3A_251, %mul3A_341 : i32
      %add3A_343 = arith.constant 96 : i32
      %add3A_344 = arith.addi %mul3A_342, %add3A_343 : i32
      %swap3A_345 = arith.constant 0 : i32
      %swap3A_346 = arith.index_cast %swap3A_345 : i32 to index
      %swap3A_347 = arith.index_cast %add3A_344 : i32 to index
      %swap3A_348 = tpu.vector_load %arg9[%swap3A_346, %swap3A_347] {strides = array<i32>} : memref<1x4096xf32, #tpu.memory_space<vmem>>, vector<16xf32>,
      tpu.vector_store %arg9[%swap3A_346, %swap3A_347], %gather3A_292 {strides = array<i32>} : memref<1x4096xf32, #tpu.memory_space<vmem>>, vector<16xf32>,
      %mul3A_349 = arith.constant 128 : i32
      %mul3A_350 = arith.muli %scan3A_251, %mul3A_349 : i32
      %add3A_351 = arith.constant 112 : i32
      %add3A_352 = arith.addi %mul3A_350, %add3A_351 : i32
      %swap3A_353 = arith.constant 0 : i32
      %swap3A_354 = arith.index_cast %swap3A_353 : i32 to index
      %swap3A_355 = arith.index_cast %add3A_352 : i32 to index
      %swap3A_356 = tpu.vector_load %arg9[%swap3A_354, %swap3A_355] {strides = array<i32>} : memref<1x4096xf32, #tpu.memory_space<vmem>>, vector<16xf32>,
      tpu.vector_store %arg9[%swap3A_354, %swap3A_355], %gather3A_293 {strides = array<i32>} : memref<1x4096xf32, #tpu.memory_space<vmem>>, vector<16xf32>,
      %scan3A_357 = arith.constant 1 : i32
      %scan3A_358 = arith.addi %scan3A_251, %scan3A_357 : i32
      %mul3A_359 = arith.constant 128 : i32
      %mul3A_360 = arith.muli %scan3A_358, %mul3A_359 : i32
      %add3A_361 = arith.constant 4096 : i32
      %add3A_362 = arith.addi %add3A_361, %mul3A_360 : i32
      %add3A_363 = arith.constant 0 : i32
      %add3A_364 = arith.addi %add3A_362, %add3A_363 : i32
      %get3A_365 = arith.index_cast %add3A_364 : i32 to index
      %get3A_366 = tpu.vector_load %arg7[%get3A_365] {strides = array<i32>} : memref<16384xi32, #tpu.memory_space<vmem>>, vector<16xi32>,
      %add3A_367 = arith.constant 16 : i32
      %add3A_368 = arith.addi %add3A_362, %add3A_367 : i32
      %get3A_369 = arith.index_cast %add3A_368 : i32 to index
      %get3A_370 = tpu.vector_load %arg7[%get3A_369] {strides = array<i32>} : memref<16384xi32, #tpu.memory_space<vmem>>, vector<16xi32>,
      %add3A_371 = arith.constant 32 : i32
      %add3A_372 = arith.addi %add3A_362, %add3A_371 : i32
      %get3A_373 = arith.index_cast %add3A_372 : i32 to index
      %get3A_374 = tpu.vector_load %arg7[%get3A_373] {strides = array<i32>} : memref<16384xi32, #tpu.memory_space<vmem>>, vector<16xi32>,
      %add3A_375 = arith.constant 48 : i32
      %add3A_376 = arith.addi %add3A_362, %add3A_375 : i32
      %get3A_377 = arith.index_cast %add3A_376 : i32 to index
      %get3A_378 = tpu.vector_load %arg7[%get3A_377] {strides = array<i32>} : memref<16384xi32, #tpu.memory_space<vmem>>, vector<16xi32>,
      %add3A_379 = arith.constant 64 : i32
      %add3A_380 = arith.addi %add3A_362, %add3A_379 : i32
      %get3A_381 = arith.index_cast %add3A_380 : i32 to index
      %get3A_382 = tpu.vector_load %arg7[%get3A_381] {strides = array<i32>} : memref<16384xi32, #tpu.memory_space<vmem>>, vector<16xi32>,
      %add3A_383 = arith.constant 80 : i32
      %add3A_384 = arith.addi %add3A_362, %add3A_383 : i32
      %get3A_385 = arith.index_cast %add3A_384 : i32 to index
      %get3A_386 = tpu.vector_load %arg7[%get3A_385] {strides = array<i32>} : memref<16384xi32, #tpu.memory_space<vmem>>, vector<16xi32>,
      %add3A_387 = arith.constant 96 : i32
      %add3A_388 = arith.addi %add3A_362, %add3A_387 : i32
      %get3A_389 = arith.index_cast %add3A_388 : i32 to index
      %get3A_390 = tpu.vector_load %arg7[%get3A_389] {strides = array<i32>} : memref<16384xi32, #tpu.memory_space<vmem>>, vector<16xi32>,
      %add3A_391 = arith.constant 112 : i32
      %add3A_392 = arith.addi %add3A_362, %add3A_391 : i32
      %get3A_393 = arith.index_cast %add3A_392 : i32 to index
      %get3A_394 = tpu.vector_load %arg7[%get3A_393] {strides = array<i32>} : memref<16384xi32, #tpu.memory_space<vmem>>, vector<16xi32>,
      %gather3A_395 = tpu.vector_load_idx %arg6[%broadcast_in_dim3A_1, %get3A_366] : memref<1x100096xf32, #tpu.memory_space<vmem>>[vector<16xi32>, vector<16xi32>], vector<16xf32>,
      %gather3A_396 = tpu.vector_load_idx %arg6[%broadcast_in_dim3A_1, %get3A_370] : memref<1x100096xf32, #tpu.memory_space<vmem>>[vector<16xi32>, vector<16xi32>], vector<16xf32>,
      %gather3A_397 = tpu.vector_load_idx %arg6[%broadcast_in_dim3A_1, %get3A_374] : memref<1x100096xf32, #tpu.memory_space<vmem>>[vector<16xi32>, vector<16xi32>], vector<16xf32>,
      %gather3A_398 = tpu.vector_load_idx %arg6[%broadcast_in_dim3A_1, %get3A_378] : memref<1x100096xf32, #tpu.memory_space<vmem>>[vector<16xi32>, vector<16xi32>], vector<16xf32>,
      %gather3A_399 = tpu.vector_load_idx %arg6[%broadcast_in_dim3A_1, %get3A_382] : memref<1x100096xf32, #tpu.memory_space<vmem>>[vector<16xi32>, vector<16xi32>], vector<16xf32>,
      %gather3A_400 = tpu.vector_load_idx %arg6[%broadcast_in_dim3A_1, %get3A_386] : memref<1x100096xf32, #tpu.memory_space<vmem>>[vector<16xi32>, vector<16xi32>], vector<16xf32>,
      %gather3A_401 = tpu.vector_load_idx %arg6[%broadcast_in_dim3A_1, %get3A_390] : memref<1x100096xf32, #tpu.memory_space<vmem>>[vector<16xi32>, vector<16xi32>], vector<16xf32>,
      %gather3A_402 = tpu.vector_load_idx %arg6[%broadcast_in_dim3A_1, %get3A_394] : memref<1x100096xf32, #tpu.memory_space<vmem>>[vector<16xi32>, vector<16xi32>], vector<16xf32>,
      %mul3A_403 = arith.constant 128 : i32
      %mul3A_404 = arith.muli %scan3A_358, %mul3A_403 : i32
      %add3A_405 = arith.constant 0 : i32
      %add3A_406 = arith.addi %mul3A_404, %add3A_405 : i32
      %swap3A_407 = arith.constant 0 : i32
      %swap3A_408 = arith.index_cast %swap3A_407 : i32 to index
      %swap3A_409 = arith.index_cast %add3A_406 : i32 to index
      %swap3A_410 = tpu.vector_load %arg9[%swap3A_408, %swap3A_409] {strides = array<i32>} : memref<1x4096xf32, #tpu.memory_space<vmem>>, vector<16xf32>,
      tpu.vector_store %arg9[%swap3A_408, %swap3A_409], %gather3A_395 {strides = array<i32>} : memref<1x4096xf32, #tpu.memory_space<vmem>>, vector<16xf32>,
      %mul3A_411 = arith.constant 128 : i32
      %mul3A_412 = arith.muli %scan3A_358, %mul3A_411 : i32
      %add3A_413 = arith.constant 16 : i32
      %add3A_414 = arith.addi %mul3A_412, %add3A_413 : i32
      %swap3A_415 = arith.constant 0 : i32
      %swap3A_416 = arith.index_cast %swap3A_415 : i32 to index
      %swap3A_417 = arith.index_cast %add3A_414 : i32 to index
      %swap3A_418 = tpu.vector_load %arg9[%swap3A_416, %swap3A_417] {strides = array<i32>} : memref<1x4096xf32, #tpu.memory_space<vmem>>, vector<16xf32>,
      tpu.vector_store %arg9[%swap3A_416, %swap3A_417], %gather3A_396 {strides = array<i32>} : memref<1x4096xf32, #tpu.memory_space<vmem>>, vector<16xf32>,
      %mul3A_419 = arith.constant 128 : i32
      %mul3A_420 = arith.muli %scan3A_358, %mul3A_419 : i32
      %add3A_421 = arith.constant 32 : i32
      %add3A_422 = arith.addi %mul3A_420, %add3A_421 : i32
      %swap3A_423 = arith.constant 0 : i32
      %swap3A_424 = arith.index_cast %swap3A_423 : i32 to index
      %swap3A_425 = arith.index_cast %add3A_422 : i32 to index
      %swap3A_426 = tpu.vector_load %arg9[%swap3A_424, %swap3A_425] {strides = array<i32>} : memref<1x4096xf32, #tpu.memory_space<vmem>>, vector<16xf32>,
      tpu.vector_store %arg9[%swap3A_424, %swap3A_425], %gather3A_397 {strides = array<i32>} : memref<1x4096xf32, #tpu.memory_space<vmem>>, vector<16xf32>,
      %mul3A_427 = arith.constant 128 : i32
      %mul3A_428 = arith.muli %scan3A_358, %mul3A_427 : i32
      %add3A_429 = arith.constant 48 : i32
      %add3A_430 = arith.addi %mul3A_428, %add3A_429 : i32
      %swap3A_431 = arith.constant 0 : i32
      %swap3A_432 = arith.index_cast %swap3A_431 : i32 to index
      %swap3A_433 = arith.index_cast %add3A_430 : i32 to index
      %swap3A_434 = tpu.vector_load %arg9[%swap3A_432, %swap3A_433] {strides = array<i32>} : memref<1x4096xf32, #tpu.memory_space<vmem>>, vector<16xf32>,
      tpu.vector_store %arg9[%swap3A_432, %swap3A_433], %gather3A_398 {strides = array<i32>} : memref<1x4096xf32, #tpu.memory_space<vmem>>, vector<16xf32>,
      %mul3A_435 = arith.constant 128 : i32
      %mul3A_436 = arith.muli %scan3A_358, %mul3A_435 : i32
      %add3A_437 = arith.constant 64 : i32
      %add3A_438 = arith.addi %mul3A_436, %add3A_437 : i32
      %swap3A_439 = arith.constant 0 : i32
      %swap3A_440 = arith.index_cast %swap3A_439 : i32 to index
      %swap3A_441 = arith.index_cast %add3A_438 : i32 to index
      %swap3A_442 = tpu.vector_load %arg9[%swap3A_440, %swap3A_441] {strides = array<i32>} : memref<1x4096xf32, #tpu.memory_space<vmem>>, vector<16xf32>,
      tpu.vector_store %arg9[%swap3A_440, %swap3A_441], %gather3A_399 {strides = array<i32>} : memref<1x4096xf32, #tpu.memory_space<vmem>>, vector<16xf32>,
      %mul3A_443 = arith.constant 128 : i32
      %mul3A_444 = arith.muli %scan3A_358, %mul3A_443 : i32
      %add3A_445 = arith.constant 80 : i32
      %add3A_446 = arith.addi %mul3A_444, %add3A_445 : i32
      %swap3A_447 = arith.constant 0 : i32
      %swap3A_448 = arith.index_cast %swap3A_447 : i32 to index
      %swap3A_449 = arith.index_cast %add3A_446 : i32 to index
      %swap3A_450 = tpu.vector_load %arg9[%swap3A_448, %swap3A_449] {strides = array<i32>} : memref<1x4096xf32, #tpu.memory_space<vmem>>, vector<16xf32>,
      tpu.vector_store %arg9[%swap3A_448, %swap3A_449], %gather3A_400 {strides = array<i32>} : memref<1x4096xf32, #tpu.memory_space<vmem>>, vector<16xf32>,
      %mul3A_451 = arith.constant 128 : i32
      %mul3A_452 = arith.muli %scan3A_358, %mul3A_451 : i32
      %add3A_453 = arith.constant 96 : i32
      %add3A_454 = arith.addi %mul3A_452, %add3A_453 : i32
      %swap3A_455 = arith.constant 0 : i32
      %swap3A_456 = arith.index_cast %swap3A_455 : i32 to index
      %swap3A_457 = arith.index_cast %add3A_454 : i32 to index
      %swap3A_458 = tpu.vector_load %arg9[%swap3A_456, %swap3A_457] {strides = array<i32>} : memref<1x4096xf32, #tpu.memory_space<vmem>>, vector<16xf32>,
      tpu.vector_store %arg9[%swap3A_456, %swap3A_457], %gather3A_401 {strides = array<i32>} : memref<1x4096xf32, #tpu.memory_space<vmem>>, vector<16xf32>,
      %mul3A_459 = arith.constant 128 : i32
      %mul3A_460 = arith.muli %scan3A_358, %mul3A_459 : i32
      %add3A_461 = arith.constant 112 : i32
      %add3A_462 = arith.addi %mul3A_460, %add3A_461 : i32
      %swap3A_463 = arith.constant 0 : i32
      %swap3A_464 = arith.index_cast %swap3A_463 : i32 to index
      %swap3A_465 = arith.index_cast %add3A_462 : i32 to index
      %swap3A_466 = tpu.vector_load %arg9[%swap3A_464, %swap3A_465] {strides = array<i32>} : memref<1x4096xf32, #tpu.memory_space<vmem>>, vector<16xf32>,
      tpu.vector_store %arg9[%swap3A_464, %swap3A_465], %gather3A_402 {strides = array<i32>} : memref<1x4096xf32, #tpu.memory_space<vmem>>, vector<16xf32>,
    }
    %scan3A_84 = arith.constant 32 : i32
    %dma_start3A_85 = arith.constant 4096 : i32
    %dma_start3A_86 = tpu.memref_slice %arg5[%add3A_34, %dma_start3A_85] : memref<64x16384xf32, #tpu.memory_space<hbm>> -> memref<1x4096xf32, #tpu.memory_space<hbm>>
    %dma_start3A_87 = arith.constant 4096 : i32
    %dma_start3A_88 = tpu.memref_slice %arg5[%add3A_34, %dma_start3A_87] : memref<64x16384xf32, #tpu.memory_space<hbm>> -> memref<1x4096xf32, #tpu.memory_space<hbm>>
    tpu.enqueue_dma source(%arg9 : memref<1x4096xf32, #tpu.memory_space<vmem>>) target(%dma_start3A_88 : memref<1x4096xf32, #tpu.memory_space<hbm>>) target_semaphore(%arg12 : memref<!tpu.dma_semaphore, #tpu.memory_space<semaphore_mem>>)
    %dma_wait3A_89 = arith.constant 0 : i32
    %dma_wait3A_90 = tpu.memref_slice %arg5[%add3A_34, %dma_wait3A_89] : memref<64x16384xf32, #tpu.memory_space<hbm>> -> memref<1x4096xf32, #tpu.memory_space<hbm>>
    %dma_wait3A_91 = arith.constant 0 : i32
    %dma_wait3A_92 = tpu.memref_slice %arg5[%add3A_34, %dma_wait3A_91] : memref<64x16384xf32, #tpu.memory_space<hbm>> -> memref<1x4096xf32, #tpu.memory_space<hbm>>
    tpu.wait_dma2 semaphore(%arg11 : memref<!tpu.dma_semaphore, #tpu.memory_space<semaphore_mem>>) src(%arg8 : memref<1x4096xf32, #tpu.memory_space<vmem>>) dst(%dma_wait3A_92 : memref<1x4096xf32, #tpu.memory_space<hbm>>)
    %scan3A_93 = arith.constant 0 : i32
    %scan3A_94 = arith.constant 0 : i32
    %scan3A_95 = arith.constant 32 : i32
    %scan3A_96 = arith.addi %scan3A_94, %scan3A_95 : i32
    %scan3A_97 = arith.constant 2 : i32
    scf.for %scan3A_251 = %scan3A_94 to %scan3A_96 step %scan3A_97  : i32 {
      %mul3A_252 = arith.constant 128 : i32
      %mul3A_253 = arith.muli %scan3A_251, %mul3A_252 : i32
      %add3A_254 = arith.constant 8192 : i32
      %add3A_255 = arith.addi %add3A_254, %mul3A_253 : i32
      %add3A_256 = arith.constant 0 : i32
      %add3A_257 = arith.addi %add3A_255, %add3A_256 : i32
      %get3A = arith.index_cast %add3A_257 : i32 to index
      %get3A_258 = tpu.vector_load %arg7[%get3A] {strides = array<i32>} : memref<16384xi32, #tpu.memory_space<vmem>>, vector<16xi32>,
      %add3A_259 = arith.constant 16 : i32
      %add3A_260 = arith.addi %add3A_255, %add3A_259 : i32
      %get3A_261 = arith.index_cast %add3A_260 : i32 to index
      %get3A_262 = tpu.vector_load %arg7[%get3A_261] {strides = array<i32>} : memref<16384xi32, #tpu.memory_space<vmem>>, vector<16xi32>,
      %add3A_263 = arith.constant 32 : i32
      %add3A_264 = arith.addi %add3A_255, %add3A_263 : i32
      %get3A_265 = arith.index_cast %add3A_264 : i32 to index
      %get3A_266 = tpu.vector_load %arg7[%get3A_265] {strides = array<i32>} : memref<16384xi32, #tpu.memory_space<vmem>>, vector<16xi32>,
      %add3A_267 = arith.constant 48 : i32
      %add3A_268 = arith.addi %add3A_255, %add3A_267 : i32
      %get3A_269 = arith.index_cast %add3A_268 : i32 to index
      %get3A_270 = tpu.vector_load %arg7[%get3A_269] {strides = array<i32>} : memref<16384xi32, #tpu.memory_space<vmem>>, vector<16xi32>,
      %add3A_271 = arith.constant 64 : i32
      %add3A_272 = arith.addi %add3A_255, %add3A_271 : i32
      %get3A_273 = arith.index_cast %add3A_272 : i32 to index
      %get3A_274 = tpu.vector_load %arg7[%get3A_273] {strides = array<i32>} : memref<16384xi32, #tpu.memory_space<vmem>>, vector<16xi32>,
      %add3A_275 = arith.constant 80 : i32
      %add3A_276 = arith.addi %add3A_255, %add3A_275 : i32
      %get3A_277 = arith.index_cast %add3A_276 : i32 to index
      %get3A_278 = tpu.vector_load %arg7[%get3A_277] {strides = array<i32>} : memref<16384xi32, #tpu.memory_space<vmem>>, vector<16xi32>,
      %add3A_279 = arith.constant 96 : i32
      %add3A_280 = arith.addi %add3A_255, %add3A_279 : i32
      %get3A_281 = arith.index_cast %add3A_280 : i32 to index
      %get3A_282 = tpu.vector_load %arg7[%get3A_281] {strides = array<i32>} : memref<16384xi32, #tpu.memory_space<vmem>>, vector<16xi32>,
      %add3A_283 = arith.constant 112 : i32
      %add3A_284 = arith.addi %add3A_255, %add3A_283 : i32
      %get3A_285 = arith.index_cast %add3A_284 : i32 to index
      %get3A_286 = tpu.vector_load %arg7[%get3A_285] {strides = array<i32>} : memref<16384xi32, #tpu.memory_space<vmem>>, vector<16xi32>,
      %gather3A = tpu.vector_load_idx %arg6[%broadcast_in_dim3A_1, %get3A_258] : memref<1x100096xf32, #tpu.memory_space<vmem>>[vector<16xi32>, vector<16xi32>], vector<16xf32>,
      %gather3A_287 = tpu.vector_load_idx %arg6[%broadcast_in_dim3A_1, %get3A_262] : memref<1x100096xf32, #tpu.memory_space<vmem>>[vector<16xi32>, vector<16xi32>], vector<16xf32>,
      %gather3A_288 = tpu.vector_load_idx %arg6[%broadcast_in_dim3A_1, %get3A_266] : memref<1x100096xf32, #tpu.memory_space<vmem>>[vector<16xi32>, vector<16xi32>], vector<16xf32>,
      %gather3A_289 = tpu.vector_load_idx %arg6[%broadcast_in_dim3A_1, %get3A_270] : memref<1x100096xf32, #tpu.memory_space<vmem>>[vector<16xi32>, vector<16xi32>], vector<16xf32>,
      %gather3A_290 = tpu.vector_load_idx %arg6[%broadcast_in_dim3A_1, %get3A_274] : memref<1x100096xf32, #tpu.memory_space<vmem>>[vector<16xi32>, vector<16xi32>], vector<16xf32>,
      %gather3A_291 = tpu.vector_load_idx %arg6[%broadcast_in_dim3A_1, %get3A_278] : memref<1x100096xf32, #tpu.memory_space<vmem>>[vector<16xi32>, vector<16xi32>], vector<16xf32>,
      %gather3A_292 = tpu.vector_load_idx %arg6[%broadcast_in_dim3A_1, %get3A_282] : memref<1x100096xf32, #tpu.memory_space<vmem>>[vector<16xi32>, vector<16xi32>], vector<16xf32>,
      %gather3A_293 = tpu.vector_load_idx %arg6[%broadcast_in_dim3A_1, %get3A_286] : memref<1x100096xf32, #tpu.memory_space<vmem>>[vector<16xi32>, vector<16xi32>], vector<16xf32>,
      %mul3A_294 = arith.constant 128 : i32
      %mul3A_295 = arith.muli %scan3A_251, %mul3A_294 : i32
      %add3A_296 = arith.constant 0 : i32
      %add3A_297 = arith.addi %mul3A_295, %add3A_296 : i32
      %swap3A = arith.constant 0 : i32
      %swap3A_298 = arith.index_cast %swap3A : i32 to index
      %swap3A_299 = arith.index_cast %add3A_297 : i32 to index
      %swap3A_300 = tpu.vector_load %arg8[%swap3A_298, %swap3A_299] {strides = array<i32>} : memref<1x4096xf32, #tpu.memory_space<vmem>>, vector<16xf32>,
      tpu.vector_store %arg8[%swap3A_298, %swap3A_299], %gather3A {strides = array<i32>} : memref<1x4096xf32, #tpu.memory_space<vmem>>, vector<16xf32>,
      %mul3A_301 = arith.constant 128 : i32
      %mul3A_302 = arith.muli %scan3A_251, %mul3A_301 : i32
      %add3A_303 = arith.constant 16 : i32
      %add3A_304 = arith.addi %mul3A_302, %add3A_303 : i32
      %swap3A_305 = arith.constant 0 : i32
      %swap3A_306 = arith.index_cast %swap3A_305 : i32 to index
      %swap3A_307 = arith.index_cast %add3A_304 : i32 to index
      %swap3A_308 = tpu.vector_load %arg8[%swap3A_306, %swap3A_307] {strides = array<i32>} : memref<1x4096xf32, #tpu.memory_space<vmem>>, vector<16xf32>,
      tpu.vector_store %arg8[%swap3A_306, %swap3A_307], %gather3A_287 {strides = array<i32>} : memref<1x4096xf32, #tpu.memory_space<vmem>>, vector<16xf32>,
      %mul3A_309 = arith.constant 128 : i32
      %mul3A_310 = arith.muli %scan3A_251, %mul3A_309 : i32
      %add3A_311 = arith.constant 32 : i32
      %add3A_312 = arith.addi %mul3A_310, %add3A_311 : i32
      %swap3A_313 = arith.constant 0 : i32
      %swap3A_314 = arith.index_cast %swap3A_313 : i32 to index
      %swap3A_315 = arith.index_cast %add3A_312 : i32 to index
      %swap3A_316 = tpu.vector_load %arg8[%swap3A_314, %swap3A_315] {strides = array<i32>} : memref<1x4096xf32, #tpu.memory_space<vmem>>, vector<16xf32>,
      tpu.vector_store %arg8[%swap3A_314, %swap3A_315], %gather3A_288 {strides = array<i32>} : memref<1x4096xf32, #tpu.memory_space<vmem>>, vector<16xf32>,
      %mul3A_317 = arith.constant 128 : i32
      %mul3A_318 = arith.muli %scan3A_251, %mul3A_317 : i32
      %add3A_319 = arith.constant 48 : i32
      %add3A_320 = arith.addi %mul3A_318, %add3A_319 : i32
      %swap3A_321 = arith.constant 0 : i32
      %swap3A_322 = arith.index_cast %swap3A_321 : i32 to index
      %swap3A_323 = arith.index_cast %add3A_320 : i32 to index
      %swap3A_324 = tpu.vector_load %arg8[%swap3A_322, %swap3A_323] {strides = array<i32>} : memref<1x4096xf32, #tpu.memory_space<vmem>>, vector<16xf32>,
      tpu.vector_store %arg8[%swap3A_322, %swap3A_323], %gather3A_289 {strides = array<i32>} : memref<1x4096xf32, #tpu.memory_space<vmem>>, vector<16xf32>,
      %mul3A_325 = arith.constant 128 : i32
      %mul3A_326 = arith.muli %scan3A_251, %mul3A_325 : i32
      %add3A_327 = arith.constant 64 : i32
      %add3A_328 = arith.addi %mul3A_326, %add3A_327 : i32
      %swap3A_329 = arith.constant 0 : i32
      %swap3A_330 = arith.index_cast %swap3A_329 : i32 to index
      %swap3A_331 = arith.index_cast %add3A_328 : i32 to index
      %swap3A_332 = tpu.vector_load %arg8[%swap3A_330, %swap3A_331] {strides = array<i32>} : memref<1x4096xf32, #tpu.memory_space<vmem>>, vector<16xf32>,
      tpu.vector_store %arg8[%swap3A_330, %swap3A_331], %gather3A_290 {strides = array<i32>} : memref<1x4096xf32, #tpu.memory_space<vmem>>, vector<16xf32>,
      %mul3A_333 = arith.constant 128 : i32
      %mul3A_334 = arith.muli %scan3A_251, %mul3A_333 : i32
      %add3A_335 = arith.constant 80 : i32
      %add3A_336 = arith.addi %mul3A_334, %add3A_335 : i32
      %swap3A_337 = arith.constant 0 : i32
      %swap3A_338 = arith.index_cast %swap3A_337 : i32 to index
      %swap3A_339 = arith.index_cast %add3A_336 : i32 to index
      %swap3A_340 = tpu.vector_load %arg8[%swap3A_338, %swap3A_339] {strides = array<i32>} : memref<1x4096xf32, #tpu.memory_space<vmem>>, vector<16xf32>,
      tpu.vector_store %arg8[%swap3A_338, %swap3A_339], %gather3A_291 {strides = array<i32>} : memref<1x4096xf32, #tpu.memory_space<vmem>>, vector<16xf32>,
      %mul3A_341 = arith.constant 128 : i32
      %mul3A_342 = arith.muli %scan3A_251, %mul3A_341 : i32
      %add3A_343 = arith.constant 96 : i32
      %add3A_344 = arith.addi %mul3A_342, %add3A_343 : i32
      %swap3A_345 = arith.constant 0 : i32
      %swap3A_346 = arith.index_cast %swap3A_345 : i32 to index
      %swap3A_347 = arith.index_cast %add3A_344 : i32 to index
      %swap3A_348 = tpu.vector_load %arg8[%swap3A_346, %swap3A_347] {strides = array<i32>} : memref<1x4096xf32, #tpu.memory_space<vmem>>, vector<16xf32>,
      tpu.vector_store %arg8[%swap3A_346, %swap3A_347], %gather3A_292 {strides = array<i32>} : memref<1x4096xf32, #tpu.memory_space<vmem>>, vector<16xf32>,
      %mul3A_349 = arith.constant 128 : i32
      %mul3A_350 = arith.muli %scan3A_251, %mul3A_349 : i32
      %add3A_351 = arith.constant 112 : i32
      %add3A_352 = arith.addi %mul3A_350, %add3A_351 : i32
      %swap3A_353 = arith.constant 0 : i32
      %swap3A_354 = arith.index_cast %swap3A_353 : i32 to index
      %swap3A_355 = arith.index_cast %add3A_352 : i32 to index
      %swap3A_356 = tpu.vector_load %arg8[%swap3A_354, %swap3A_355] {strides = array<i32>} : memref<1x4096xf32, #tpu.memory_space<vmem>>, vector<16xf32>,
      tpu.vector_store %arg8[%swap3A_354, %swap3A_355], %gather3A_293 {strides = array<i32>} : memref<1x4096xf32, #tpu.memory_space<vmem>>, vector<16xf32>,
      %scan3A_357 = arith.constant 1 : i32
      %scan3A_358 = arith.addi %scan3A_251, %scan3A_357 : i32
      %mul3A_359 = arith.constant 128 : i32
      %mul3A_360 = arith.muli %scan3A_358, %mul3A_359 : i32
      %add3A_361 = arith.constant 8192 : i32
      %add3A_362 = arith.addi %add3A_361, %mul3A_360 : i32
      %add3A_363 = arith.constant 0 : i32
      %add3A_364 = arith.addi %add3A_362, %add3A_363 : i32
      %get3A_365 = arith.index_cast %add3A_364 : i32 to index
      %get3A_366 = tpu.vector_load %arg7[%get3A_365] {strides = array<i32>} : memref<16384xi32, #tpu.memory_space<vmem>>, vector<16xi32>,
      %add3A_367 = arith.constant 16 : i32
      %add3A_368 = arith.addi %add3A_362, %add3A_367 : i32
      %get3A_369 = arith.index_cast %add3A_368 : i32 to index
      %get3A_370 = tpu.vector_load %arg7[%get3A_369] {strides = array<i32>} : memref<16384xi32, #tpu.memory_space<vmem>>, vector<16xi32>,
      %add3A_371 = arith.constant 32 : i32
      %add3A_372 = arith.addi %add3A_362, %add3A_371 : i32
      %get3A_373 = arith.index_cast %add3A_372 : i32 to index
      %get3A_374 = tpu.vector_load %arg7[%get3A_373] {strides = array<i32>} : memref<16384xi32, #tpu.memory_space<vmem>>, vector<16xi32>,
      %add3A_375 = arith.constant 48 : i32
      %add3A_376 = arith.addi %add3A_362, %add3A_375 : i32
      %get3A_377 = arith.index_cast %add3A_376 : i32 to index
      %get3A_378 = tpu.vector_load %arg7[%get3A_377] {strides = array<i32>} : memref<16384xi32, #tpu.memory_space<vmem>>, vector<16xi32>,
      %add3A_379 = arith.constant 64 : i32
      %add3A_380 = arith.addi %add3A_362, %add3A_379 : i32
      %get3A_381 = arith.index_cast %add3A_380 : i32 to index
      %get3A_382 = tpu.vector_load %arg7[%get3A_381] {strides = array<i32>} : memref<16384xi32, #tpu.memory_space<vmem>>, vector<16xi32>,
      %add3A_383 = arith.constant 80 : i32
      %add3A_384 = arith.addi %add3A_362, %add3A_383 : i32
      %get3A_385 = arith.index_cast %add3A_384 : i32 to index
      %get3A_386 = tpu.vector_load %arg7[%get3A_385] {strides = array<i32>} : memref<16384xi32, #tpu.memory_space<vmem>>, vector<16xi32>,
      %add3A_387 = arith.constant 96 : i32
      %add3A_388 = arith.addi %add3A_362, %add3A_387 : i32
      %get3A_389 = arith.index_cast %add3A_388 : i32 to index
      %get3A_390 = tpu.vector_load %arg7[%get3A_389] {strides = array<i32>} : memref<16384xi32, #tpu.memory_space<vmem>>, vector<16xi32>,
      %add3A_391 = arith.constant 112 : i32
      %add3A_392 = arith.addi %add3A_362, %add3A_391 : i32
      %get3A_393 = arith.index_cast %add3A_392 : i32 to index
      %get3A_394 = tpu.vector_load %arg7[%get3A_393] {strides = array<i32>} : memref<16384xi32, #tpu.memory_space<vmem>>, vector<16xi32>,
      %gather3A_395 = tpu.vector_load_idx %arg6[%broadcast_in_dim3A_1, %get3A_366] : memref<1x100096xf32, #tpu.memory_space<vmem>>[vector<16xi32>, vector<16xi32>], vector<16xf32>,
      %gather3A_396 = tpu.vector_load_idx %arg6[%broadcast_in_dim3A_1, %get3A_370] : memref<1x100096xf32, #tpu.memory_space<vmem>>[vector<16xi32>, vector<16xi32>], vector<16xf32>,
      %gather3A_397 = tpu.vector_load_idx %arg6[%broadcast_in_dim3A_1, %get3A_374] : memref<1x100096xf32, #tpu.memory_space<vmem>>[vector<16xi32>, vector<16xi32>], vector<16xf32>,
      %gather3A_398 = tpu.vector_load_idx %arg6[%broadcast_in_dim3A_1, %get3A_378] : memref<1x100096xf32, #tpu.memory_space<vmem>>[vector<16xi32>, vector<16xi32>], vector<16xf32>,
      %gather3A_399 = tpu.vector_load_idx %arg6[%broadcast_in_dim3A_1, %get3A_382] : memref<1x100096xf32, #tpu.memory_space<vmem>>[vector<16xi32>, vector<16xi32>], vector<16xf32>,
      %gather3A_400 = tpu.vector_load_idx %arg6[%broadcast_in_dim3A_1, %get3A_386] : memref<1x100096xf32, #tpu.memory_space<vmem>>[vector<16xi32>, vector<16xi32>], vector<16xf32>,
      %gather3A_401 = tpu.vector_load_idx %arg6[%broadcast_in_dim3A_1, %get3A_390] : memref<1x100096xf32, #tpu.memory_space<vmem>>[vector<16xi32>, vector<16xi32>], vector<16xf32>,
      %gather3A_402 = tpu.vector_load_idx %arg6[%broadcast_in_dim3A_1, %get3A_394] : memref<1x100096xf32, #tpu.memory_space<vmem>>[vector<16xi32>, vector<16xi32>], vector<16xf32>,
      %mul3A_403 = arith.constant 128 : i32
      %mul3A_404 = arith.muli %scan3A_358, %mul3A_403 : i32
      %add3A_405 = arith.constant 0 : i32
      %add3A_406 = arith.addi %mul3A_404, %add3A_405 : i32
      %swap3A_407 = arith.constant 0 : i32
      %swap3A_408 = arith.index_cast %swap3A_407 : i32 to index
      %swap3A_409 = arith.index_cast %add3A_406 : i32 to index
      %swap3A_410 = tpu.vector_load %arg8[%swap3A_408, %swap3A_409] {strides = array<i32>} : memref<1x4096xf32, #tpu.memory_space<vmem>>, vector<16xf32>,
      tpu.vector_store %arg8[%swap3A_408, %swap3A_409], %gather3A_395 {strides = array<i32>} : memref<1x4096xf32, #tpu.memory_space<vmem>>, vector<16xf32>,
      %mul3A_411 = arith.constant 128 : i32
      %mul3A_412 = arith.muli %scan3A_358, %mul3A_411 : i32
      %add3A_413 = arith.constant 16 : i32
      %add3A_414 = arith.addi %mul3A_412, %add3A_413 : i32
      %swap3A_415 = arith.constant 0 : i32
      %swap3A_416 = arith.index_cast %swap3A_415 : i32 to index
      %swap3A_417 = arith.index_cast %add3A_414 : i32 to index
      %swap3A_418 = tpu.vector_load %arg8[%swap3A_416, %swap3A_417] {strides = array<i32>} : memref<1x4096xf32, #tpu.memory_space<vmem>>, vector<16xf32>,
      tpu.vector_store %arg8[%swap3A_416, %swap3A_417], %gather3A_396 {strides = array<i32>} : memref<1x4096xf32, #tpu.memory_space<vmem>>, vector<16xf32>,
      %mul3A_419 = arith.constant 128 : i32
      %mul3A_420 = arith.muli %scan3A_358, %mul3A_419 : i32
      %add3A_421 = arith.constant 32 : i32
      %add3A_422 = arith.addi %mul3A_420, %add3A_421 : i32
      %swap3A_423 = arith.constant 0 : i32
      %swap3A_424 = arith.index_cast %swap3A_423 : i32 to index
      %swap3A_425 = arith.index_cast %add3A_422 : i32 to index
      %swap3A_426 = tpu.vector_load %arg8[%swap3A_424, %swap3A_425] {strides = array<i32>} : memref<1x4096xf32, #tpu.memory_space<vmem>>, vector<16xf32>,
      tpu.vector_store %arg8[%swap3A_424, %swap3A_425], %gather3A_397 {strides = array<i32>} : memref<1x4096xf32, #tpu.memory_space<vmem>>, vector<16xf32>,
      %mul3A_427 = arith.constant 128 : i32
      %mul3A_428 = arith.muli %scan3A_358, %mul3A_427 : i32
      %add3A_429 = arith.constant 48 : i32
      %add3A_430 = arith.addi %mul3A_428, %add3A_429 : i32
      %swap3A_431 = arith.constant 0 : i32
      %swap3A_432 = arith.index_cast %swap3A_431 : i32 to index
      %swap3A_433 = arith.index_cast %add3A_430 : i32 to index
      %swap3A_434 = tpu.vector_load %arg8[%swap3A_432, %swap3A_433] {strides = array<i32>} : memref<1x4096xf32, #tpu.memory_space<vmem>>, vector<16xf32>,
      tpu.vector_store %arg8[%swap3A_432, %swap3A_433], %gather3A_398 {strides = array<i32>} : memref<1x4096xf32, #tpu.memory_space<vmem>>, vector<16xf32>,
      %mul3A_435 = arith.constant 128 : i32
      %mul3A_436 = arith.muli %scan3A_358, %mul3A_435 : i32
      %add3A_437 = arith.constant 64 : i32
      %add3A_438 = arith.addi %mul3A_436, %add3A_437 : i32
      %swap3A_439 = arith.constant 0 : i32
      %swap3A_440 = arith.index_cast %swap3A_439 : i32 to index
      %swap3A_441 = arith.index_cast %add3A_438 : i32 to index
      %swap3A_442 = tpu.vector_load %arg8[%swap3A_440, %swap3A_441] {strides = array<i32>} : memref<1x4096xf32, #tpu.memory_space<vmem>>, vector<16xf32>,
      tpu.vector_store %arg8[%swap3A_440, %swap3A_441], %gather3A_399 {strides = array<i32>} : memref<1x4096xf32, #tpu.memory_space<vmem>>, vector<16xf32>,
      %mul3A_443 = arith.constant 128 : i32
      %mul3A_444 = arith.muli %scan3A_358, %mul3A_443 : i32
      %add3A_445 = arith.constant 80 : i32
      %add3A_446 = arith.addi %mul3A_444, %add3A_445 : i32
      %swap3A_447 = arith.constant 0 : i32
      %swap3A_448 = arith.index_cast %swap3A_447 : i32 to index
      %swap3A_449 = arith.index_cast %add3A_446 : i32 to index
      %swap3A_450 = tpu.vector_load %arg8[%swap3A_448, %swap3A_449] {strides = array<i32>} : memref<1x4096xf32, #tpu.memory_space<vmem>>, vector<16xf32>,
      tpu.vector_store %arg8[%swap3A_448, %swap3A_449], %gather3A_400 {strides = array<i32>} : memref<1x4096xf32, #tpu.memory_space<vmem>>, vector<16xf32>,
      %mul3A_451 = arith.constant 128 : i32
      %mul3A_452 = arith.muli %scan3A_358, %mul3A_451 : i32
      %add3A_453 = arith.constant 96 : i32
      %add3A_454 = arith.addi %mul3A_452, %add3A_453 : i32
      %swap3A_455 = arith.constant 0 : i32
      %swap3A_456 = arith.index_cast %swap3A_455 : i32 to index
      %swap3A_457 = arith.index_cast %add3A_454 : i32 to index
      %swap3A_458 = tpu.vector_load %arg8[%swap3A_456, %swap3A_457] {strides = array<i32>} : memref<1x4096xf32, #tpu.memory_space<vmem>>, vector<16xf32>,
      tpu.vector_store %arg8[%swap3A_456, %swap3A_457], %gather3A_401 {strides = array<i32>} : memref<1x4096xf32, #tpu.memory_space<vmem>>, vector<16xf32>,
      %mul3A_459 = arith.constant 128 : i32
      %mul3A_460 = arith.muli %scan3A_358, %mul3A_459 : i32
      %add3A_461 = arith.constant 112 : i32
      %add3A_462 = arith.addi %mul3A_460, %add3A_461 : i32
      %swap3A_463 = arith.constant 0 : i32
      %swap3A_464 = arith.index_cast %swap3A_463 : i32 to index
      %swap3A_465 = arith.index_cast %add3A_462 : i32 to index
      %swap3A_466 = tpu.vector_load %arg8[%swap3A_464, %swap3A_465] {strides = array<i32>} : memref<1x4096xf32, #tpu.memory_space<vmem>>, vector<16xf32>,
      tpu.vector_store %arg8[%swap3A_464, %swap3A_465], %gather3A_402 {strides = array<i32>} : memref<1x4096xf32, #tpu.memory_space<vmem>>, vector<16xf32>,
    }
    %scan3A_98 = arith.constant 32 : i32
    %dma_start3A_99 = arith.constant 8192 : i32
    %dma_start3A_100 = tpu.memref_slice %arg5[%add3A_34, %dma_start3A_99] : memref<64x16384xf32, #tpu.memory_space<hbm>> -> memref<1x4096xf32, #tpu.memory_space<hbm>>
    %dma_start3A_101 = arith.constant 8192 : i32
    %dma_start3A_102 = tpu.memref_slice %arg5[%add3A_34, %dma_start3A_101] : memref<64x16384xf32, #tpu.memory_space<hbm>> -> memref<1x4096xf32, #tpu.memory_space<hbm>>
    tpu.enqueue_dma source(%arg8 : memref<1x4096xf32, #tpu.memory_space<vmem>>) target(%dma_start3A_102 : memref<1x4096xf32, #tpu.memory_space<hbm>>) target_semaphore(%arg11 : memref<!tpu.dma_semaphore, #tpu.memory_space<semaphore_mem>>)
    %dma_wait3A_103 = arith.constant 4096 : i32
    %dma_wait3A_104 = tpu.memref_slice %arg5[%add3A_34, %dma_wait3A_103] : memref<64x16384xf32, #tpu.memory_space<hbm>> -> memref<1x4096xf32, #tpu.memory_space<hbm>>
    %dma_wait3A_105 = arith.constant 4096 : i32
    %dma_wait3A_106 = tpu.memref_slice %arg5[%add3A_34, %dma_wait3A_105] : memref<64x16384xf32, #tpu.memory_space<hbm>> -> memref<1x4096xf32, #tpu.memory_space<hbm>>
    tpu.wait_dma2 semaphore(%arg12 : memref<!tpu.dma_semaphore, #tpu.memory_space<semaphore_mem>>) src(%arg9 : memref<1x4096xf32, #tpu.memory_space<vmem>>) dst(%dma_wait3A_106 : memref<1x4096xf32, #tpu.memory_space<hbm>>)
    %scan3A_107 = arith.constant 0 : i32
    %scan3A_108 = arith.constant 0 : i32
    %scan3A_109 = arith.constant 32 : i32
    %scan3A_110 = arith.addi %scan3A_108, %scan3A_109 : i32
    %scan3A_111 = arith.constant 2 : i32
    scf.for %scan3A_251 = %scan3A_108 to %scan3A_110 step %scan3A_111  : i32 {
      %mul3A_252 = arith.constant 128 : i32
      %mul3A_253 = arith.muli %scan3A_251, %mul3A_252 : i32
      %add3A_254 = arith.constant 12288 : i32
      %add3A_255 = arith.addi %add3A_254, %mul3A_253 : i32
      %add3A_256 = arith.constant 0 : i32
      %add3A_257 = arith.addi %add3A_255, %add3A_256 : i32
      %get3A = arith.index_cast %add3A_257 : i32 to index
      %get3A_258 = tpu.vector_load %arg7[%get3A] {strides = array<i32>} : memref<16384xi32, #tpu.memory_space<vmem>>, vector<16xi32>,
      %add3A_259 = arith.constant 16 : i32
      %add3A_260 = arith.addi %add3A_255, %add3A_259 : i32
      %get3A_261 = arith.index_cast %add3A_260 : i32 to index
      %get3A_262 = tpu.vector_load %arg7[%get3A_261] {strides = array<i32>} : memref<16384xi32, #tpu.memory_space<vmem>>, vector<16xi32>,
      %add3A_263 = arith.constant 32 : i32
      %add3A_264 = arith.addi %add3A_255, %add3A_263 : i32
      %get3A_265 = arith.index_cast %add3A_264 : i32 to index
      %get3A_266 = tpu.vector_load %arg7[%get3A_265] {strides = array<i32>} : memref<16384xi32, #tpu.memory_space<vmem>>, vector<16xi32>,
      %add3A_267 = arith.constant 48 : i32
      %add3A_268 = arith.addi %add3A_255, %add3A_267 : i32
      %get3A_269 = arith.index_cast %add3A_268 : i32 to index
      %get3A_270 = tpu.vector_load %arg7[%get3A_269] {strides = array<i32>} : memref<16384xi32, #tpu.memory_space<vmem>>, vector<16xi32>,
      %add3A_271 = arith.constant 64 : i32
      %add3A_272 = arith.addi %add3A_255, %add3A_271 : i32
      %get3A_273 = arith.index_cast %add3A_272 : i32 to index
      %get3A_274 = tpu.vector_load %arg7[%get3A_273] {strides = array<i32>} : memref<16384xi32, #tpu.memory_space<vmem>>, vector<16xi32>,
      %add3A_275 = arith.constant 80 : i32
      %add3A_276 = arith.addi %add3A_255, %add3A_275 : i32
      %get3A_277 = arith.index_cast %add3A_276 : i32 to index
      %get3A_278 = tpu.vector_load %arg7[%get3A_277] {strides = array<i32>} : memref<16384xi32, #tpu.memory_space<vmem>>, vector<16xi32>,
      %add3A_279 = arith.constant 96 : i32
      %add3A_280 = arith.addi %add3A_255, %add3A_279 : i32
      %get3A_281 = arith.index_cast %add3A_280 : i32 to index
      %get3A_282 = tpu.vector_load %arg7[%get3A_281] {strides = array<i32>} : memref<16384xi32, #tpu.memory_space<vmem>>, vector<16xi32>,
      %add3A_283 = arith.constant 112 : i32
      %add3A_284 = arith.addi %add3A_255, %add3A_283 : i32
      %get3A_285 = arith.index_cast %add3A_284 : i32 to index
      %get3A_286 = tpu.vector_load %arg7[%get3A_285] {strides = array<i32>} : memref<16384xi32, #tpu.memory_space<vmem>>, vector<16xi32>,
      %gather3A = tpu.vector_load_idx %arg6[%broadcast_in_dim3A_1, %get3A_258] : memref<1x100096xf32, #tpu.memory_space<vmem>>[vector<16xi32>, vector<16xi32>], vector<16xf32>,
      %gather3A_287 = tpu.vector_load_idx %arg6[%broadcast_in_dim3A_1, %get3A_262] : memref<1x100096xf32, #tpu.memory_space<vmem>>[vector<16xi32>, vector<16xi32>], vector<16xf32>,
      %gather3A_288 = tpu.vector_load_idx %arg6[%broadcast_in_dim3A_1, %get3A_266] : memref<1x100096xf32, #tpu.memory_space<vmem>>[vector<16xi32>, vector<16xi32>], vector<16xf32>,
      %gather3A_289 = tpu.vector_load_idx %arg6[%broadcast_in_dim3A_1, %get3A_270] : memref<1x100096xf32, #tpu.memory_space<vmem>>[vector<16xi32>, vector<16xi32>], vector<16xf32>,
      %gather3A_290 = tpu.vector_load_idx %arg6[%broadcast_in_dim3A_1, %get3A_274] : memref<1x100096xf32, #tpu.memory_space<vmem>>[vector<16xi32>, vector<16xi32>], vector<16xf32>,
      %gather3A_291 = tpu.vector_load_idx %arg6[%broadcast_in_dim3A_1, %get3A_278] : memref<1x100096xf32, #tpu.memory_space<vmem>>[vector<16xi32>, vector<16xi32>], vector<16xf32>,
      %gather3A_292 = tpu.vector_load_idx %arg6[%broadcast_in_dim3A_1, %get3A_282] : memref<1x100096xf32, #tpu.memory_space<vmem>>[vector<16xi32>, vector<16xi32>], vector<16xf32>,
      %gather3A_293 = tpu.vector_load_idx %arg6[%broadcast_in_dim3A_1, %get3A_286] : memref<1x100096xf32, #tpu.memory_space<vmem>>[vector<16xi32>, vector<16xi32>], vector<16xf32>,
      %mul3A_294 = arith.constant 128 : i32
      %mul3A_295 = arith.muli %scan3A_251, %mul3A_294 : i32
      %add3A_296 = arith.constant 0 : i32
      %add3A_297 = arith.addi %mul3A_295, %add3A_296 : i32
      %swap3A = arith.constant 0 : i32
      %swap3A_298 = arith.index_cast %swap3A : i32 to index
      %swap3A_299 = arith.index_cast %add3A_297 : i32 to index
      %swap3A_300 = tpu.vector_load %arg9[%swap3A_298, %swap3A_299] {strides = array<i32>} : memref<1x4096xf32, #tpu.memory_space<vmem>>, vector<16xf32>,
      tpu.vector_store %arg9[%swap3A_298, %swap3A_299], %gather3A {strides = array<i32>} : memref<1x4096xf32, #tpu.memory_space<vmem>>, vector<16xf32>,
      %mul3A_301 = arith.constant 128 : i32
      %mul3A_302 = arith.muli %scan3A_251, %mul3A_301 : i32
      %add3A_303 = arith.constant 16 : i32
      %add3A_304 = arith.addi %mul3A_302, %add3A_303 : i32
      %swap3A_305 = arith.constant 0 : i32
      %swap3A_306 = arith.index_cast %swap3A_305 : i32 to index
      %swap3A_307 = arith.index_cast %add3A_304 : i32 to index
      %swap3A_308 = tpu.vector_load %arg9[%swap3A_306, %swap3A_307] {strides = array<i32>} : memref<1x4096xf32, #tpu.memory_space<vmem>>, vector<16xf32>,
      tpu.vector_store %arg9[%swap3A_306, %swap3A_307], %gather3A_287 {strides = array<i32>} : memref<1x4096xf32, #tpu.memory_space<vmem>>, vector<16xf32>,
      %mul3A_309 = arith.constant 128 : i32
      %mul3A_310 = arith.muli %scan3A_251, %mul3A_309 : i32
      %add3A_311 = arith.constant 32 : i32
      %add3A_312 = arith.addi %mul3A_310, %add3A_311 : i32
      %swap3A_313 = arith.constant 0 : i32
      %swap3A_314 = arith.index_cast %swap3A_313 : i32 to index
      %swap3A_315 = arith.index_cast %add3A_312 : i32 to index
      %swap3A_316 = tpu.vector_load %arg9[%swap3A_314, %swap3A_315] {strides = array<i32>} : memref<1x4096xf32, #tpu.memory_space<vmem>>, vector<16xf32>,
      tpu.vector_store %arg9[%swap3A_314, %swap3A_315], %gather3A_288 {strides = array<i32>} : memref<1x4096xf32, #tpu.memory_space<vmem>>, vector<16xf32>,
      %mul3A_317 = arith.constant 128 : i32
      %mul3A_318 = arith.muli %scan3A_251, %mul3A_317 : i32
      %add3A_319 = arith.constant 48 : i32
      %add3A_320 = arith.addi %mul3A_318, %add3A_319 : i32
      %swap3A_321 = arith.constant 0 : i32
      %swap3A_322 = arith.index_cast %swap3A_321 : i32 to index
      %swap3A_323 = arith.index_cast %add3A_320 : i32 to index
      %swap3A_324 = tpu.vector_load %arg9[%swap3A_322, %swap3A_323] {strides = array<i32>} : memref<1x4096xf32, #tpu.memory_space<vmem>>, vector<16xf32>,
      tpu.vector_store %arg9[%swap3A_322, %swap3A_323], %gather3A_289 {strides = array<i32>} : memref<1x4096xf32, #tpu.memory_space<vmem>>, vector<16xf32>,
      %mul3A_325 = arith.constant 128 : i32
      %mul3A_326 = arith.muli %scan3A_251, %mul3A_325 : i32
      %add3A_327 = arith.constant 64 : i32
      %add3A_328 = arith.addi %mul3A_326, %add3A_327 : i32
      %swap3A_329 = arith.constant 0 : i32
      %swap3A_330 = arith.index_cast %swap3A_329 : i32 to index
      %swap3A_331 = arith.index_cast %add3A_328 : i32 to index
      %swap3A_332 = tpu.vector_load %arg9[%swap3A_330, %swap3A_331] {strides = array<i32>} : memref<1x4096xf32, #tpu.memory_space<vmem>>, vector<16xf32>,
      tpu.vector_store %arg9[%swap3A_330, %swap3A_331], %gather3A_290 {strides = array<i32>} : memref<1x4096xf32, #tpu.memory_space<vmem>>, vector<16xf32>,
      %mul3A_333 = arith.constant 128 : i32
      %mul3A_334 = arith.muli %scan3A_251, %mul3A_333 : i32
      %add3A_335 = arith.constant 80 : i32
      %add3A_336 = arith.addi %mul3A_334, %add3A_335 : i32
      %swap3A_337 = arith.constant 0 : i32
      %swap3A_338 = arith.index_cast %swap3A_337 : i32 to index
      %swap3A_339 = arith.index_cast %add3A_336 : i32 to index
      %swap3A_340 = tpu.vector_load %arg9[%swap3A_338, %swap3A_339] {strides = array<i32>} : memref<1x4096xf32, #tpu.memory_space<vmem>>, vector<16xf32>,
      tpu.vector_store %arg9[%swap3A_338, %swap3A_339], %gather3A_291 {strides = array<i32>} : memref<1x4096xf32, #tpu.memory_space<vmem>>, vector<16xf32>,
      %mul3A_341 = arith.constant 128 : i32
      %mul3A_342 = arith.muli %scan3A_251, %mul3A_341 : i32
      %add3A_343 = arith.constant 96 : i32
      %add3A_344 = arith.addi %mul3A_342, %add3A_343 : i32
      %swap3A_345 = arith.constant 0 : i32
      %swap3A_346 = arith.index_cast %swap3A_345 : i32 to index
      %swap3A_347 = arith.index_cast %add3A_344 : i32 to index
      %swap3A_348 = tpu.vector_load %arg9[%swap3A_346, %swap3A_347] {strides = array<i32>} : memref<1x4096xf32, #tpu.memory_space<vmem>>, vector<16xf32>,
      tpu.vector_store %arg9[%swap3A_346, %swap3A_347], %gather3A_292 {strides = array<i32>} : memref<1x4096xf32, #tpu.memory_space<vmem>>, vector<16xf32>,
      %mul3A_349 = arith.constant 128 : i32
      %mul3A_350 = arith.muli %scan3A_251, %mul3A_349 : i32
      %add3A_351 = arith.constant 112 : i32
      %add3A_352 = arith.addi %mul3A_350, %add3A_351 : i32
      %swap3A_353 = arith.constant 0 : i32
      %swap3A_354 = arith.index_cast %swap3A_353 : i32 to index
      %swap3A_355 = arith.index_cast %add3A_352 : i32 to index
      %swap3A_356 = tpu.vector_load %arg9[%swap3A_354, %swap3A_355] {strides = array<i32>} : memref<1x4096xf32, #tpu.memory_space<vmem>>, vector<16xf32>,
      tpu.vector_store %arg9[%swap3A_354, %swap3A_355], %gather3A_293 {strides = array<i32>} : memref<1x4096xf32, #tpu.memory_space<vmem>>, vector<16xf32>,
      %scan3A_357 = arith.constant 1 : i32
      %scan3A_358 = arith.addi %scan3A_251, %scan3A_357 : i32
      %mul3A_359 = arith.constant 128 : i32
      %mul3A_360 = arith.muli %scan3A_358, %mul3A_359 : i32
      %add3A_361 = arith.constant 12288 : i32
      %add3A_362 = arith.addi %add3A_361, %mul3A_360 : i32
      %add3A_363 = arith.constant 0 : i32
      %add3A_364 = arith.addi %add3A_362, %add3A_363 : i32
      %get3A_365 = arith.index_cast %add3A_364 : i32 to index
      %get3A_366 = tpu.vector_load %arg7[%get3A_365] {strides = array<i32>} : memref<16384xi32, #tpu.memory_space<vmem>>, vector<16xi32>,
      %add3A_367 = arith.constant 16 : i32
      %add3A_368 = arith.addi %add3A_362, %add3A_367 : i32
      %get3A_369 = arith.index_cast %add3A_368 : i32 to index
      %get3A_370 = tpu.vector_load %arg7[%get3A_369] {strides = array<i32>} : memref<16384xi32, #tpu.memory_space<vmem>>, vector<16xi32>,
      %add3A_371 = arith.constant 32 : i32
      %add3A_372 = arith.addi %add3A_362, %add3A_371 : i32
      %get3A_373 = arith.index_cast %add3A_372 : i32 to index
      %get3A_374 = tpu.vector_load %arg7[%get3A_373] {strides = array<i32>} : memref<16384xi32, #tpu.memory_space<vmem>>, vector<16xi32>,
      %add3A_375 = arith.constant 48 : i32
      %add3A_376 = arith.addi %add3A_362, %add3A_375 : i32
      %get3A_377 = arith.index_cast %add3A_376 : i32 to index
      %get3A_378 = tpu.vector_load %arg7[%get3A_377] {strides = array<i32>} : memref<16384xi32, #tpu.memory_space<vmem>>, vector<16xi32>,
      %add3A_379 = arith.constant 64 : i32
      %add3A_380 = arith.addi %add3A_362, %add3A_379 : i32
      %get3A_381 = arith.index_cast %add3A_380 : i32 to index
      %get3A_382 = tpu.vector_load %arg7[%get3A_381] {strides = array<i32>} : memref<16384xi32, #tpu.memory_space<vmem>>, vector<16xi32>,
      %add3A_383 = arith.constant 80 : i32
      %add3A_384 = arith.addi %add3A_362, %add3A_383 : i32
      %get3A_385 = arith.index_cast %add3A_384 : i32 to index
      %get3A_386 = tpu.vector_load %arg7[%get3A_385] {strides = array<i32>} : memref<16384xi32, #tpu.memory_space<vmem>>, vector<16xi32>,
      %add3A_387 = arith.constant 96 : i32
      %add3A_388 = arith.addi %add3A_362, %add3A_387 : i32
      %get3A_389 = arith.index_cast %add3A_388 : i32 to index
      %get3A_390 = tpu.vector_load %arg7[%get3A_389] {strides = array<i32>} : memref<16384xi32, #tpu.memory_space<vmem>>, vector<16xi32>,
      %add3A_391 = arith.constant 112 : i32
      %add3A_392 = arith.addi %add3A_362, %add3A_391 : i32
      %get3A_393 = arith.index_cast %add3A_392 : i32 to index
      %get3A_394 = tpu.vector_load %arg7[%get3A_393] {strides = array<i32>} : memref<16384xi32, #tpu.memory_space<vmem>>, vector<16xi32>,
      %gather3A_395 = tpu.vector_load_idx %arg6[%broadcast_in_dim3A_1, %get3A_366] : memref<1x100096xf32, #tpu.memory_space<vmem>>[vector<16xi32>, vector<16xi32>], vector<16xf32>,
      %gather3A_396 = tpu.vector_load_idx %arg6[%broadcast_in_dim3A_1, %get3A_370] : memref<1x100096xf32, #tpu.memory_space<vmem>>[vector<16xi32>, vector<16xi32>], vector<16xf32>,
      %gather3A_397 = tpu.vector_load_idx %arg6[%broadcast_in_dim3A_1, %get3A_374] : memref<1x100096xf32, #tpu.memory_space<vmem>>[vector<16xi32>, vector<16xi32>], vector<16xf32>,
      %gather3A_398 = tpu.vector_load_idx %arg6[%broadcast_in_dim3A_1, %get3A_378] : memref<1x100096xf32, #tpu.memory_space<vmem>>[vector<16xi32>, vector<16xi32>], vector<16xf32>,
      %gather3A_399 = tpu.vector_load_idx %arg6[%broadcast_in_dim3A_1, %get3A_382] : memref<1x100096xf32, #tpu.memory_space<vmem>>[vector<16xi32>, vector<16xi32>], vector<16xf32>,
      %gather3A_400 = tpu.vector_load_idx %arg6[%broadcast_in_dim3A_1, %get3A_386] : memref<1x100096xf32, #tpu.memory_space<vmem>>[vector<16xi32>, vector<16xi32>], vector<16xf32>,
      %gather3A_401 = tpu.vector_load_idx %arg6[%broadcast_in_dim3A_1, %get3A_390] : memref<1x100096xf32, #tpu.memory_space<vmem>>[vector<16xi32>, vector<16xi32>], vector<16xf32>,
      %gather3A_402 = tpu.vector_load_idx %arg6[%broadcast_in_dim3A_1, %get3A_394] : memref<1x100096xf32, #tpu.memory_space<vmem>>[vector<16xi32>, vector<16xi32>], vector<16xf32>,
      %mul3A_403 = arith.constant 128 : i32
      %mul3A_404 = arith.muli %scan3A_358, %mul3A_403 : i32
      %add3A_405 = arith.constant 0 : i32
      %add3A_406 = arith.addi %mul3A_404, %add3A_405 : i32
      %swap3A_407 = arith.constant 0 : i32
      %swap3A_408 = arith.index_cast %swap3A_407 : i32 to index
      %swap3A_409 = arith.index_cast %add3A_406 : i32 to index
      %swap3A_410 = tpu.vector_load %arg9[%swap3A_408, %swap3A_409] {strides = array<i32>} : memref<1x4096xf32, #tpu.memory_space<vmem>>, vector<16xf32>,
      tpu.vector_store %arg9[%swap3A_408, %swap3A_409], %gather3A_395 {strides = array<i32>} : memref<1x4096xf32, #tpu.memory_space<vmem>>, vector<16xf32>,
      %mul3A_411 = arith.constant 128 : i32
      %mul3A_412 = arith.muli %scan3A_358, %mul3A_411 : i32
      %add3A_413 = arith.constant 16 : i32
      %add3A_414 = arith.addi %mul3A_412, %add3A_413 : i32
      %swap3A_415 = arith.constant 0 : i32
      %swap3A_416 = arith.index_cast %swap3A_415 : i32 to index
      %swap3A_417 = arith.index_cast %add3A_414 : i32 to index
      %swap3A_418 = tpu.vector_load %arg9[%swap3A_416, %swap3A_417] {strides = array<i32>} : memref<1x4096xf32, #tpu.memory_space<vmem>>, vector<16xf32>,
      tpu.vector_store %arg9[%swap3A_416, %swap3A_417], %gather3A_396 {strides = array<i32>} : memref<1x4096xf32, #tpu.memory_space<vmem>>, vector<16xf32>,
      %mul3A_419 = arith.constant 128 : i32
      %mul3A_420 = arith.muli %scan3A_358, %mul3A_419 : i32
      %add3A_421 = arith.constant 32 : i32
      %add3A_422 = arith.addi %mul3A_420, %add3A_421 : i32
      %swap3A_423 = arith.constant 0 : i32
      %swap3A_424 = arith.index_cast %swap3A_423 : i32 to index
      %swap3A_425 = arith.index_cast %add3A_422 : i32 to index
      %swap3A_426 = tpu.vector_load %arg9[%swap3A_424, %swap3A_425] {strides = array<i32>} : memref<1x4096xf32, #tpu.memory_space<vmem>>, vector<16xf32>,
      tpu.vector_store %arg9[%swap3A_424, %swap3A_425], %gather3A_397 {strides = array<i32>} : memref<1x4096xf32, #tpu.memory_space<vmem>>, vector<16xf32>,
      %mul3A_427 = arith.constant 128 : i32
      %mul3A_428 = arith.muli %scan3A_358, %mul3A_427 : i32
      %add3A_429 = arith.constant 48 : i32
      %add3A_430 = arith.addi %mul3A_428, %add3A_429 : i32
      %swap3A_431 = arith.constant 0 : i32
      %swap3A_432 = arith.index_cast %swap3A_431 : i32 to index
      %swap3A_433 = arith.index_cast %add3A_430 : i32 to index
      %swap3A_434 = tpu.vector_load %arg9[%swap3A_432, %swap3A_433] {strides = array<i32>} : memref<1x4096xf32, #tpu.memory_space<vmem>>, vector<16xf32>,
      tpu.vector_store %arg9[%swap3A_432, %swap3A_433], %gather3A_398 {strides = array<i32>} : memref<1x4096xf32, #tpu.memory_space<vmem>>, vector<16xf32>,
      %mul3A_435 = arith.constant 128 : i32
      %mul3A_436 = arith.muli %scan3A_358, %mul3A_435 : i32
      %add3A_437 = arith.constant 64 : i32
      %add3A_438 = arith.addi %mul3A_436, %add3A_437 : i32
      %swap3A_439 = arith.constant 0 : i32
      %swap3A_440 = arith.index_cast %swap3A_439 : i32 to index
      %swap3A_441 = arith.index_cast %add3A_438 : i32 to index
      %swap3A_442 = tpu.vector_load %arg9[%swap3A_440, %swap3A_441] {strides = array<i32>} : memref<1x4096xf32, #tpu.memory_space<vmem>>, vector<16xf32>,
      tpu.vector_store %arg9[%swap3A_440, %swap3A_441], %gather3A_399 {strides = array<i32>} : memref<1x4096xf32, #tpu.memory_space<vmem>>, vector<16xf32>,
      %mul3A_443 = arith.constant 128 : i32
      %mul3A_444 = arith.muli %scan3A_358, %mul3A_443 : i32
      %add3A_445 = arith.constant 80 : i32
      %add3A_446 = arith.addi %mul3A_444, %add3A_445 : i32
      %swap3A_447 = arith.constant 0 : i32
      %swap3A_448 = arith.index_cast %swap3A_447 : i32 to index
      %swap3A_449 = arith.index_cast %add3A_446 : i32 to index
      %swap3A_450 = tpu.vector_load %arg9[%swap3A_448, %swap3A_449] {strides = array<i32>} : memref<1x4096xf32, #tpu.memory_space<vmem>>, vector<16xf32>,
      tpu.vector_store %arg9[%swap3A_448, %swap3A_449], %gather3A_400 {strides = array<i32>} : memref<1x4096xf32, #tpu.memory_space<vmem>>, vector<16xf32>,
      %mul3A_451 = arith.constant 128 : i32
      %mul3A_452 = arith.muli %scan3A_358, %mul3A_451 : i32
      %add3A_453 = arith.constant 96 : i32
      %add3A_454 = arith.addi %mul3A_452, %add3A_453 : i32
      %swap3A_455 = arith.constant 0 : i32
      %swap3A_456 = arith.index_cast %swap3A_455 : i32 to index
      %swap3A_457 = arith.index_cast %add3A_454 : i32 to index
      %swap3A_458 = tpu.vector_load %arg9[%swap3A_456, %swap3A_457] {strides = array<i32>} : memref<1x4096xf32, #tpu.memory_space<vmem>>, vector<16xf32>,
      tpu.vector_store %arg9[%swap3A_456, %swap3A_457], %gather3A_401 {strides = array<i32>} : memref<1x4096xf32, #tpu.memory_space<vmem>>, vector<16xf32>,
      %mul3A_459 = arith.constant 128 : i32
      %mul3A_460 = arith.muli %scan3A_358, %mul3A_459 : i32
      %add3A_461 = arith.constant 112 : i32
      %add3A_462 = arith.addi %mul3A_460, %add3A_461 : i32
      %swap3A_463 = arith.constant 0 : i32
      %swap3A_464 = arith.index_cast %swap3A_463 : i32 to index
      %swap3A_465 = arith.index_cast %add3A_462 : i32 to index
      %swap3A_466 = tpu.vector_load %arg9[%swap3A_464, %swap3A_465] {strides = array<i32>} : memref<1x4096xf32, #tpu.memory_space<vmem>>, vector<16xf32>,
      tpu.vector_store %arg9[%swap3A_464, %swap3A_465], %gather3A_402 {strides = array<i32>} : memref<1x4096xf32, #tpu.memory_space<vmem>>, vector<16xf32>,
    }
    %scan3A_112 = arith.constant 32 : i32
    %dma_start3A_113 = arith.constant 12288 : i32
    %dma_start3A_114 = tpu.memref_slice %arg5[%add3A_34, %dma_start3A_113] : memref<64x16384xf32, #tpu.memory_space<hbm>> -> memref<1x4096xf32, #tpu.memory_space<hbm>>
    %dma_start3A_115 = arith.constant 12288 : i32
    %dma_start3A_116 = tpu.memref_slice %arg5[%add3A_34, %dma_start3A_115] : memref<64x16384xf32, #tpu.memory_space<hbm>> -> memref<1x4096xf32, #tpu.memory_space<hbm>>
    tpu.enqueue_dma source(%arg9 : memref<1x4096xf32, #tpu.memory_space<vmem>>) target(%dma_start3A_116 : memref<1x4096xf32, #tpu.memory_space<hbm>>) target_semaphore(%arg12 : memref<!tpu.dma_semaphore, #tpu.memory_space<semaphore_mem>>)
    %add3A_117 = arith.constant 1 : i32
    %add3A_118 = arith.addi %add3A_34, %add3A_117 : i32
    %dma_start3A_119 = arith.constant 0 : i32
    %dma_start3A_120 = arith.constant 0 : i32
    %dma_start3A_121 = tpu.memref_slice %arg6[%dma_start3A_119, %dma_start3A_120] : memref<1x100096xf32, #tpu.memory_space<vmem>> -> memref<1x50048xf32, #tpu.memory_space<vmem>>
    %dma_start3A_122 = arith.constant 0 : i32
    %dma_start3A_123 = tpu.memref_slice %arg3[%add3A_118, %dma_start3A_122] : memref<64x100001xf32, #tpu.memory_space<hbm>> -> memref<1x50048xf32, #tpu.memory_space<hbm>>
    %dma_start3A_124 = arith.constant 0 : i32
    %dma_start3A_125 = arith.constant 0 : i32
    %dma_start3A_126 = tpu.memref_slice %arg6[%dma_start3A_124, %dma_start3A_125] : memref<1x100096xf32, #tpu.memory_space<vmem>> -> memref<1x50048xf32, #tpu.memory_space<vmem>>
    %dma_start3A_127 = arith.constant 0 : i32
    %dma_start3A_128 = tpu.memref_slice %arg3[%add3A_118, %dma_start3A_127] : memref<64x100001xf32, #tpu.memory_space<hbm>> -> memref<1x50048xf32, #tpu.memory_space<hbm>>
    tpu.enqueue_dma source(%dma_start3A_128 : memref<1x50048xf32, #tpu.memory_space<hbm>>) target(%dma_start3A_126 : memref<1x50048xf32, #tpu.memory_space<vmem>>) target_semaphore(%arg10 : memref<!tpu.dma_semaphore, #tpu.memory_space<semaphore_mem>>)
    %dma_start3A_129 = arith.constant 0 : i32
    %dma_start3A_130 = arith.constant 50048 : i32
    %dma_start3A_131 = tpu.memref_slice %arg6[%dma_start3A_129, %dma_start3A_130] : memref<1x100096xf32, #tpu.memory_space<vmem>> -> memref<1x49920xf32, #tpu.memory_space<vmem>>
    %dma_start3A_132 = arith.constant 50048 : i32
    %dma_start3A_133 = tpu.memref_slice %arg3[%add3A_118, %dma_start3A_132] : memref<64x100001xf32, #tpu.memory_space<hbm>> -> memref<1x49920xf32, #tpu.memory_space<hbm>>
    %dma_start3A_134 = arith.constant 0 : i32
    %dma_start3A_135 = arith.constant 50048 : i32
    %dma_start3A_136 = tpu.memref_slice %arg6[%dma_start3A_134, %dma_start3A_135] : memref<1x100096xf32, #tpu.memory_space<vmem>> -> memref<1x49920xf32, #tpu.memory_space<vmem>>
    %dma_start3A_137 = arith.constant 50048 : i32
    %dma_start3A_138 = tpu.memref_slice %arg3[%add3A_118, %dma_start3A_137] : memref<64x100001xf32, #tpu.memory_space<hbm>> -> memref<1x49920xf32, #tpu.memory_space<hbm>>
    tpu.enqueue_dma source(%dma_start3A_138 : memref<1x49920xf32, #tpu.memory_space<hbm>>) target(%dma_start3A_136 : memref<1x49920xf32, #tpu.memory_space<vmem>>) target_semaphore(%arg10 : memref<!tpu.dma_semaphore, #tpu.memory_space<semaphore_mem>>)
    %dma_start3A_139 = arith.constant 0 : i32
    %dma_start3A_140 = arith.constant 99968 : i32
    %dma_start3A_141 = tpu.memref_slice %arg6[%dma_start3A_139, %dma_start3A_140] : memref<1x100096xf32, #tpu.memory_space<vmem>> -> memref<1x128xf32, #tpu.memory_space<vmem>>
    %dma_start3A_142 = arith.constant 0 : i32
    %dma_start3A_143 = tpu.memref_slice %arg4[%add3A_118, %dma_start3A_142] : memref<64x128xf32, #tpu.memory_space<hbm>> -> memref<1x128xf32, #tpu.memory_space<hbm>>
    %dma_start3A_144 = arith.constant 0 : i32
    %dma_start3A_145 = arith.constant 99968 : i32
    %dma_start3A_146 = tpu.memref_slice %arg6[%dma_start3A_144, %dma_start3A_145] : memref<1x100096xf32, #tpu.memory_space<vmem>> -> memref<1x128xf32, #tpu.memory_space<vmem>>
    %dma_start3A_147 = arith.constant 0 : i32
    %dma_start3A_148 = tpu.memref_slice %arg4[%add3A_118, %dma_start3A_147] : memref<64x128xf32, #tpu.memory_space<hbm>> -> memref<1x128xf32, #tpu.memory_space<hbm>>
    tpu.enqueue_dma source(%dma_start3A_148 : memref<1x128xf32, #tpu.memory_space<hbm>>) target(%dma_start3A_146 : memref<1x128xf32, #tpu.memory_space<vmem>>) target_semaphore(%arg10 : memref<!tpu.dma_semaphore, #tpu.memory_space<semaphore_mem>>)
    %add3A_149 = arith.constant 1 : i32
    %add3A_150 = arith.addi %mul3A_3, %add3A_149 : i32
    %dma_wait3A_151 = arith.constant 0 : i32
    %dma_wait3A_152 = arith.constant 0 : i32
    %dma_wait3A_153 = tpu.memref_slice %arg6[%dma_wait3A_151, %dma_wait3A_152] : memref<1x100096xf32, #tpu.memory_space<vmem>> -> memref<1x50048xf32, #tpu.memory_space<vmem>>
    %dma_wait3A_154 = arith.constant 0 : i32
    %dma_wait3A_155 = arith.constant 0 : i32
    %dma_wait3A_156 = tpu.memref_slice %arg3[%dma_wait3A_154, %dma_wait3A_155] : memref<64x100001xf32, #tpu.memory_space<hbm>> -> memref<1x50048xf32, #tpu.memory_space<hbm>>
    %dma_wait3A_157 = arith.constant 0 : i32
    %dma_wait3A_158 = arith.constant 0 : i32
    %dma_wait3A_159 = tpu.memref_slice %arg6[%dma_wait3A_157, %dma_wait3A_158] : memref<1x100096xf32, #tpu.memory_space<vmem>> -> memref<1x50048xf32, #tpu.memory_space<vmem>>
    %dma_wait3A_160 = arith.constant 0 : i32
    %dma_wait3A_161 = arith.constant 0 : i32
    %dma_wait3A_162 = tpu.memref_slice %arg3[%dma_wait3A_160, %dma_wait3A_161] : memref<64x100001xf32, #tpu.memory_space<hbm>> -> memref<1x50048xf32, #tpu.memory_space<hbm>>
    tpu.wait_dma2 semaphore(%arg10 : memref<!tpu.dma_semaphore, #tpu.memory_space<semaphore_mem>>) src(%dma_wait3A_162 : memref<1x50048xf32, #tpu.memory_space<hbm>>) dst(%dma_wait3A_159 : memref<1x50048xf32, #tpu.memory_space<vmem>>)
    %dma_wait3A_163 = arith.constant 0 : i32
    %dma_wait3A_164 = arith.constant 50048 : i32
    %dma_wait3A_165 = tpu.memref_slice %arg6[%dma_wait3A_163, %dma_wait3A_164] : memref<1x100096xf32, #tpu.memory_space<vmem>> -> memref<1x49920xf32, #tpu.memory_space<vmem>>
    %dma_wait3A_166 = arith.constant 0 : i32
    %dma_wait3A_167 = arith.constant 50048 : i32
    %dma_wait3A_168 = tpu.memref_slice %arg3[%dma_wait3A_166, %dma_wait3A_167] : memref<64x100001xf32, #tpu.memory_space<hbm>> -> memref<1x49920xf32, #tpu.memory_space<hbm>>
    %dma_wait3A_169 = arith.constant 0 : i32
    %dma_wait3A_170 = arith.constant 50048 : i32
    %dma_wait3A_171 = tpu.memref_slice %arg6[%dma_wait3A_169, %dma_wait3A_170] : memref<1x100096xf32, #tpu.memory_space<vmem>> -> memref<1x49920xf32, #tpu.memory_space<vmem>>
    %dma_wait3A_172 = arith.constant 0 : i32
    %dma_wait3A_173 = arith.constant 50048 : i32
    %dma_wait3A_174 = tpu.memref_slice %arg3[%dma_wait3A_172, %dma_wait3A_173] : memref<64x100001xf32, #tpu.memory_space<hbm>> -> memref<1x49920xf32, #tpu.memory_space<hbm>>
    tpu.wait_dma2 semaphore(%arg10 : memref<!tpu.dma_semaphore, #tpu.memory_space<semaphore_mem>>) src(%dma_wait3A_174 : memref<1x49920xf32, #tpu.memory_space<hbm>>) dst(%dma_wait3A_171 : memref<1x49920xf32, #tpu.memory_space<vmem>>)
    %dma_wait3A_175 = arith.constant 0 : i32
    %dma_wait3A_176 = arith.constant 99968 : i32
    %dma_wait3A_177 = tpu.memref_slice %arg6[%dma_wait3A_175, %dma_wait3A_176] : memref<1x100096xf32, #tpu.memory_space<vmem>> -> memref<1x128xf32, #tpu.memory_space<vmem>>
    %dma_wait3A_178 = arith.constant 0 : i32
    %dma_wait3A_179 = arith.constant 0 : i32
    %dma_wait3A_180 = tpu.memref_slice %arg4[%dma_wait3A_178, %dma_wait3A_179] : memref<64x128xf32, #tpu.memory_space<hbm>> -> memref<1x128xf32, #tpu.memory_space<hbm>>
    %dma_wait3A_181 = arith.constant 0 : i32
    %dma_wait3A_182 = arith.constant 99968 : i32
    %dma_wait3A_183 = tpu.memref_slice %arg6[%dma_wait3A_181, %dma_wait3A_182] : memref<1x100096xf32, #tpu.memory_space<vmem>> -> memref<1x128xf32, #tpu.memory_space<vmem>>
    %dma_wait3A_184 = arith.constant 0 : i32
    %dma_wait3A_185 = arith.constant 0 : i32
    %dma_wait3A_186 = tpu.memref_slice %arg4[%dma_wait3A_184, %dma_wait3A_185] : memref<64x128xf32, #tpu.memory_space<hbm>> -> memref<1x128xf32, #tpu.memory_space<hbm>>
    tpu.wait_dma2 semaphore(%arg10 : memref<!tpu.dma_semaphore, #tpu.memory_space<semaphore_mem>>) src(%dma_wait3A_186 : memref<1x128xf32, #tpu.memory_space<hbm>>) dst(%dma_wait3A_183 : memref<1x128xf32, #tpu.memory_space<vmem>>)
    %dma_wait3A_187 = arith.constant 8192 : i32
    %dma_wait3A_188 = tpu.memref_slice %arg5[%add3A_34, %dma_wait3A_187] : memref<64x16384xf32, #tpu.memory_space<hbm>> -> memref<1x4096xf32, #tpu.memory_space<hbm>>
    %dma_wait3A_189 = arith.constant 8192 : i32
    %dma_wait3A_190 = tpu.memref_slice %arg5[%add3A_34, %dma_wait3A_189] : memref<64x16384xf32, #tpu.memory_space<hbm>> -> memref<1x4096xf32, #tpu.memory_space<hbm>>
    tpu.wait_dma2 semaphore(%arg11 : memref<!tpu.dma_semaphore, #tpu.memory_space<semaphore_mem>>) src(%arg8 : memref<1x4096xf32, #tpu.memory_space<vmem>>) dst(%dma_wait3A_190 : memref<1x4096xf32, #tpu.memory_space<hbm>>)
    %scan3A_191 = arith.constant 0 : i32
    %scan3A_192 = arith.constant 0 : i32
    %scan3A_193 = arith.constant 32 : i32
    %scan3A_194 = arith.addi %scan3A_192, %scan3A_193 : i32
    %scan3A_195 = arith.constant 2 : i32
    scf.for %scan3A_251 = %scan3A_192 to %scan3A_194 step %scan3A_195  : i32 {
      %mul3A_252 = arith.constant 128 : i32
      %mul3A_253 = arith.muli %scan3A_251, %mul3A_252 : i32
      %add3A_254 = arith.constant 0 : i32
      %add3A_255 = arith.addi %add3A_254, %mul3A_253 : i32
      %add3A_256 = arith.constant 0 : i32
      %add3A_257 = arith.addi %add3A_255, %add3A_256 : i32
      %get3A = arith.index_cast %add3A_257 : i32 to index
      %get3A_258 = tpu.vector_load %arg7[%get3A] {strides = array<i32>} : memref<16384xi32, #tpu.memory_space<vmem>>, vector<16xi32>,
      %add3A_259 = arith.constant 16 : i32
      %add3A_260 = arith.addi %add3A_255, %add3A_259 : i32
      %get3A_261 = arith.index_cast %add3A_260 : i32 to index
      %get3A_262 = tpu.vector_load %arg7[%get3A_261] {strides = array<i32>} : memref<16384xi32, #tpu.memory_space<vmem>>, vector<16xi32>,
      %add3A_263 = arith.constant 32 : i32
      %add3A_264 = arith.addi %add3A_255, %add3A_263 : i32
      %get3A_265 = arith.index_cast %add3A_264 : i32 to index
      %get3A_266 = tpu.vector_load %arg7[%get3A_265] {strides = array<i32>} : memref<16384xi32, #tpu.memory_space<vmem>>, vector<16xi32>,
      %add3A_267 = arith.constant 48 : i32
      %add3A_268 = arith.addi %add3A_255, %add3A_267 : i32
      %get3A_269 = arith.index_cast %add3A_268 : i32 to index
      %get3A_270 = tpu.vector_load %arg7[%get3A_269] {strides = array<i32>} : memref<16384xi32, #tpu.memory_space<vmem>>, vector<16xi32>,
      %add3A_271 = arith.constant 64 : i32
      %add3A_272 = arith.addi %add3A_255, %add3A_271 : i32
      %get3A_273 = arith.index_cast %add3A_272 : i32 to index
      %get3A_274 = tpu.vector_load %arg7[%get3A_273] {strides = array<i32>} : memref<16384xi32, #tpu.memory_space<vmem>>, vector<16xi32>,
      %add3A_275 = arith.constant 80 : i32
      %add3A_276 = arith.addi %add3A_255, %add3A_275 : i32
      %get3A_277 = arith.index_cast %add3A_276 : i32 to index
      %get3A_278 = tpu.vector_load %arg7[%get3A_277] {strides = array<i32>} : memref<16384xi32, #tpu.memory_space<vmem>>, vector<16xi32>,
      %add3A_279 = arith.constant 96 : i32
      %add3A_280 = arith.addi %add3A_255, %add3A_279 : i32
      %get3A_281 = arith.index_cast %add3A_280 : i32 to index
      %get3A_282 = tpu.vector_load %arg7[%get3A_281] {strides = array<i32>} : memref<16384xi32, #tpu.memory_space<vmem>>, vector<16xi32>,
      %add3A_283 = arith.constant 112 : i32
      %add3A_284 = arith.addi %add3A_255, %add3A_283 : i32
      %get3A_285 = arith.index_cast %add3A_284 : i32 to index
      %get3A_286 = tpu.vector_load %arg7[%get3A_285] {strides = array<i32>} : memref<16384xi32, #tpu.memory_space<vmem>>, vector<16xi32>,
      %gather3A = tpu.vector_load_idx %arg6[%broadcast_in_dim3A_1, %get3A_258] : memref<1x100096xf32, #tpu.memory_space<vmem>>[vector<16xi32>, vector<16xi32>], vector<16xf32>,
      %gather3A_287 = tpu.vector_load_idx %arg6[%broadcast_in_dim3A_1, %get3A_262] : memref<1x100096xf32, #tpu.memory_space<vmem>>[vector<16xi32>, vector<16xi32>], vector<16xf32>,
      %gather3A_288 = tpu.vector_load_idx %arg6[%broadcast_in_dim3A_1, %get3A_266] : memref<1x100096xf32, #tpu.memory_space<vmem>>[vector<16xi32>, vector<16xi32>], vector<16xf32>,
      %gather3A_289 = tpu.vector_load_idx %arg6[%broadcast_in_dim3A_1, %get3A_270] : memref<1x100096xf32, #tpu.memory_space<vmem>>[vector<16xi32>, vector<16xi32>], vector<16xf32>,
      %gather3A_290 = tpu.vector_load_idx %arg6[%broadcast_in_dim3A_1, %get3A_274] : memref<1x100096xf32, #tpu.memory_space<vmem>>[vector<16xi32>, vector<16xi32>], vector<16xf32>,
      %gather3A_291 = tpu.vector_load_idx %arg6[%broadcast_in_dim3A_1, %get3A_278] : memref<1x100096xf32, #tpu.memory_space<vmem>>[vector<16xi32>, vector<16xi32>], vector<16xf32>,
      %gather3A_292 = tpu.vector_load_idx %arg6[%broadcast_in_dim3A_1, %get3A_282] : memref<1x100096xf32, #tpu.memory_space<vmem>>[vector<16xi32>, vector<16xi32>], vector<16xf32>,
      %gather3A_293 = tpu.vector_load_idx %arg6[%broadcast_in_dim3A_1, %get3A_286] : memref<1x100096xf32, #tpu.memory_space<vmem>>[vector<16xi32>, vector<16xi32>], vector<16xf32>,
      %mul3A_294 = arith.constant 128 : i32
      %mul3A_295 = arith.muli %scan3A_251, %mul3A_294 : i32
      %add3A_296 = arith.constant 0 : i32
      %add3A_297 = arith.addi %mul3A_295, %add3A_296 : i32
      %swap3A = arith.constant 0 : i32
      %swap3A_298 = arith.index_cast %swap3A : i32 to index
      %swap3A_299 = arith.index_cast %add3A_297 : i32 to index
      %swap3A_300 = tpu.vector_load %arg8[%swap3A_298, %swap3A_299] {strides = array<i32>} : memref<1x4096xf32, #tpu.memory_space<vmem>>, vector<16xf32>,
      tpu.vector_store %arg8[%swap3A_298, %swap3A_299], %gather3A {strides = array<i32>} : memref<1x4096xf32, #tpu.memory_space<vmem>>, vector<16xf32>,
      %mul3A_301 = arith.constant 128 : i32
      %mul3A_302 = arith.muli %scan3A_251, %mul3A_301 : i32
      %add3A_303 = arith.constant 16 : i32
      %add3A_304 = arith.addi %mul3A_302, %add3A_303 : i32
      %swap3A_305 = arith.constant 0 : i32
      %swap3A_306 = arith.index_cast %swap3A_305 : i32 to index
      %swap3A_307 = arith.index_cast %add3A_304 : i32 to index
      %swap3A_308 = tpu.vector_load %arg8[%swap3A_306, %swap3A_307] {strides = array<i32>} : memref<1x4096xf32, #tpu.memory_space<vmem>>, vector<16xf32>,
      tpu.vector_store %arg8[%swap3A_306, %swap3A_307], %gather3A_287 {strides = array<i32>} : memref<1x4096xf32, #tpu.memory_space<vmem>>, vector<16xf32>,
      %mul3A_309 = arith.constant 128 : i32
      %mul3A_310 = arith.muli %scan3A_251, %mul3A_309 : i32
      %add3A_311 = arith.constant 32 : i32
      %add3A_312 = arith.addi %mul3A_310, %add3A_311 : i32
      %swap3A_313 = arith.constant 0 : i32
      %swap3A_314 = arith.index_cast %swap3A_313 : i32 to index
      %swap3A_315 = arith.index_cast %add3A_312 : i32 to index
      %swap3A_316 = tpu.vector_load %arg8[%swap3A_314, %swap3A_315] {strides = array<i32>} : memref<1x4096xf32, #tpu.memory_space<vmem>>, vector<16xf32>,
      tpu.vector_store %arg8[%swap3A_314, %swap3A_315], %gather3A_288 {strides = array<i32>} : memref<1x4096xf32, #tpu.memory_space<vmem>>, vector<16xf32>,
      %mul3A_317 = arith.constant 128 : i32
      %mul3A_318 = arith.muli %scan3A_251, %mul3A_317 : i32
      %add3A_319 = arith.constant 48 : i32
      %add3A_320 = arith.addi %mul3A_318, %add3A_319 : i32
      %swap3A_321 = arith.constant 0 : i32
      %swap3A_322 = arith.index_cast %swap3A_321 : i32 to index
      %swap3A_323 = arith.index_cast %add3A_320 : i32 to index
      %swap3A_324 = tpu.vector_load %arg8[%swap3A_322, %swap3A_323] {strides = array<i32>} : memref<1x4096xf32, #tpu.memory_space<vmem>>, vector<16xf32>,
      tpu.vector_store %arg8[%swap3A_322, %swap3A_323], %gather3A_289 {strides = array<i32>} : memref<1x4096xf32, #tpu.memory_space<vmem>>, vector<16xf32>,
      %mul3A_325 = arith.constant 128 : i32
      %mul3A_326 = arith.muli %scan3A_251, %mul3A_325 : i32
      %add3A_327 = arith.constant 64 : i32
      %add3A_328 = arith.addi %mul3A_326, %add3A_327 : i32
      %swap3A_329 = arith.constant 0 : i32
      %swap3A_330 = arith.index_cast %swap3A_329 : i32 to index
      %swap3A_331 = arith.index_cast %add3A_328 : i32 to index
      %swap3A_332 = tpu.vector_load %arg8[%swap3A_330, %swap3A_331] {strides = array<i32>} : memref<1x4096xf32, #tpu.memory_space<vmem>>, vector<16xf32>,
      tpu.vector_store %arg8[%swap3A_330, %swap3A_331], %gather3A_290 {strides = array<i32>} : memref<1x4096xf32, #tpu.memory_space<vmem>>, vector<16xf32>,
      %mul3A_333 = arith.constant 128 : i32
      %mul3A_334 = arith.muli %scan3A_251, %mul3A_333 : i32
      %add3A_335 = arith.constant 80 : i32
      %add3A_336 = arith.addi %mul3A_334, %add3A_335 : i32
      %swap3A_337 = arith.constant 0 : i32
      %swap3A_338 = arith.index_cast %swap3A_337 : i32 to index
      %swap3A_339 = arith.index_cast %add3A_336 : i32 to index
      %swap3A_340 = tpu.vector_load %arg8[%swap3A_338, %swap3A_339] {strides = array<i32>} : memref<1x4096xf32, #tpu.memory_space<vmem>>, vector<16xf32>,
      tpu.vector_store %arg8[%swap3A_338, %swap3A_339], %gather3A_291 {strides = array<i32>} : memref<1x4096xf32, #tpu.memory_space<vmem>>, vector<16xf32>,
      %mul3A_341 = arith.constant 128 : i32
      %mul3A_342 = arith.muli %scan3A_251, %mul3A_341 : i32
      %add3A_343 = arith.constant 96 : i32
      %add3A_344 = arith.addi %mul3A_342, %add3A_343 : i32
      %swap3A_345 = arith.constant 0 : i32
      %swap3A_346 = arith.index_cast %swap3A_345 : i32 to index
      %swap3A_347 = arith.index_cast %add3A_344 : i32 to index
      %swap3A_348 = tpu.vector_load %arg8[%swap3A_346, %swap3A_347] {strides = array<i32>} : memref<1x4096xf32, #tpu.memory_space<vmem>>, vector<16xf32>,
      tpu.vector_store %arg8[%swap3A_346, %swap3A_347], %gather3A_292 {strides = array<i32>} : memref<1x4096xf32, #tpu.memory_space<vmem>>, vector<16xf32>,
      %mul3A_349 = arith.constant 128 : i32
      %mul3A_350 = arith.muli %scan3A_251, %mul3A_349 : i32
      %add3A_351 = arith.constant 112 : i32
      %add3A_352 = arith.addi %mul3A_350, %add3A_351 : i32
      %swap3A_353 = arith.constant 0 : i32
      %swap3A_354 = arith.index_cast %swap3A_353 : i32 to index
      %swap3A_355 = arith.index_cast %add3A_352 : i32 to index
      %swap3A_356 = tpu.vector_load %arg8[%swap3A_354, %swap3A_355] {strides = array<i32>} : memref<1x4096xf32, #tpu.memory_space<vmem>>, vector<16xf32>,
      tpu.vector_store %arg8[%swap3A_354, %swap3A_355], %gather3A_293 {strides = array<i32>} : memref<1x4096xf32, #tpu.memory_space<vmem>>, vector<16xf32>,
      %scan3A_357 = arith.constant 1 : i32
      %scan3A_358 = arith.addi %scan3A_251, %scan3A_357 : i32
      %mul3A_359 = arith.constant 128 : i32
      %mul3A_360 = arith.muli %scan3A_358, %mul3A_359 : i32
      %add3A_361 = arith.constant 0 : i32
      %add3A_362 = arith.addi %add3A_361, %mul3A_360 : i32
      %add3A_363 = arith.constant 0 : i32
      %add3A_364 = arith.addi %add3A_362, %add3A_363 : i32
      %get3A_365 = arith.index_cast %add3A_364 : i32 to index
      %get3A_366 = tpu.vector_load %arg7[%get3A_365] {strides = array<i32>} : memref<16384xi32, #tpu.memory_space<vmem>>, vector<16xi32>,
      %add3A_367 = arith.constant 16 : i32
      %add3A_368 = arith.addi %add3A_362, %add3A_367 : i32
      %get3A_369 = arith.index_cast %add3A_368 : i32 to index
      %get3A_370 = tpu.vector_load %arg7[%get3A_369] {strides = array<i32>} : memref<16384xi32, #tpu.memory_space<vmem>>, vector<16xi32>,
      %add3A_371 = arith.constant 32 : i32
      %add3A_372 = arith.addi %add3A_362, %add3A_371 : i32
      %get3A_373 = arith.index_cast %add3A_372 : i32 to index
      %get3A_374 = tpu.vector_load %arg7[%get3A_373] {strides = array<i32>} : memref<16384xi32, #tpu.memory_space<vmem>>, vector<16xi32>,
      %add3A_375 = arith.constant 48 : i32
      %add3A_376 = arith.addi %add3A_362, %add3A_375 : i32
      %get3A_377 = arith.index_cast %add3A_376 : i32 to index
      %get3A_378 = tpu.vector_load %arg7[%get3A_377] {strides = array<i32>} : memref<16384xi32, #tpu.memory_space<vmem>>, vector<16xi32>,
      %add3A_379 = arith.constant 64 : i32
      %add3A_380 = arith.addi %add3A_362, %add3A_379 : i32
      %get3A_381 = arith.index_cast %add3A_380 : i32 to index
      %get3A_382 = tpu.vector_load %arg7[%get3A_381] {strides = array<i32>} : memref<16384xi32, #tpu.memory_space<vmem>>, vector<16xi32>,
      %add3A_383 = arith.constant 80 : i32
      %add3A_384 = arith.addi %add3A_362, %add3A_383 : i32
      %get3A_385 = arith.index_cast %add3A_384 : i32 to index
      %get3A_386 = tpu.vector_load %arg7[%get3A_385] {strides = array<i32>} : memref<16384xi32, #tpu.memory_space<vmem>>, vector<16xi32>,
      %add3A_387 = arith.constant 96 : i32
      %add3A_388 = arith.addi %add3A_362, %add3A_387 : i32
      %get3A_389 = arith.index_cast %add3A_388 : i32 to index
      %get3A_390 = tpu.vector_load %arg7[%get3A_389] {strides = array<i32>} : memref<16384xi32, #tpu.memory_space<vmem>>, vector<16xi32>,
      %add3A_391 = arith.constant 112 : i32
      %add3A_392 = arith.addi %add3A_362, %add3A_391 : i32
      %get3A_393 = arith.index_cast %add3A_392 : i32 to index
      %get3A_394 = tpu.vector_load %arg7[%get3A_393] {strides = array<i32>} : memref<16384xi32, #tpu.memory_space<vmem>>, vector<16xi32>,
      %gather3A_395 = tpu.vector_load_idx %arg6[%broadcast_in_dim3A_1, %get3A_366] : memref<1x100096xf32, #tpu.memory_space<vmem>>[vector<16xi32>, vector<16xi32>], vector<16xf32>,
      %gather3A_396 = tpu.vector_load_idx %arg6[%broadcast_in_dim3A_1, %get3A_370] : memref<1x100096xf32, #tpu.memory_space<vmem>>[vector<16xi32>, vector<16xi32>], vector<16xf32>,
      %gather3A_397 = tpu.vector_load_idx %arg6[%broadcast_in_dim3A_1, %get3A_374] : memref<1x100096xf32, #tpu.memory_space<vmem>>[vector<16xi32>, vector<16xi32>], vector<16xf32>,
      %gather3A_398 = tpu.vector_load_idx %arg6[%broadcast_in_dim3A_1, %get3A_378] : memref<1x100096xf32, #tpu.memory_space<vmem>>[vector<16xi32>, vector<16xi32>], vector<16xf32>,
      %gather3A_399 = tpu.vector_load_idx %arg6[%broadcast_in_dim3A_1, %get3A_382] : memref<1x100096xf32, #tpu.memory_space<vmem>>[vector<16xi32>, vector<16xi32>], vector<16xf32>,
      %gather3A_400 = tpu.vector_load_idx %arg6[%broadcast_in_dim3A_1, %get3A_386] : memref<1x100096xf32, #tpu.memory_space<vmem>>[vector<16xi32>, vector<16xi32>], vector<16xf32>,
      %gather3A_401 = tpu.vector_load_idx %arg6[%broadcast_in_dim3A_1, %get3A_390] : memref<1x100096xf32, #tpu.memory_space<vmem>>[vector<16xi32>, vector<16xi32>], vector<16xf32>,
      %gather3A_402 = tpu.vector_load_idx %arg6[%broadcast_in_dim3A_1, %get3A_394] : memref<1x100096xf32, #tpu.memory_space<vmem>>[vector<16xi32>, vector<16xi32>], vector<16xf32>,
      %mul3A_403 = arith.constant 128 : i32
      %mul3A_404 = arith.muli %scan3A_358, %mul3A_403 : i32
      %add3A_405 = arith.constant 0 : i32
      %add3A_406 = arith.addi %mul3A_404, %add3A_405 : i32
      %swap3A_407 = arith.constant 0 : i32
      %swap3A_408 = arith.index_cast %swap3A_407 : i32 to index
      %swap3A_409 = arith.index_cast %add3A_406 : i32 to index
      %swap3A_410 = tpu.vector_load %arg8[%swap3A_408, %swap3A_409] {strides = array<i32>} : memref<1x4096xf32, #tpu.memory_space<vmem>>, vector<16xf32>,
      tpu.vector_store %arg8[%swap3A_408, %swap3A_409], %gather3A_395 {strides = array<i32>} : memref<1x4096xf32, #tpu.memory_space<vmem>>, vector<16xf32>,
      %mul3A_411 = arith.constant 128 : i32
      %mul3A_412 = arith.muli %scan3A_358, %mul3A_411 : i32
      %add3A_413 = arith.constant 16 : i32
      %add3A_414 = arith.addi %mul3A_412, %add3A_413 : i32
      %swap3A_415 = arith.constant 0 : i32
      %swap3A_416 = arith.index_cast %swap3A_415 : i32 to index
      %swap3A_417 = arith.index_cast %add3A_414 : i32 to index
      %swap3A_418 = tpu.vector_load %arg8[%swap3A_416, %swap3A_417] {strides = array<i32>} : memref<1x4096xf32, #tpu.memory_space<vmem>>, vector<16xf32>,
      tpu.vector_store %arg8[%swap3A_416, %swap3A_417], %gather3A_396 {strides = array<i32>} : memref<1x4096xf32, #tpu.memory_space<vmem>>, vector<16xf32>,
      %mul3A_419 = arith.constant 128 : i32
      %mul3A_420 = arith.muli %scan3A_358, %mul3A_419 : i32
      %add3A_421 = arith.constant 32 : i32
      %add3A_422 = arith.addi %mul3A_420, %add3A_421 : i32
      %swap3A_423 = arith.constant 0 : i32
      %swap3A_424 = arith.index_cast %swap3A_423 : i32 to index
      %swap3A_425 = arith.index_cast %add3A_422 : i32 to index
      %swap3A_426 = tpu.vector_load %arg8[%swap3A_424, %swap3A_425] {strides = array<i32>} : memref<1x4096xf32, #tpu.memory_space<vmem>>, vector<16xf32>,
      tpu.vector_store %arg8[%swap3A_424, %swap3A_425], %gather3A_397 {strides = array<i32>} : memref<1x4096xf32, #tpu.memory_space<vmem>>, vector<16xf32>,
      %mul3A_427 = arith.constant 128 : i32
      %mul3A_428 = arith.muli %scan3A_358, %mul3A_427 : i32
      %add3A_429 = arith.constant 48 : i32
      %add3A_430 = arith.addi %mul3A_428, %add3A_429 : i32
      %swap3A_431 = arith.constant 0 : i32
      %swap3A_432 = arith.index_cast %swap3A_431 : i32 to index
      %swap3A_433 = arith.index_cast %add3A_430 : i32 to index
      %swap3A_434 = tpu.vector_load %arg8[%swap3A_432, %swap3A_433] {strides = array<i32>} : memref<1x4096xf32, #tpu.memory_space<vmem>>, vector<16xf32>,
      tpu.vector_store %arg8[%swap3A_432, %swap3A_433], %gather3A_398 {strides = array<i32>} : memref<1x4096xf32, #tpu.memory_space<vmem>>, vector<16xf32>,
      %mul3A_435 = arith.constant 128 : i32
      %mul3A_436 = arith.muli %scan3A_358, %mul3A_435 : i32
      %add3A_437 = arith.constant 64 : i32
      %add3A_438 = arith.addi %mul3A_436, %add3A_437 : i32
      %swap3A_439 = arith.constant 0 : i32
      %swap3A_440 = arith.index_cast %swap3A_439 : i32 to index
      %swap3A_441 = arith.index_cast %add3A_438 : i32 to index
      %swap3A_442 = tpu.vector_load %arg8[%swap3A_440, %swap3A_441] {strides = array<i32>} : memref<1x4096xf32, #tpu.memory_space<vmem>>, vector<16xf32>,
      tpu.vector_store %arg8[%swap3A_440, %swap3A_441], %gather3A_399 {strides = array<i32>} : memref<1x4096xf32, #tpu.memory_space<vmem>>, vector<16xf32>,
      %mul3A_443 = arith.constant 128 : i32
      %mul3A_444 = arith.muli %scan3A_358, %mul3A_443 : i32
      %add3A_445 = arith.constant 80 : i32
      %add3A_446 = arith.addi %mul3A_444, %add3A_445 : i32
      %swap3A_447 = arith.constant 0 : i32
      %swap3A_448 = arith.index_cast %swap3A_447 : i32 to index
      %swap3A_449 = arith.index_cast %add3A_446 : i32 to index
      %swap3A_450 = tpu.vector_load %arg8[%swap3A_448, %swap3A_449] {strides = array<i32>} : memref<1x4096xf32, #tpu.memory_space<vmem>>, vector<16xf32>,
      tpu.vector_store %arg8[%swap3A_448, %swap3A_449], %gather3A_400 {strides = array<i32>} : memref<1x4096xf32, #tpu.memory_space<vmem>>, vector<16xf32>,
      %mul3A_451 = arith.constant 128 : i32
      %mul3A_452 = arith.muli %scan3A_358, %mul3A_451 : i32
      %add3A_453 = arith.constant 96 : i32
      %add3A_454 = arith.addi %mul3A_452, %add3A_453 : i32
      %swap3A_455 = arith.constant 0 : i32
      %swap3A_456 = arith.index_cast %swap3A_455 : i32 to index
      %swap3A_457 = arith.index_cast %add3A_454 : i32 to index
      %swap3A_458 = tpu.vector_load %arg8[%swap3A_456, %swap3A_457] {strides = array<i32>} : memref<1x4096xf32, #tpu.memory_space<vmem>>, vector<16xf32>,
      tpu.vector_store %arg8[%swap3A_456, %swap3A_457], %gather3A_401 {strides = array<i32>} : memref<1x4096xf32, #tpu.memory_space<vmem>>, vector<16xf32>,
      %mul3A_459 = arith.constant 128 : i32
      %mul3A_460 = arith.muli %scan3A_358, %mul3A_459 : i32
      %add3A_461 = arith.constant 112 : i32
      %add3A_462 = arith.addi %mul3A_460, %add3A_461 : i32
      %swap3A_463 = arith.constant 0 : i32
      %swap3A_464 = arith.index_cast %swap3A_463 : i32 to index
      %swap3A_465 = arith.index_cast %add3A_462 : i32 to index
      %swap3A_466 = tpu.vector_load %arg8[%swap3A_464, %swap3A_465] {strides = array<i32>} : memref<1x4096xf32, #tpu.memory_space<vmem>>, vector<16xf32>,
      tpu.vector_store %arg8[%swap3A_464, %swap3A_465], %gather3A_402 {strides = array<i32>} : memref<1x4096xf32, #tpu.memory_space<vmem>>, vector<16xf32>,
    }
    %scan3A_196 = arith.constant 32 : i32
    %dma_start3A_197 = arith.constant 0 : i32
    %dma_start3A_198 = tpu.memref_slice %arg5[%add3A_150, %dma_start3A_197] : memref<64x16384xf32, #tpu.memory_space<hbm>> -> memref<1x4096xf32, #tpu.memory_space<hbm>>
    %dma_start3A_199 = arith.constant 0 : i32
    %dma_start3A_200 = tpu.memref_slice %arg5[%add3A_150, %dma_start3A_199] : memref<64x16384xf32, #tpu.memory_space<hbm>> -> memref<1x4096xf32, #tpu.memory_space<hbm>>
    tpu.enqueue_dma source(%arg8 : memref<1x4096xf32, #tpu.memory_space<vmem>>) target(%dma_start3A_200 : memref<1x4096xf32, #tpu.memory_space<hbm>>) target_semaphore(%arg11 : memref<!tpu.dma_semaphore, #tpu.memory_space<semaphore_mem>>)
    %dma_wait3A_201 = arith.constant 12288 : i32
    %dma_wait3A_202 = tpu.memref_slice %arg5[%add3A_34, %dma_wait3A_201] : memref<64x16384xf32, #tpu.memory_space<hbm>> -> memref<1x4096xf32, #tpu.memory_space<hbm>>
    %dma_wait3A_203 = arith.constant 12288 : i32
    %dma_wait3A_204 = tpu.memref_slice %arg5[%add3A_34, %dma_wait3A_203] : memref<64x16384xf32, #tpu.memory_space<hbm>> -> memref<1x4096xf32, #tpu.memory_space<hbm>>
    tpu.wait_dma2 semaphore(%arg12 : memref<!tpu.dma_semaphore, #tpu.memory_space<semaphore_mem>>) src(%arg9 : memref<1x4096xf32, #tpu.memory_space<vmem>>) dst(%dma_wait3A_204 : memref<1x4096xf32, #tpu.memory_space<hbm>>)
    %scan3A_205 = arith.constant 0 : i32
    %scan3A_206 = arith.constant 0 : i32
    %scan3A_207 = arith.constant 32 : i32
    %scan3A_208 = arith.addi %scan3A_206, %scan3A_207 : i32
    %scan3A_209 = arith.constant 2 : i32
    scf.for %scan3A_251 = %scan3A_206 to %scan3A_208 step %scan3A_209  : i32 {
      %mul3A_252 = arith.constant 128 : i32
      %mul3A_253 = arith.muli %scan3A_251, %mul3A_252 : i32
      %add3A_254 = arith.constant 4096 : i32
      %add3A_255 = arith.addi %add3A_254, %mul3A_253 : i32
      %add3A_256 = arith.constant 0 : i32
      %add3A_257 = arith.addi %add3A_255, %add3A_256 : i32
      %get3A = arith.index_cast %add3A_257 : i32 to index
      %get3A_258 = tpu.vector_load %arg7[%get3A] {strides = array<i32>} : memref<16384xi32, #tpu.memory_space<vmem>>, vector<16xi32>,
      %add3A_259 = arith.constant 16 : i32
      %add3A_260 = arith.addi %add3A_255, %add3A_259 : i32
      %get3A_261 = arith.index_cast %add3A_260 : i32 to index
      %get3A_262 = tpu.vector_load %arg7[%get3A_261] {strides = array<i32>} : memref<16384xi32, #tpu.memory_space<vmem>>, vector<16xi32>,
      %add3A_263 = arith.constant 32 : i32
      %add3A_264 = arith.addi %add3A_255, %add3A_263 : i32
      %get3A_265 = arith.index_cast %add3A_264 : i32 to index
      %get3A_266 = tpu.vector_load %arg7[%get3A_265] {strides = array<i32>} : memref<16384xi32, #tpu.memory_space<vmem>>, vector<16xi32>,
      %add3A_267 = arith.constant 48 : i32
      %add3A_268 = arith.addi %add3A_255, %add3A_267 : i32
      %get3A_269 = arith.index_cast %add3A_268 : i32 to index
      %get3A_270 = tpu.vector_load %arg7[%get3A_269] {strides = array<i32>} : memref<16384xi32, #tpu.memory_space<vmem>>, vector<16xi32>,
      %add3A_271 = arith.constant 64 : i32
      %add3A_272 = arith.addi %add3A_255, %add3A_271 : i32
      %get3A_273 = arith.index_cast %add3A_272 : i32 to index
      %get3A_274 = tpu.vector_load %arg7[%get3A_273] {strides = array<i32>} : memref<16384xi32, #tpu.memory_space<vmem>>, vector<16xi32>,
      %add3A_275 = arith.constant 80 : i32
      %add3A_276 = arith.addi %add3A_255, %add3A_275 : i32
      %get3A_277 = arith.index_cast %add3A_276 : i32 to index
      %get3A_278 = tpu.vector_load %arg7[%get3A_277] {strides = array<i32>} : memref<16384xi32, #tpu.memory_space<vmem>>, vector<16xi32>,
      %add3A_279 = arith.constant 96 : i32
      %add3A_280 = arith.addi %add3A_255, %add3A_279 : i32
      %get3A_281 = arith.index_cast %add3A_280 : i32 to index
      %get3A_282 = tpu.vector_load %arg7[%get3A_281] {strides = array<i32>} : memref<16384xi32, #tpu.memory_space<vmem>>, vector<16xi32>,
      %add3A_283 = arith.constant 112 : i32
      %add3A_284 = arith.addi %add3A_255, %add3A_283 : i32
      %get3A_285 = arith.index_cast %add3A_284 : i32 to index
      %get3A_286 = tpu.vector_load %arg7[%get3A_285] {strides = array<i32>} : memref<16384xi32, #tpu.memory_space<vmem>>, vector<16xi32>,
      %gather3A = tpu.vector_load_idx %arg6[%broadcast_in_dim3A_1, %get3A_258] : memref<1x100096xf32, #tpu.memory_space<vmem>>[vector<16xi32>, vector<16xi32>], vector<16xf32>,
      %gather3A_287 = tpu.vector_load_idx %arg6[%broadcast_in_dim3A_1, %get3A_262] : memref<1x100096xf32, #tpu.memory_space<vmem>>[vector<16xi32>, vector<16xi32>], vector<16xf32>,
      %gather3A_288 = tpu.vector_load_idx %arg6[%broadcast_in_dim3A_1, %get3A_266] : memref<1x100096xf32, #tpu.memory_space<vmem>>[vector<16xi32>, vector<16xi32>], vector<16xf32>,
      %gather3A_289 = tpu.vector_load_idx %arg6[%broadcast_in_dim3A_1, %get3A_270] : memref<1x100096xf32, #tpu.memory_space<vmem>>[vector<16xi32>, vector<16xi32>], vector<16xf32>,
      %gather3A_290 = tpu.vector_load_idx %arg6[%broadcast_in_dim3A_1, %get3A_274] : memref<1x100096xf32, #tpu.memory_space<vmem>>[vector<16xi32>, vector<16xi32>], vector<16xf32>,
      %gather3A_291 = tpu.vector_load_idx %arg6[%broadcast_in_dim3A_1, %get3A_278] : memref<1x100096xf32, #tpu.memory_space<vmem>>[vector<16xi32>, vector<16xi32>], vector<16xf32>,
      %gather3A_292 = tpu.vector_load_idx %arg6[%broadcast_in_dim3A_1, %get3A_282] : memref<1x100096xf32, #tpu.memory_space<vmem>>[vector<16xi32>, vector<16xi32>], vector<16xf32>,
      %gather3A_293 = tpu.vector_load_idx %arg6[%broadcast_in_dim3A_1, %get3A_286] : memref<1x100096xf32, #tpu.memory_space<vmem>>[vector<16xi32>, vector<16xi32>], vector<16xf32>,
      %mul3A_294 = arith.constant 128 : i32
      %mul3A_295 = arith.muli %scan3A_251, %mul3A_294 : i32
      %add3A_296 = arith.constant 0 : i32
      %add3A_297 = arith.addi %mul3A_295, %add3A_296 : i32
      %swap3A = arith.constant 0 : i32
      %swap3A_298 = arith.index_cast %swap3A : i32 to index
      %swap3A_299 = arith.index_cast %add3A_297 : i32 to index
      %swap3A_300 = tpu.vector_load %arg9[%swap3A_298, %swap3A_299] {strides = array<i32>} : memref<1x4096xf32, #tpu.memory_space<vmem>>, vector<16xf32>,
      tpu.vector_store %arg9[%swap3A_298, %swap3A_299], %gather3A {strides = array<i32>} : memref<1x4096xf32, #tpu.memory_space<vmem>>, vector<16xf32>,
      %mul3A_301 = arith.constant 128 : i32
      %mul3A_302 = arith.muli %scan3A_251, %mul3A_301 : i32
      %add3A_303 = arith.constant 16 : i32
      %add3A_304 = arith.addi %mul3A_302, %add3A_303 : i32
      %swap3A_305 = arith.constant 0 : i32
      %swap3A_306 = arith.index_cast %swap3A_305 : i32 to index
      %swap3A_307 = arith.index_cast %add3A_304 : i32 to index
      %swap3A_308 = tpu.vector_load %arg9[%swap3A_306, %swap3A_307] {strides = array<i32>} : memref<1x4096xf32, #tpu.memory_space<vmem>>, vector<16xf32>,
      tpu.vector_store %arg9[%swap3A_306, %swap3A_307], %gather3A_287 {strides = array<i32>} : memref<1x4096xf32, #tpu.memory_space<vmem>>, vector<16xf32>,
      %mul3A_309 = arith.constant 128 : i32
      %mul3A_310 = arith.muli %scan3A_251, %mul3A_309 : i32
      %add3A_311 = arith.constant 32 : i32
      %add3A_312 = arith.addi %mul3A_310, %add3A_311 : i32
      %swap3A_313 = arith.constant 0 : i32
      %swap3A_314 = arith.index_cast %swap3A_313 : i32 to index
      %swap3A_315 = arith.index_cast %add3A_312 : i32 to index
      %swap3A_316 = tpu.vector_load %arg9[%swap3A_314, %swap3A_315] {strides = array<i32>} : memref<1x4096xf32, #tpu.memory_space<vmem>>, vector<16xf32>,
      tpu.vector_store %arg9[%swap3A_314, %swap3A_315], %gather3A_288 {strides = array<i32>} : memref<1x4096xf32, #tpu.memory_space<vmem>>, vector<16xf32>,
      %mul3A_317 = arith.constant 128 : i32
      %mul3A_318 = arith.muli %scan3A_251, %mul3A_317 : i32
      %add3A_319 = arith.constant 48 : i32
      %add3A_320 = arith.addi %mul3A_318, %add3A_319 : i32
      %swap3A_321 = arith.constant 0 : i32
      %swap3A_322 = arith.index_cast %swap3A_321 : i32 to index
      %swap3A_323 = arith.index_cast %add3A_320 : i32 to index
      %swap3A_324 = tpu.vector_load %arg9[%swap3A_322, %swap3A_323] {strides = array<i32>} : memref<1x4096xf32, #tpu.memory_space<vmem>>, vector<16xf32>,
      tpu.vector_store %arg9[%swap3A_322, %swap3A_323], %gather3A_289 {strides = array<i32>} : memref<1x4096xf32, #tpu.memory_space<vmem>>, vector<16xf32>,
      %mul3A_325 = arith.constant 128 : i32
      %mul3A_326 = arith.muli %scan3A_251, %mul3A_325 : i32
      %add3A_327 = arith.constant 64 : i32
      %add3A_328 = arith.addi %mul3A_326, %add3A_327 : i32
      %swap3A_329 = arith.constant 0 : i32
      %swap3A_330 = arith.index_cast %swap3A_329 : i32 to index
      %swap3A_331 = arith.index_cast %add3A_328 : i32 to index
      %swap3A_332 = tpu.vector_load %arg9[%swap3A_330, %swap3A_331] {strides = array<i32>} : memref<1x4096xf32, #tpu.memory_space<vmem>>, vector<16xf32>,
      tpu.vector_store %arg9[%swap3A_330, %swap3A_331], %gather3A_290 {strides = array<i32>} : memref<1x4096xf32, #tpu.memory_space<vmem>>, vector<16xf32>,
      %mul3A_333 = arith.constant 128 : i32
      %mul3A_334 = arith.muli %scan3A_251, %mul3A_333 : i32
      %add3A_335 = arith.constant 80 : i32
      %add3A_336 = arith.addi %mul3A_334, %add3A_335 : i32
      %swap3A_337 = arith.constant 0 : i32
      %swap3A_338 = arith.index_cast %swap3A_337 : i32 to index
      %swap3A_339 = arith.index_cast %add3A_336 : i32 to index
      %swap3A_340 = tpu.vector_load %arg9[%swap3A_338, %swap3A_339] {strides = array<i32>} : memref<1x4096xf32, #tpu.memory_space<vmem>>, vector<16xf32>,
      tpu.vector_store %arg9[%swap3A_338, %swap3A_339], %gather3A_291 {strides = array<i32>} : memref<1x4096xf32, #tpu.memory_space<vmem>>, vector<16xf32>,
      %mul3A_341 = arith.constant 128 : i32
      %mul3A_342 = arith.muli %scan3A_251, %mul3A_341 : i32
      %add3A_343 = arith.constant 96 : i32
      %add3A_344 = arith.addi %mul3A_342, %add3A_343 : i32
      %swap3A_345 = arith.constant 0 : i32
      %swap3A_346 = arith.index_cast %swap3A_345 : i32 to index
      %swap3A_347 = arith.index_cast %add3A_344 : i32 to index
      %swap3A_348 = tpu.vector_load %arg9[%swap3A_346, %swap3A_347] {strides = array<i32>} : memref<1x4096xf32, #tpu.memory_space<vmem>>, vector<16xf32>,
      tpu.vector_store %arg9[%swap3A_346, %swap3A_347], %gather3A_292 {strides = array<i32>} : memref<1x4096xf32, #tpu.memory_space<vmem>>, vector<16xf32>,
      %mul3A_349 = arith.constant 128 : i32
      %mul3A_350 = arith.muli %scan3A_251, %mul3A_349 : i32
      %add3A_351 = arith.constant 112 : i32
      %add3A_352 = arith.addi %mul3A_350, %add3A_351 : i32
      %swap3A_353 = arith.constant 0 : i32
      %swap3A_354 = arith.index_cast %swap3A_353 : i32 to index
      %swap3A_355 = arith.index_cast %add3A_352 : i32 to index
      %swap3A_356 = tpu.vector_load %arg9[%swap3A_354, %swap3A_355] {strides = array<i32>} : memref<1x4096xf32, #tpu.memory_space<vmem>>, vector<16xf32>,
      tpu.vector_store %arg9[%swap3A_354, %swap3A_355], %gather3A_293 {strides = array<i32>} : memref<1x4096xf32, #tpu.memory_space<vmem>>, vector<16xf32>,
      %scan3A_357 = arith.constant 1 : i32
      %scan3A_358 = arith.addi %scan3A_251, %scan3A_357 : i32
      %mul3A_359 = arith.constant 128 : i32
      %mul3A_360 = arith.muli %scan3A_358, %mul3A_359 : i32
      %add3A_361 = arith.constant 4096 : i32
      %add3A_362 = arith.addi %add3A_361, %mul3A_360 : i32
      %add3A_363 = arith.constant 0 : i32
      %add3A_364 = arith.addi %add3A_362, %add3A_363 : i32
      %get3A_365 = arith.index_cast %add3A_364 : i32 to index
      %get3A_366 = tpu.vector_load %arg7[%get3A_365] {strides = array<i32>} : memref<16384xi32, #tpu.memory_space<vmem>>, vector<16xi32>,
      %add3A_367 = arith.constant 16 : i32
      %add3A_368 = arith.addi %add3A_362, %add3A_367 : i32
      %get3A_369 = arith.index_cast %add3A_368 : i32 to index
      %get3A_370 = tpu.vector_load %arg7[%get3A_369] {strides = array<i32>} : memref<16384xi32, #tpu.memory_space<vmem>>, vector<16xi32>,
      %add3A_371 = arith.constant 32 : i32
      %add3A_372 = arith.addi %add3A_362, %add3A_371 : i32
      %get3A_373 = arith.index_cast %add3A_372 : i32 to index
      %get3A_374 = tpu.vector_load %arg7[%get3A_373] {strides = array<i32>} : memref<16384xi32, #tpu.memory_space<vmem>>, vector<16xi32>,
      %add3A_375 = arith.constant 48 : i32
      %add3A_376 = arith.addi %add3A_362, %add3A_375 : i32
      %get3A_377 = arith.index_cast %add3A_376 : i32 to index
      %get3A_378 = tpu.vector_load %arg7[%get3A_377] {strides = array<i32>} : memref<16384xi32, #tpu.memory_space<vmem>>, vector<16xi32>,
      %add3A_379 = arith.constant 64 : i32
      %add3A_380 = arith.addi %add3A_362, %add3A_379 : i32
      %get3A_381 = arith.index_cast %add3A_380 : i32 to index
      %get3A_382 = tpu.vector_load %arg7[%get3A_381] {strides = array<i32>} : memref<16384xi32, #tpu.memory_space<vmem>>, vector<16xi32>,
      %add3A_383 = arith.constant 80 : i32
      %add3A_384 = arith.addi %add3A_362, %add3A_383 : i32
      %get3A_385 = arith.index_cast %add3A_384 : i32 to index
      %get3A_386 = tpu.vector_load %arg7[%get3A_385] {strides = array<i32>} : memref<16384xi32, #tpu.memory_space<vmem>>, vector<16xi32>,
      %add3A_387 = arith.constant 96 : i32
      %add3A_388 = arith.addi %add3A_362, %add3A_387 : i32
      %get3A_389 = arith.index_cast %add3A_388 : i32 to index
      %get3A_390 = tpu.vector_load %arg7[%get3A_389] {strides = array<i32>} : memref<16384xi32, #tpu.memory_space<vmem>>, vector<16xi32>,
      %add3A_391 = arith.constant 112 : i32
      %add3A_392 = arith.addi %add3A_362, %add3A_391 : i32
      %get3A_393 = arith.index_cast %add3A_392 : i32 to index
      %get3A_394 = tpu.vector_load %arg7[%get3A_393] {strides = array<i32>} : memref<16384xi32, #tpu.memory_space<vmem>>, vector<16xi32>,
      %gather3A_395 = tpu.vector_load_idx %arg6[%broadcast_in_dim3A_1, %get3A_366] : memref<1x100096xf32, #tpu.memory_space<vmem>>[vector<16xi32>, vector<16xi32>], vector<16xf32>,
      %gather3A_396 = tpu.vector_load_idx %arg6[%broadcast_in_dim3A_1, %get3A_370] : memref<1x100096xf32, #tpu.memory_space<vmem>>[vector<16xi32>, vector<16xi32>], vector<16xf32>,
      %gather3A_397 = tpu.vector_load_idx %arg6[%broadcast_in_dim3A_1, %get3A_374] : memref<1x100096xf32, #tpu.memory_space<vmem>>[vector<16xi32>, vector<16xi32>], vector<16xf32>,
      %gather3A_398 = tpu.vector_load_idx %arg6[%broadcast_in_dim3A_1, %get3A_378] : memref<1x100096xf32, #tpu.memory_space<vmem>>[vector<16xi32>, vector<16xi32>], vector<16xf32>,
      %gather3A_399 = tpu.vector_load_idx %arg6[%broadcast_in_dim3A_1, %get3A_382] : memref<1x100096xf32, #tpu.memory_space<vmem>>[vector<16xi32>, vector<16xi32>], vector<16xf32>,
      %gather3A_400 = tpu.vector_load_idx %arg6[%broadcast_in_dim3A_1, %get3A_386] : memref<1x100096xf32, #tpu.memory_space<vmem>>[vector<16xi32>, vector<16xi32>], vector<16xf32>,
      %gather3A_401 = tpu.vector_load_idx %arg6[%broadcast_in_dim3A_1, %get3A_390] : memref<1x100096xf32, #tpu.memory_space<vmem>>[vector<16xi32>, vector<16xi32>], vector<16xf32>,
      %gather3A_402 = tpu.vector_load_idx %arg6[%broadcast_in_dim3A_1, %get3A_394] : memref<1x100096xf32, #tpu.memory_space<vmem>>[vector<16xi32>, vector<16xi32>], vector<16xf32>,
      %mul3A_403 = arith.constant 128 : i32
      %mul3A_404 = arith.muli %scan3A_358, %mul3A_403 : i32
      %add3A_405 = arith.constant 0 : i32
      %add3A_406 = arith.addi %mul3A_404, %add3A_405 : i32
      %swap3A_407 = arith.constant 0 : i32
      %swap3A_408 = arith.index_cast %swap3A_407 : i32 to index
      %swap3A_409 = arith.index_cast %add3A_406 : i32 to index
      %swap3A_410 = tpu.vector_load %arg9[%swap3A_408, %swap3A_409] {strides = array<i32>} : memref<1x4096xf32, #tpu.memory_space<vmem>>, vector<16xf32>,
      tpu.vector_store %arg9[%swap3A_408, %swap3A_409], %gather3A_395 {strides = array<i32>} : memref<1x4096xf32, #tpu.memory_space<vmem>>, vector<16xf32>,
      %mul3A_411 = arith.constant 128 : i32
      %mul3A_412 = arith.muli %scan3A_358, %mul3A_411 : i32
      %add3A_413 = arith.constant 16 : i32
      %add3A_414 = arith.addi %mul3A_412, %add3A_413 : i32
      %swap3A_415 = arith.constant 0 : i32
      %swap3A_416 = arith.index_cast %swap3A_415 : i32 to index
      %swap3A_417 = arith.index_cast %add3A_414 : i32 to index
      %swap3A_418 = tpu.vector_load %arg9[%swap3A_416, %swap3A_417] {strides = array<i32>} : memref<1x4096xf32, #tpu.memory_space<vmem>>, vector<16xf32>,
      tpu.vector_store %arg9[%swap3A_416, %swap3A_417], %gather3A_396 {strides = array<i32>} : memref<1x4096xf32, #tpu.memory_space<vmem>>, vector<16xf32>,
      %mul3A_419 = arith.constant 128 : i32
      %mul3A_420 = arith.muli %scan3A_358, %mul3A_419 : i32
      %add3A_421 = arith.constant 32 : i32
      %add3A_422 = arith.addi %mul3A_420, %add3A_421 : i32
      %swap3A_423 = arith.constant 0 : i32
      %swap3A_424 = arith.index_cast %swap3A_423 : i32 to index
      %swap3A_425 = arith.index_cast %add3A_422 : i32 to index
      %swap3A_426 = tpu.vector_load %arg9[%swap3A_424, %swap3A_425] {strides = array<i32>} : memref<1x4096xf32, #tpu.memory_space<vmem>>, vector<16xf32>,
      tpu.vector_store %arg9[%swap3A_424, %swap3A_425], %gather3A_397 {strides = array<i32>} : memref<1x4096xf32, #tpu.memory_space<vmem>>, vector<16xf32>,
      %mul3A_427 = arith.constant 128 : i32
      %mul3A_428 = arith.muli %scan3A_358, %mul3A_427 : i32
      %add3A_429 = arith.constant 48 : i32
      %add3A_430 = arith.addi %mul3A_428, %add3A_429 : i32
      %swap3A_431 = arith.constant 0 : i32
      %swap3A_432 = arith.index_cast %swap3A_431 : i32 to index
      %swap3A_433 = arith.index_cast %add3A_430 : i32 to index
      %swap3A_434 = tpu.vector_load %arg9[%swap3A_432, %swap3A_433] {strides = array<i32>} : memref<1x4096xf32, #tpu.memory_space<vmem>>, vector<16xf32>,
      tpu.vector_store %arg9[%swap3A_432, %swap3A_433], %gather3A_398 {strides = array<i32>} : memref<1x4096xf32, #tpu.memory_space<vmem>>, vector<16xf32>,
      %mul3A_435 = arith.constant 128 : i32
      %mul3A_436 = arith.muli %scan3A_358, %mul3A_435 : i32
      %add3A_437 = arith.constant 64 : i32
      %add3A_438 = arith.addi %mul3A_436, %add3A_437 : i32
      %swap3A_439 = arith.constant 0 : i32
      %swap3A_440 = arith.index_cast %swap3A_439 : i32 to index
      %swap3A_441 = arith.index_cast %add3A_438 : i32 to index
      %swap3A_442 = tpu.vector_load %arg9[%swap3A_440, %swap3A_441] {strides = array<i32>} : memref<1x4096xf32, #tpu.memory_space<vmem>>, vector<16xf32>,
      tpu.vector_store %arg9[%swap3A_440, %swap3A_441], %gather3A_399 {strides = array<i32>} : memref<1x4096xf32, #tpu.memory_space<vmem>>, vector<16xf32>,
      %mul3A_443 = arith.constant 128 : i32
      %mul3A_444 = arith.muli %scan3A_358, %mul3A_443 : i32
      %add3A_445 = arith.constant 80 : i32
      %add3A_446 = arith.addi %mul3A_444, %add3A_445 : i32
      %swap3A_447 = arith.constant 0 : i32
      %swap3A_448 = arith.index_cast %swap3A_447 : i32 to index
      %swap3A_449 = arith.index_cast %add3A_446 : i32 to index
      %swap3A_450 = tpu.vector_load %arg9[%swap3A_448, %swap3A_449] {strides = array<i32>} : memref<1x4096xf32, #tpu.memory_space<vmem>>, vector<16xf32>,
      tpu.vector_store %arg9[%swap3A_448, %swap3A_449], %gather3A_400 {strides = array<i32>} : memref<1x4096xf32, #tpu.memory_space<vmem>>, vector<16xf32>,
      %mul3A_451 = arith.constant 128 : i32
      %mul3A_452 = arith.muli %scan3A_358, %mul3A_451 : i32
      %add3A_453 = arith.constant 96 : i32
      %add3A_454 = arith.addi %mul3A_452, %add3A_453 : i32
      %swap3A_455 = arith.constant 0 : i32
      %swap3A_456 = arith.index_cast %swap3A_455 : i32 to index
      %swap3A_457 = arith.index_cast %add3A_454 : i32 to index
      %swap3A_458 = tpu.vector_load %arg9[%swap3A_456, %swap3A_457] {strides = array<i32>} : memref<1x4096xf32, #tpu.memory_space<vmem>>, vector<16xf32>,
      tpu.vector_store %arg9[%swap3A_456, %swap3A_457], %gather3A_401 {strides = array<i32>} : memref<1x4096xf32, #tpu.memory_space<vmem>>, vector<16xf32>,
      %mul3A_459 = arith.constant 128 : i32
      %mul3A_460 = arith.muli %scan3A_358, %mul3A_459 : i32
      %add3A_461 = arith.constant 112 : i32
      %add3A_462 = arith.addi %mul3A_460, %add3A_461 : i32
      %swap3A_463 = arith.constant 0 : i32
      %swap3A_464 = arith.index_cast %swap3A_463 : i32 to index
      %swap3A_465 = arith.index_cast %add3A_462 : i32 to index
      %swap3A_466 = tpu.vector_load %arg9[%swap3A_464, %swap3A_465] {strides = array<i32>} : memref<1x4096xf32, #tpu.memory_space<vmem>>, vector<16xf32>,
      tpu.vector_store %arg9[%swap3A_464, %swap3A_465], %gather3A_402 {strides = array<i32>} : memref<1x4096xf32, #tpu.memory_space<vmem>>, vector<16xf32>,
    }
    %scan3A_210 = arith.constant 32 : i32
    %dma_start3A_211 = arith.constant 4096 : i32
    %dma_start3A_212 = tpu.memref_slice %arg5[%add3A_150, %dma_start3A_211] : memref<64x16384xf32, #tpu.memory_space<hbm>> -> memref<1x4096xf32, #tpu.memory_space<hbm>>
    %dma_start3A_213 = arith.constant 4096 : i32
    %dma_start3A_214 = tpu.memref_slice %arg5[%add3A_150, %dma_start3A_213] : memref<64x16384xf32, #tpu.memory_space<hbm>> -> memref<1x4096xf32, #tpu.memory_space<hbm>>
    tpu.enqueue_dma source(%arg9 : memref<1x4096xf32, #tpu.memory_space<vmem>>) target(%dma_start3A_214 : memref<1x4096xf32, #tpu.memory_space<hbm>>) target_semaphore(%arg12 : memref<!tpu.dma_semaphore, #tpu.memory_space<semaphore_mem>>)
    %dma_wait3A_215 = arith.constant 0 : i32
    %dma_wait3A_216 = tpu.memref_slice %arg5[%add3A_150, %dma_wait3A_215] : memref<64x16384xf32, #tpu.memory_space<hbm>> -> memref<1x4096xf32, #tpu.memory_space<hbm>>
    %dma_wait3A_217 = arith.constant 0 : i32
    %dma_wait3A_218 = tpu.memref_slice %arg5[%add3A_150, %dma_wait3A_217] : memref<64x16384xf32, #tpu.memory_space<hbm>> -> memref<1x4096xf32, #tpu.memory_space<hbm>>
    tpu.wait_dma2 semaphore(%arg11 : memref<!tpu.dma_semaphore, #tpu.memory_space<semaphore_mem>>) src(%arg8 : memref<1x4096xf32, #tpu.memory_space<vmem>>) dst(%dma_wait3A_218 : memref<1x4096xf32, #tpu.memory_space<hbm>>)
    %scan3A_219 = arith.constant 0 : i32
    %scan3A_220 = arith.constant 0 : i32
    %scan3A_221 = arith.constant 32 : i32
    %scan3A_222 = arith.addi %scan3A_220, %scan3A_221 : i32
    %scan3A_223 = arith.constant 2 : i32
    scf.for %scan3A_251 = %scan3A_220 to %scan3A_222 step %scan3A_223  : i32 {
      %mul3A_252 = arith.constant 128 : i32
      %mul3A_253 = arith.muli %scan3A_251, %mul3A_252 : i32
      %add3A_254 = arith.constant 8192 : i32
      %add3A_255 = arith.addi %add3A_254, %mul3A_253 : i32
      %add3A_256 = arith.constant 0 : i32
      %add3A_257 = arith.addi %add3A_255, %add3A_256 : i32
      %get3A = arith.index_cast %add3A_257 : i32 to index
      %get3A_258 = tpu.vector_load %arg7[%get3A] {strides = array<i32>} : memref<16384xi32, #tpu.memory_space<vmem>>, vector<16xi32>,
      %add3A_259 = arith.constant 16 : i32
      %add3A_260 = arith.addi %add3A_255, %add3A_259 : i32
      %get3A_261 = arith.index_cast %add3A_260 : i32 to index
      %get3A_262 = tpu.vector_load %arg7[%get3A_261] {strides = array<i32>} : memref<16384xi32, #tpu.memory_space<vmem>>, vector<16xi32>,
      %add3A_263 = arith.constant 32 : i32
      %add3A_264 = arith.addi %add3A_255, %add3A_263 : i32
      %get3A_265 = arith.index_cast %add3A_264 : i32 to index
      %get3A_266 = tpu.vector_load %arg7[%get3A_265] {strides = array<i32>} : memref<16384xi32, #tpu.memory_space<vmem>>, vector<16xi32>,
      %add3A_267 = arith.constant 48 : i32
      %add3A_268 = arith.addi %add3A_255, %add3A_267 : i32
      %get3A_269 = arith.index_cast %add3A_268 : i32 to index
      %get3A_270 = tpu.vector_load %arg7[%get3A_269] {strides = array<i32>} : memref<16384xi32, #tpu.memory_space<vmem>>, vector<16xi32>,
      %add3A_271 = arith.constant 64 : i32
      %add3A_272 = arith.addi %add3A_255, %add3A_271 : i32
      %get3A_273 = arith.index_cast %add3A_272 : i32 to index
      %get3A_274 = tpu.vector_load %arg7[%get3A_273] {strides = array<i32>} : memref<16384xi32, #tpu.memory_space<vmem>>, vector<16xi32>,
      %add3A_275 = arith.constant 80 : i32
      %add3A_276 = arith.addi %add3A_255, %add3A_275 : i32
      %get3A_277 = arith.index_cast %add3A_276 : i32 to index
      %get3A_278 = tpu.vector_load %arg7[%get3A_277] {strides = array<i32>} : memref<16384xi32, #tpu.memory_space<vmem>>, vector<16xi32>,
      %add3A_279 = arith.constant 96 : i32
      %add3A_280 = arith.addi %add3A_255, %add3A_279 : i32
      %get3A_281 = arith.index_cast %add3A_280 : i32 to index
      %get3A_282 = tpu.vector_load %arg7[%get3A_281] {strides = array<i32>} : memref<16384xi32, #tpu.memory_space<vmem>>, vector<16xi32>,
      %add3A_283 = arith.constant 112 : i32
      %add3A_284 = arith.addi %add3A_255, %add3A_283 : i32
      %get3A_285 = arith.index_cast %add3A_284 : i32 to index
      %get3A_286 = tpu.vector_load %arg7[%get3A_285] {strides = array<i32>} : memref<16384xi32, #tpu.memory_space<vmem>>, vector<16xi32>,
      %gather3A = tpu.vector_load_idx %arg6[%broadcast_in_dim3A_1, %get3A_258] : memref<1x100096xf32, #tpu.memory_space<vmem>>[vector<16xi32>, vector<16xi32>], vector<16xf32>,
      %gather3A_287 = tpu.vector_load_idx %arg6[%broadcast_in_dim3A_1, %get3A_262] : memref<1x100096xf32, #tpu.memory_space<vmem>>[vector<16xi32>, vector<16xi32>], vector<16xf32>,
      %gather3A_288 = tpu.vector_load_idx %arg6[%broadcast_in_dim3A_1, %get3A_266] : memref<1x100096xf32, #tpu.memory_space<vmem>>[vector<16xi32>, vector<16xi32>], vector<16xf32>,
      %gather3A_289 = tpu.vector_load_idx %arg6[%broadcast_in_dim3A_1, %get3A_270] : memref<1x100096xf32, #tpu.memory_space<vmem>>[vector<16xi32>, vector<16xi32>], vector<16xf32>,
      %gather3A_290 = tpu.vector_load_idx %arg6[%broadcast_in_dim3A_1, %get3A_274] : memref<1x100096xf32, #tpu.memory_space<vmem>>[vector<16xi32>, vector<16xi32>], vector<16xf32>,
      %gather3A_291 = tpu.vector_load_idx %arg6[%broadcast_in_dim3A_1, %get3A_278] : memref<1x100096xf32, #tpu.memory_space<vmem>>[vector<16xi32>, vector<16xi32>], vector<16xf32>,
      %gather3A_292 = tpu.vector_load_idx %arg6[%broadcast_in_dim3A_1, %get3A_282] : memref<1x100096xf32, #tpu.memory_space<vmem>>[vector<16xi32>, vector<16xi32>], vector<16xf32>,
      %gather3A_293 = tpu.vector_load_idx %arg6[%broadcast_in_dim3A_1, %get3A_286] : memref<1x100096xf32, #tpu.memory_space<vmem>>[vector<16xi32>, vector<16xi32>], vector<16xf32>,
      %mul3A_294 = arith.constant 128 : i32
      %mul3A_295 = arith.muli %scan3A_251, %mul3A_294 : i32
      %add3A_296 = arith.constant 0 : i32
      %add3A_297 = arith.addi %mul3A_295, %add3A_296 : i32
      %swap3A = arith.constant 0 : i32
      %swap3A_298 = arith.index_cast %swap3A : i32 to index
      %swap3A_299 = arith.index_cast %add3A_297 : i32 to index
      %swap3A_300 = tpu.vector_load %arg8[%swap3A_298, %swap3A_299] {strides = array<i32>} : memref<1x4096xf32, #tpu.memory_space<vmem>>, vector<16xf32>,
      tpu.vector_store %arg8[%swap3A_298, %swap3A_299], %gather3A {strides = array<i32>} : memref<1x4096xf32, #tpu.memory_space<vmem>>, vector<16xf32>,
      %mul3A_301 = arith.constant 128 : i32
      %mul3A_302 = arith.muli %scan3A_251, %mul3A_301 : i32
      %add3A_303 = arith.constant 16 : i32
      %add3A_304 = arith.addi %mul3A_302, %add3A_303 : i32
      %swap3A_305 = arith.constant 0 : i32
      %swap3A_306 = arith.index_cast %swap3A_305 : i32 to index
      %swap3A_307 = arith.index_cast %add3A_304 : i32 to index
      %swap3A_308 = tpu.vector_load %arg8[%swap3A_306, %swap3A_307] {strides = array<i32>} : memref<1x4096xf32, #tpu.memory_space<vmem>>, vector<16xf32>,
      tpu.vector_store %arg8[%swap3A_306, %swap3A_307], %gather3A_287 {strides = array<i32>} : memref<1x4096xf32, #tpu.memory_space<vmem>>, vector<16xf32>,
      %mul3A_309 = arith.constant 128 : i32
      %mul3A_310 = arith.muli %scan3A_251, %mul3A_309 : i32
      %add3A_311 = arith.constant 32 : i32
      %add3A_312 = arith.addi %mul3A_310, %add3A_311 : i32
      %swap3A_313 = arith.constant 0 : i32
      %swap3A_314 = arith.index_cast %swap3A_313 : i32 to index
      %swap3A_315 = arith.index_cast %add3A_312 : i32 to index
      %swap3A_316 = tpu.vector_load %arg8[%swap3A_314, %swap3A_315] {strides = array<i32>} : memref<1x4096xf32, #tpu.memory_space<vmem>>, vector<16xf32>,
      tpu.vector_store %arg8[%swap3A_314, %swap3A_315], %gather3A_288 {strides = array<i32>} : memref<1x4096xf32, #tpu.memory_space<vmem>>, vector<16xf32>,
      %mul3A_317 = arith.constant 128 : i32
      %mul3A_318 = arith.muli %scan3A_251, %mul3A_317 : i32
      %add3A_319 = arith.constant 48 : i32
      %add3A_320 = arith.addi %mul3A_318, %add3A_319 : i32
      %swap3A_321 = arith.constant 0 : i32
      %swap3A_322 = arith.index_cast %swap3A_321 : i32 to index
      %swap3A_323 = arith.index_cast %add3A_320 : i32 to index
      %swap3A_324 = tpu.vector_load %arg8[%swap3A_322, %swap3A_323] {strides = array<i32>} : memref<1x4096xf32, #tpu.memory_space<vmem>>, vector<16xf32>,
      tpu.vector_store %arg8[%swap3A_322, %swap3A_323], %gather3A_289 {strides = array<i32>} : memref<1x4096xf32, #tpu.memory_space<vmem>>, vector<16xf32>,
      %mul3A_325 = arith.constant 128 : i32
      %mul3A_326 = arith.muli %scan3A_251, %mul3A_325 : i32
      %add3A_327 = arith.constant 64 : i32
      %add3A_328 = arith.addi %mul3A_326, %add3A_327 : i32
      %swap3A_329 = arith.constant 0 : i32
      %swap3A_330 = arith.index_cast %swap3A_329 : i32 to index
      %swap3A_331 = arith.index_cast %add3A_328 : i32 to index
      %swap3A_332 = tpu.vector_load %arg8[%swap3A_330, %swap3A_331] {strides = array<i32>} : memref<1x4096xf32, #tpu.memory_space<vmem>>, vector<16xf32>,
      tpu.vector_store %arg8[%swap3A_330, %swap3A_331], %gather3A_290 {strides = array<i32>} : memref<1x4096xf32, #tpu.memory_space<vmem>>, vector<16xf32>,
      %mul3A_333 = arith.constant 128 : i32
      %mul3A_334 = arith.muli %scan3A_251, %mul3A_333 : i32
      %add3A_335 = arith.constant 80 : i32
      %add3A_336 = arith.addi %mul3A_334, %add3A_335 : i32
      %swap3A_337 = arith.constant 0 : i32
      %swap3A_338 = arith.index_cast %swap3A_337 : i32 to index
      %swap3A_339 = arith.index_cast %add3A_336 : i32 to index
      %swap3A_340 = tpu.vector_load %arg8[%swap3A_338, %swap3A_339] {strides = array<i32>} : memref<1x4096xf32, #tpu.memory_space<vmem>>, vector<16xf32>,
      tpu.vector_store %arg8[%swap3A_338, %swap3A_339], %gather3A_291 {strides = array<i32>} : memref<1x4096xf32, #tpu.memory_space<vmem>>, vector<16xf32>,
      %mul3A_341 = arith.constant 128 : i32
      %mul3A_342 = arith.muli %scan3A_251, %mul3A_341 : i32
      %add3A_343 = arith.constant 96 : i32
      %add3A_344 = arith.addi %mul3A_342, %add3A_343 : i32
      %swap3A_345 = arith.constant 0 : i32
      %swap3A_346 = arith.index_cast %swap3A_345 : i32 to index
      %swap3A_347 = arith.index_cast %add3A_344 : i32 to index
      %swap3A_348 = tpu.vector_load %arg8[%swap3A_346, %swap3A_347] {strides = array<i32>} : memref<1x4096xf32, #tpu.memory_space<vmem>>, vector<16xf32>,
      tpu.vector_store %arg8[%swap3A_346, %swap3A_347], %gather3A_292 {strides = array<i32>} : memref<1x4096xf32, #tpu.memory_space<vmem>>, vector<16xf32>,
      %mul3A_349 = arith.constant 128 : i32
      %mul3A_350 = arith.muli %scan3A_251, %mul3A_349 : i32
      %add3A_351 = arith.constant 112 : i32
      %add3A_352 = arith.addi %mul3A_350, %add3A_351 : i32
      %swap3A_353 = arith.constant 0 : i32
      %swap3A_354 = arith.index_cast %swap3A_353 : i32 to index
      %swap3A_355 = arith.index_cast %add3A_352 : i32 to index
      %swap3A_356 = tpu.vector_load %arg8[%swap3A_354, %swap3A_355] {strides = array<i32>} : memref<1x4096xf32, #tpu.memory_space<vmem>>, vector<16xf32>,
      tpu.vector_store %arg8[%swap3A_354, %swap3A_355], %gather3A_293 {strides = array<i32>} : memref<1x4096xf32, #tpu.memory_space<vmem>>, vector<16xf32>,
      %scan3A_357 = arith.constant 1 : i32
      %scan3A_358 = arith.addi %scan3A_251, %scan3A_357 : i32
      %mul3A_359 = arith.constant 128 : i32
      %mul3A_360 = arith.muli %scan3A_358, %mul3A_359 : i32
      %add3A_361 = arith.constant 8192 : i32
      %add3A_362 = arith.addi %add3A_361, %mul3A_360 : i32
      %add3A_363 = arith.constant 0 : i32
      %add3A_364 = arith.addi %add3A_362, %add3A_363 : i32
      %get3A_365 = arith.index_cast %add3A_364 : i32 to index
      %get3A_366 = tpu.vector_load %arg7[%get3A_365] {strides = array<i32>} : memref<16384xi32, #tpu.memory_space<vmem>>, vector<16xi32>,
      %add3A_367 = arith.constant 16 : i32
      %add3A_368 = arith.addi %add3A_362, %add3A_367 : i32
      %get3A_369 = arith.index_cast %add3A_368 : i32 to index
      %get3A_370 = tpu.vector_load %arg7[%get3A_369] {strides = array<i32>} : memref<16384xi32, #tpu.memory_space<vmem>>, vector<16xi32>,
      %add3A_371 = arith.constant 32 : i32
      %add3A_372 = arith.addi %add3A_362, %add3A_371 : i32
      %get3A_373 = arith.index_cast %add3A_372 : i32 to index
      %get3A_374 = tpu.vector_load %arg7[%get3A_373] {strides = array<i32>} : memref<16384xi32, #tpu.memory_space<vmem>>, vector<16xi32>,
      %add3A_375 = arith.constant 48 : i32
      %add3A_376 = arith.addi %add3A_362, %add3A_375 : i32
      %get3A_377 = arith.index_cast %add3A_376 : i32 to index
      %get3A_378 = tpu.vector_load %arg7[%get3A_377] {strides = array<i32>} : memref<16384xi32, #tpu.memory_space<vmem>>, vector<16xi32>,
      %add3A_379 = arith.constant 64 : i32
      %add3A_380 = arith.addi %add3A_362, %add3A_379 : i32
      %get3A_381 = arith.index_cast %add3A_380 : i32 to index
      %get3A_382 = tpu.vector_load %arg7[%get3A_381] {strides = array<i32>} : memref<16384xi32, #tpu.memory_space<vmem>>, vector<16xi32>,
      %add3A_383 = arith.constant 80 : i32
      %add3A_384 = arith.addi %add3A_362, %add3A_383 : i32
      %get3A_385 = arith.index_cast %add3A_384 : i32 to index
      %get3A_386 = tpu.vector_load %arg7[%get3A_385] {strides = array<i32>} : memref<16384xi32, #tpu.memory_space<vmem>>, vector<16xi32>,
      %add3A_387 = arith.constant 96 : i32
      %add3A_388 = arith.addi %add3A_362, %add3A_387 : i32
      %get3A_389 = arith.index_cast %add3A_388 : i32 to index
      %get3A_390 = tpu.vector_load %arg7[%get3A_389] {strides = array<i32>} : memref<16384xi32, #tpu.memory_space<vmem>>, vector<16xi32>,
      %add3A_391 = arith.constant 112 : i32
      %add3A_392 = arith.addi %add3A_362, %add3A_391 : i32
      %get3A_393 = arith.index_cast %add3A_392 : i32 to index
      %get3A_394 = tpu.vector_load %arg7[%get3A_393] {strides = array<i32>} : memref<16384xi32, #tpu.memory_space<vmem>>, vector<16xi32>,
      %gather3A_395 = tpu.vector_load_idx %arg6[%broadcast_in_dim3A_1, %get3A_366] : memref<1x100096xf32, #tpu.memory_space<vmem>>[vector<16xi32>, vector<16xi32>], vector<16xf32>,
      %gather3A_396 = tpu.vector_load_idx %arg6[%broadcast_in_dim3A_1, %get3A_370] : memref<1x100096xf32, #tpu.memory_space<vmem>>[vector<16xi32>, vector<16xi32>], vector<16xf32>,
      %gather3A_397 = tpu.vector_load_idx %arg6[%broadcast_in_dim3A_1, %get3A_374] : memref<1x100096xf32, #tpu.memory_space<vmem>>[vector<16xi32>, vector<16xi32>], vector<16xf32>,
      %gather3A_398 = tpu.vector_load_idx %arg6[%broadcast_in_dim3A_1, %get3A_378] : memref<1x100096xf32, #tpu.memory_space<vmem>>[vector<16xi32>, vector<16xi32>], vector<16xf32>,
      %gather3A_399 = tpu.vector_load_idx %arg6[%broadcast_in_dim3A_1, %get3A_382] : memref<1x100096xf32, #tpu.memory_space<vmem>>[vector<16xi32>, vector<16xi32>], vector<16xf32>,
      %gather3A_400 = tpu.vector_load_idx %arg6[%broadcast_in_dim3A_1, %get3A_386] : memref<1x100096xf32, #tpu.memory_space<vmem>>[vector<16xi32>, vector<16xi32>], vector<16xf32>,
      %gather3A_401 = tpu.vector_load_idx %arg6[%broadcast_in_dim3A_1, %get3A_390] : memref<1x100096xf32, #tpu.memory_space<vmem>>[vector<16xi32>, vector<16xi32>], vector<16xf32>,
      %gather3A_402 = tpu.vector_load_idx %arg6[%broadcast_in_dim3A_1, %get3A_394] : memref<1x100096xf32, #tpu.memory_space<vmem>>[vector<16xi32>, vector<16xi32>], vector<16xf32>,
      %mul3A_403 = arith.constant 128 : i32
      %mul3A_404 = arith.muli %scan3A_358, %mul3A_403 : i32
      %add3A_405 = arith.constant 0 : i32
      %add3A_406 = arith.addi %mul3A_404, %add3A_405 : i32
      %swap3A_407 = arith.constant 0 : i32
      %swap3A_408 = arith.index_cast %swap3A_407 : i32 to index
      %swap3A_409 = arith.index_cast %add3A_406 : i32 to index
      %swap3A_410 = tpu.vector_load %arg8[%swap3A_408, %swap3A_409] {strides = array<i32>} : memref<1x4096xf32, #tpu.memory_space<vmem>>, vector<16xf32>,
      tpu.vector_store %arg8[%swap3A_408, %swap3A_409], %gather3A_395 {strides = array<i32>} : memref<1x4096xf32, #tpu.memory_space<vmem>>, vector<16xf32>,
      %mul3A_411 = arith.constant 128 : i32
      %mul3A_412 = arith.muli %scan3A_358, %mul3A_411 : i32
      %add3A_413 = arith.constant 16 : i32
      %add3A_414 = arith.addi %mul3A_412, %add3A_413 : i32
      %swap3A_415 = arith.constant 0 : i32
      %swap3A_416 = arith.index_cast %swap3A_415 : i32 to index
      %swap3A_417 = arith.index_cast %add3A_414 : i32 to index
      %swap3A_418 = tpu.vector_load %arg8[%swap3A_416, %swap3A_417] {strides = array<i32>} : memref<1x4096xf32, #tpu.memory_space<vmem>>, vector<16xf32>,
      tpu.vector_store %arg8[%swap3A_416, %swap3A_417], %gather3A_396 {strides = array<i32>} : memref<1x4096xf32, #tpu.memory_space<vmem>>, vector<16xf32>,
      %mul3A_419 = arith.constant 128 : i32
      %mul3A_420 = arith.muli %scan3A_358, %mul3A_419 : i32
      %add3A_421 = arith.constant 32 : i32
      %add3A_422 = arith.addi %mul3A_420, %add3A_421 : i32
      %swap3A_423 = arith.constant 0 : i32
      %swap3A_424 = arith.index_cast %swap3A_423 : i32 to index
      %swap3A_425 = arith.index_cast %add3A_422 : i32 to index
      %swap3A_426 = tpu.vector_load %arg8[%swap3A_424, %swap3A_425] {strides = array<i32>} : memref<1x4096xf32, #tpu.memory_space<vmem>>, vector<16xf32>,
      tpu.vector_store %arg8[%swap3A_424, %swap3A_425], %gather3A_397 {strides = array<i32>} : memref<1x4096xf32, #tpu.memory_space<vmem>>, vector<16xf32>,
      %mul3A_427 = arith.constant 128 : i32
      %mul3A_428 = arith.muli %scan3A_358, %mul3A_427 : i32
      %add3A_429 = arith.constant 48 : i32
      %add3A_430 = arith.addi %mul3A_428, %add3A_429 : i32
      %swap3A_431 = arith.constant 0 : i32
      %swap3A_432 = arith.index_cast %swap3A_431 : i32 to index
      %swap3A_433 = arith.index_cast %add3A_430 : i32 to index
      %swap3A_434 = tpu.vector_load %arg8[%swap3A_432, %swap3A_433] {strides = array<i32>} : memref<1x4096xf32, #tpu.memory_space<vmem>>, vector<16xf32>,
      tpu.vector_store %arg8[%swap3A_432, %swap3A_433], %gather3A_398 {strides = array<i32>} : memref<1x4096xf32, #tpu.memory_space<vmem>>, vector<16xf32>,
      %mul3A_435 = arith.constant 128 : i32
      %mul3A_436 = arith.muli %scan3A_358, %mul3A_435 : i32
      %add3A_437 = arith.constant 64 : i32
      %add3A_438 = arith.addi %mul3A_436, %add3A_437 : i32
      %swap3A_439 = arith.constant 0 : i32
      %swap3A_440 = arith.index_cast %swap3A_439 : i32 to index
      %swap3A_441 = arith.index_cast %add3A_438 : i32 to index
      %swap3A_442 = tpu.vector_load %arg8[%swap3A_440, %swap3A_441] {strides = array<i32>} : memref<1x4096xf32, #tpu.memory_space<vmem>>, vector<16xf32>,
      tpu.vector_store %arg8[%swap3A_440, %swap3A_441], %gather3A_399 {strides = array<i32>} : memref<1x4096xf32, #tpu.memory_space<vmem>>, vector<16xf32>,
      %mul3A_443 = arith.constant 128 : i32
      %mul3A_444 = arith.muli %scan3A_358, %mul3A_443 : i32
      %add3A_445 = arith.constant 80 : i32
      %add3A_446 = arith.addi %mul3A_444, %add3A_445 : i32
      %swap3A_447 = arith.constant 0 : i32
      %swap3A_448 = arith.index_cast %swap3A_447 : i32 to index
      %swap3A_449 = arith.index_cast %add3A_446 : i32 to index
      %swap3A_450 = tpu.vector_load %arg8[%swap3A_448, %swap3A_449] {strides = array<i32>} : memref<1x4096xf32, #tpu.memory_space<vmem>>, vector<16xf32>,
      tpu.vector_store %arg8[%swap3A_448, %swap3A_449], %gather3A_400 {strides = array<i32>} : memref<1x4096xf32, #tpu.memory_space<vmem>>, vector<16xf32>,
      %mul3A_451 = arith.constant 128 : i32
      %mul3A_452 = arith.muli %scan3A_358, %mul3A_451 : i32
      %add3A_453 = arith.constant 96 : i32
      %add3A_454 = arith.addi %mul3A_452, %add3A_453 : i32
      %swap3A_455 = arith.constant 0 : i32
      %swap3A_456 = arith.index_cast %swap3A_455 : i32 to index
      %swap3A_457 = arith.index_cast %add3A_454 : i32 to index
      %swap3A_458 = tpu.vector_load %arg8[%swap3A_456, %swap3A_457] {strides = array<i32>} : memref<1x4096xf32, #tpu.memory_space<vmem>>, vector<16xf32>,
      tpu.vector_store %arg8[%swap3A_456, %swap3A_457], %gather3A_401 {strides = array<i32>} : memref<1x4096xf32, #tpu.memory_space<vmem>>, vector<16xf32>,
      %mul3A_459 = arith.constant 128 : i32
      %mul3A_460 = arith.muli %scan3A_358, %mul3A_459 : i32
      %add3A_461 = arith.constant 112 : i32
      %add3A_462 = arith.addi %mul3A_460, %add3A_461 : i32
      %swap3A_463 = arith.constant 0 : i32
      %swap3A_464 = arith.index_cast %swap3A_463 : i32 to index
      %swap3A_465 = arith.index_cast %add3A_462 : i32 to index
      %swap3A_466 = tpu.vector_load %arg8[%swap3A_464, %swap3A_465] {strides = array<i32>} : memref<1x4096xf32, #tpu.memory_space<vmem>>, vector<16xf32>,
      tpu.vector_store %arg8[%swap3A_464, %swap3A_465], %gather3A_402 {strides = array<i32>} : memref<1x4096xf32, #tpu.memory_space<vmem>>, vector<16xf32>,
    }
    %scan3A_224 = arith.constant 32 : i32
    %dma_start3A_225 = arith.constant 8192 : i32
    %dma_start3A_226 = tpu.memref_slice %arg5[%add3A_150, %dma_start3A_225] : memref<64x16384xf32, #tpu.memory_space<hbm>> -> memref<1x4096xf32, #tpu.memory_space<hbm>>
    %dma_start3A_227 = arith.constant 8192 : i32
    %dma_start3A_228 = tpu.memref_slice %arg5[%add3A_150, %dma_start3A_227] : memref<64x16384xf32, #tpu.memory_space<hbm>> -> memref<1x4096xf32, #tpu.memory_space<hbm>>
    tpu.enqueue_dma source(%arg8 : memref<1x4096xf32, #tpu.memory_space<vmem>>) target(%dma_start3A_228 : memref<1x4096xf32, #tpu.memory_space<hbm>>) target_semaphore(%arg11 : memref<!tpu.dma_semaphore, #tpu.memory_space<semaphore_mem>>)
    %dma_wait3A_229 = arith.constant 4096 : i32
    %dma_wait3A_230 = tpu.memref_slice %arg5[%add3A_150, %dma_wait3A_229] : memref<64x16384xf32, #tpu.memory_space<hbm>> -> memref<1x4096xf32, #tpu.memory_space<hbm>>
    %dma_wait3A_231 = arith.constant 4096 : i32
    %dma_wait3A_232 = tpu.memref_slice %arg5[%add3A_150, %dma_wait3A_231] : memref<64x16384xf32, #tpu.memory_space<hbm>> -> memref<1x4096xf32, #tpu.memory_space<hbm>>
    tpu.wait_dma2 semaphore(%arg12 : memref<!tpu.dma_semaphore, #tpu.memory_space<semaphore_mem>>) src(%arg9 : memref<1x4096xf32, #tpu.memory_space<vmem>>) dst(%dma_wait3A_232 : memref<1x4096xf32, #tpu.memory_space<hbm>>)
    %scan3A_233 = arith.constant 0 : i32
    %scan3A_234 = arith.constant 0 : i32
    %scan3A_235 = arith.constant 32 : i32
    %scan3A_236 = arith.addi %scan3A_234, %scan3A_235 : i32
    %scan3A_237 = arith.constant 2 : i32
    scf.for %scan3A_251 = %scan3A_234 to %scan3A_236 step %scan3A_237  : i32 {
      %mul3A_252 = arith.constant 128 : i32
      %mul3A_253 = arith.muli %scan3A_251, %mul3A_252 : i32
      %add3A_254 = arith.constant 12288 : i32
      %add3A_255 = arith.addi %add3A_254, %mul3A_253 : i32
      %add3A_256 = arith.constant 0 : i32
      %add3A_257 = arith.addi %add3A_255, %add3A_256 : i32
      %get3A = arith.index_cast %add3A_257 : i32 to index
      %get3A_258 = tpu.vector_load %arg7[%get3A] {strides = array<i32>} : memref<16384xi32, #tpu.memory_space<vmem>>, vector<16xi32>,
      %add3A_259 = arith.constant 16 : i32
      %add3A_260 = arith.addi %add3A_255, %add3A_259 : i32
      %get3A_261 = arith.index_cast %add3A_260 : i32 to index
      %get3A_262 = tpu.vector_load %arg7[%get3A_261] {strides = array<i32>} : memref<16384xi32, #tpu.memory_space<vmem>>, vector<16xi32>,
      %add3A_263 = arith.constant 32 : i32
      %add3A_264 = arith.addi %add3A_255, %add3A_263 : i32
      %get3A_265 = arith.index_cast %add3A_264 : i32 to index
      %get3A_266 = tpu.vector_load %arg7[%get3A_265] {strides = array<i32>} : memref<16384xi32, #tpu.memory_space<vmem>>, vector<16xi32>,
      %add3A_267 = arith.constant 48 : i32
      %add3A_268 = arith.addi %add3A_255, %add3A_267 : i32
      %get3A_269 = arith.index_cast %add3A_268 : i32 to index
      %get3A_270 = tpu.vector_load %arg7[%get3A_269] {strides = array<i32>} : memref<16384xi32, #tpu.memory_space<vmem>>, vector<16xi32>,
      %add3A_271 = arith.constant 64 : i32
      %add3A_272 = arith.addi %add3A_255, %add3A_271 : i32
      %get3A_273 = arith.index_cast %add3A_272 : i32 to index
      %get3A_274 = tpu.vector_load %arg7[%get3A_273] {strides = array<i32>} : memref<16384xi32, #tpu.memory_space<vmem>>, vector<16xi32>,
      %add3A_275 = arith.constant 80 : i32
      %add3A_276 = arith.addi %add3A_255, %add3A_275 : i32
      %get3A_277 = arith.index_cast %add3A_276 : i32 to index
      %get3A_278 = tpu.vector_load %arg7[%get3A_277] {strides = array<i32>} : memref<16384xi32, #tpu.memory_space<vmem>>, vector<16xi32>,
      %add3A_279 = arith.constant 96 : i32
      %add3A_280 = arith.addi %add3A_255, %add3A_279 : i32
      %get3A_281 = arith.index_cast %add3A_280 : i32 to index
      %get3A_282 = tpu.vector_load %arg7[%get3A_281] {strides = array<i32>} : memref<16384xi32, #tpu.memory_space<vmem>>, vector<16xi32>,
      %add3A_283 = arith.constant 112 : i32
      %add3A_284 = arith.addi %add3A_255, %add3A_283 : i32
      %get3A_285 = arith.index_cast %add3A_284 : i32 to index
      %get3A_286 = tpu.vector_load %arg7[%get3A_285] {strides = array<i32>} : memref<16384xi32, #tpu.memory_space<vmem>>, vector<16xi32>,
      %gather3A = tpu.vector_load_idx %arg6[%broadcast_in_dim3A_1, %get3A_258] : memref<1x100096xf32, #tpu.memory_space<vmem>>[vector<16xi32>, vector<16xi32>], vector<16xf32>,
      %gather3A_287 = tpu.vector_load_idx %arg6[%broadcast_in_dim3A_1, %get3A_262] : memref<1x100096xf32, #tpu.memory_space<vmem>>[vector<16xi32>, vector<16xi32>], vector<16xf32>,
      %gather3A_288 = tpu.vector_load_idx %arg6[%broadcast_in_dim3A_1, %get3A_266] : memref<1x100096xf32, #tpu.memory_space<vmem>>[vector<16xi32>, vector<16xi32>], vector<16xf32>,
      %gather3A_289 = tpu.vector_load_idx %arg6[%broadcast_in_dim3A_1, %get3A_270] : memref<1x100096xf32, #tpu.memory_space<vmem>>[vector<16xi32>, vector<16xi32>], vector<16xf32>,
      %gather3A_290 = tpu.vector_load_idx %arg6[%broadcast_in_dim3A_1, %get3A_274] : memref<1x100096xf32, #tpu.memory_space<vmem>>[vector<16xi32>, vector<16xi32>], vector<16xf32>,
      %gather3A_291 = tpu.vector_load_idx %arg6[%broadcast_in_dim3A_1, %get3A_278] : memref<1x100096xf32, #tpu.memory_space<vmem>>[vector<16xi32>, vector<16xi32>], vector<16xf32>,
      %gather3A_292 = tpu.vector_load_idx %arg6[%broadcast_in_dim3A_1, %get3A_282] : memref<1x100096xf32, #tpu.memory_space<vmem>>[vector<16xi32>, vector<16xi32>], vector<16xf32>,
      %gather3A_293 = tpu.vector_load_idx %arg6[%broadcast_in_dim3A_1, %get3A_286] : memref<1x100096xf32, #tpu.memory_space<vmem>>[vector<16xi32>, vector<16xi32>], vector<16xf32>,
      %mul3A_294 = arith.constant 128 : i32
      %mul3A_295 = arith.muli %scan3A_251, %mul3A_294 : i32
      %add3A_296 = arith.constant 0 : i32
      %add3A_297 = arith.addi %mul3A_295, %add3A_296 : i32
      %swap3A = arith.constant 0 : i32
      %swap3A_298 = arith.index_cast %swap3A : i32 to index
      %swap3A_299 = arith.index_cast %add3A_297 : i32 to index
      %swap3A_300 = tpu.vector_load %arg9[%swap3A_298, %swap3A_299] {strides = array<i32>} : memref<1x4096xf32, #tpu.memory_space<vmem>>, vector<16xf32>,
      tpu.vector_store %arg9[%swap3A_298, %swap3A_299], %gather3A {strides = array<i32>} : memref<1x4096xf32, #tpu.memory_space<vmem>>, vector<16xf32>,
      %mul3A_301 = arith.constant 128 : i32
      %mul3A_302 = arith.muli %scan3A_251, %mul3A_301 : i32
      %add3A_303 = arith.constant 16 : i32
      %add3A_304 = arith.addi %mul3A_302, %add3A_303 : i32
      %swap3A_305 = arith.constant 0 : i32
      %swap3A_306 = arith.index_cast %swap3A_305 : i32 to index
      %swap3A_307 = arith.index_cast %add3A_304 : i32 to index
      %swap3A_308 = tpu.vector_load %arg9[%swap3A_306, %swap3A_307] {strides = array<i32>} : memref<1x4096xf32, #tpu.memory_space<vmem>>, vector<16xf32>,
      tpu.vector_store %arg9[%swap3A_306, %swap3A_307], %gather3A_287 {strides = array<i32>} : memref<1x4096xf32, #tpu.memory_space<vmem>>, vector<16xf32>,
      %mul3A_309 = arith.constant 128 : i32
      %mul3A_310 = arith.muli %scan3A_251, %mul3A_309 : i32
      %add3A_311 = arith.constant 32 : i32
      %add3A_312 = arith.addi %mul3A_310, %add3A_311 : i32
      %swap3A_313 = arith.constant 0 : i32
      %swap3A_314 = arith.index_cast %swap3A_313 : i32 to index
      %swap3A_315 = arith.index_cast %add3A_312 : i32 to index
      %swap3A_316 = tpu.vector_load %arg9[%swap3A_314, %swap3A_315] {strides = array<i32>} : memref<1x4096xf32, #tpu.memory_space<vmem>>, vector<16xf32>,
      tpu.vector_store %arg9[%swap3A_314, %swap3A_315], %gather3A_288 {strides = array<i32>} : memref<1x4096xf32, #tpu.memory_space<vmem>>, vector<16xf32>,
      %mul3A_317 = arith.constant 128 : i32
      %mul3A_318 = arith.muli %scan3A_251, %mul3A_317 : i32
      %add3A_319 = arith.constant 48 : i32
      %add3A_320 = arith.addi %mul3A_318, %add3A_319 : i32
      %swap3A_321 = arith.constant 0 : i32
      %swap3A_322 = arith.index_cast %swap3A_321 : i32 to index
      %swap3A_323 = arith.index_cast %add3A_320 : i32 to index
      %swap3A_324 = tpu.vector_load %arg9[%swap3A_322, %swap3A_323] {strides = array<i32>} : memref<1x4096xf32, #tpu.memory_space<vmem>>, vector<16xf32>,
      tpu.vector_store %arg9[%swap3A_322, %swap3A_323], %gather3A_289 {strides = array<i32>} : memref<1x4096xf32, #tpu.memory_space<vmem>>, vector<16xf32>,
      %mul3A_325 = arith.constant 128 : i32
      %mul3A_326 = arith.muli %scan3A_251, %mul3A_325 : i32
      %add3A_327 = arith.constant 64 : i32
      %add3A_328 = arith.addi %mul3A_326, %add3A_327 : i32
      %swap3A_329 = arith.constant 0 : i32
      %swap3A_330 = arith.index_cast %swap3A_329 : i32 to index
      %swap3A_331 = arith.index_cast %add3A_328 : i32 to index
      %swap3A_332 = tpu.vector_load %arg9[%swap3A_330, %swap3A_331] {strides = array<i32>} : memref<1x4096xf32, #tpu.memory_space<vmem>>, vector<16xf32>,
      tpu.vector_store %arg9[%swap3A_330, %swap3A_331], %gather3A_290 {strides = array<i32>} : memref<1x4096xf32, #tpu.memory_space<vmem>>, vector<16xf32>,
      %mul3A_333 = arith.constant 128 : i32
      %mul3A_334 = arith.muli %scan3A_251, %mul3A_333 : i32
      %add3A_335 = arith.constant 80 : i32
      %add3A_336 = arith.addi %mul3A_334, %add3A_335 : i32
      %swap3A_337 = arith.constant 0 : i32
      %swap3A_338 = arith.index_cast %swap3A_337 : i32 to index
      %swap3A_339 = arith.index_cast %add3A_336 : i32 to index
      %swap3A_340 = tpu.vector_load %arg9[%swap3A_338, %swap3A_339] {strides = array<i32>} : memref<1x4096xf32, #tpu.memory_space<vmem>>, vector<16xf32>,
      tpu.vector_store %arg9[%swap3A_338, %swap3A_339], %gather3A_291 {strides = array<i32>} : memref<1x4096xf32, #tpu.memory_space<vmem>>, vector<16xf32>,
      %mul3A_341 = arith.constant 128 : i32
      %mul3A_342 = arith.muli %scan3A_251, %mul3A_341 : i32
      %add3A_343 = arith.constant 96 : i32
      %add3A_344 = arith.addi %mul3A_342, %add3A_343 : i32
      %swap3A_345 = arith.constant 0 : i32
      %swap3A_346 = arith.index_cast %swap3A_345 : i32 to index
      %swap3A_347 = arith.index_cast %add3A_344 : i32 to index
      %swap3A_348 = tpu.vector_load %arg9[%swap3A_346, %swap3A_347] {strides = array<i32>} : memref<1x4096xf32, #tpu.memory_space<vmem>>, vector<16xf32>,
      tpu.vector_store %arg9[%swap3A_346, %swap3A_347], %gather3A_292 {strides = array<i32>} : memref<1x4096xf32, #tpu.memory_space<vmem>>, vector<16xf32>,
      %mul3A_349 = arith.constant 128 : i32
      %mul3A_350 = arith.muli %scan3A_251, %mul3A_349 : i32
      %add3A_351 = arith.constant 112 : i32
      %add3A_352 = arith.addi %mul3A_350, %add3A_351 : i32
      %swap3A_353 = arith.constant 0 : i32
      %swap3A_354 = arith.index_cast %swap3A_353 : i32 to index
      %swap3A_355 = arith.index_cast %add3A_352 : i32 to index
      %swap3A_356 = tpu.vector_load %arg9[%swap3A_354, %swap3A_355] {strides = array<i32>} : memref<1x4096xf32, #tpu.memory_space<vmem>>, vector<16xf32>,
      tpu.vector_store %arg9[%swap3A_354, %swap3A_355], %gather3A_293 {strides = array<i32>} : memref<1x4096xf32, #tpu.memory_space<vmem>>, vector<16xf32>,
      %scan3A_357 = arith.constant 1 : i32
      %scan3A_358 = arith.addi %scan3A_251, %scan3A_357 : i32
      %mul3A_359 = arith.constant 128 : i32
      %mul3A_360 = arith.muli %scan3A_358, %mul3A_359 : i32
      %add3A_361 = arith.constant 12288 : i32
      %add3A_362 = arith.addi %add3A_361, %mul3A_360 : i32
      %add3A_363 = arith.constant 0 : i32
      %add3A_364 = arith.addi %add3A_362, %add3A_363 : i32
      %get3A_365 = arith.index_cast %add3A_364 : i32 to index
      %get3A_366 = tpu.vector_load %arg7[%get3A_365] {strides = array<i32>} : memref<16384xi32, #tpu.memory_space<vmem>>, vector<16xi32>,
      %add3A_367 = arith.constant 16 : i32
      %add3A_368 = arith.addi %add3A_362, %add3A_367 : i32
      %get3A_369 = arith.index_cast %add3A_368 : i32 to index
      %get3A_370 = tpu.vector_load %arg7[%get3A_369] {strides = array<i32>} : memref<16384xi32, #tpu.memory_space<vmem>>, vector<16xi32>,
      %add3A_371 = arith.constant 32 : i32
      %add3A_372 = arith.addi %add3A_362, %add3A_371 : i32
      %get3A_373 = arith.index_cast %add3A_372 : i32 to index
      %get3A_374 = tpu.vector_load %arg7[%get3A_373] {strides = array<i32>} : memref<16384xi32, #tpu.memory_space<vmem>>, vector<16xi32>,
      %add3A_375 = arith.constant 48 : i32
      %add3A_376 = arith.addi %add3A_362, %add3A_375 : i32
      %get3A_377 = arith.index_cast %add3A_376 : i32 to index
      %get3A_378 = tpu.vector_load %arg7[%get3A_377] {strides = array<i32>} : memref<16384xi32, #tpu.memory_space<vmem>>, vector<16xi32>,
      %add3A_379 = arith.constant 64 : i32
      %add3A_380 = arith.addi %add3A_362, %add3A_379 : i32
      %get3A_381 = arith.index_cast %add3A_380 : i32 to index
      %get3A_382 = tpu.vector_load %arg7[%get3A_381] {strides = array<i32>} : memref<16384xi32, #tpu.memory_space<vmem>>, vector<16xi32>,
      %add3A_383 = arith.constant 80 : i32
      %add3A_384 = arith.addi %add3A_362, %add3A_383 : i32
      %get3A_385 = arith.index_cast %add3A_384 : i32 to index
      %get3A_386 = tpu.vector_load %arg7[%get3A_385] {strides = array<i32>} : memref<16384xi32, #tpu.memory_space<vmem>>, vector<16xi32>,
      %add3A_387 = arith.constant 96 : i32
      %add3A_388 = arith.addi %add3A_362, %add3A_387 : i32
      %get3A_389 = arith.index_cast %add3A_388 : i32 to index
      %get3A_390 = tpu.vector_load %arg7[%get3A_389] {strides = array<i32>} : memref<16384xi32, #tpu.memory_space<vmem>>, vector<16xi32>,
      %add3A_391 = arith.constant 112 : i32
      %add3A_392 = arith.addi %add3A_362, %add3A_391 : i32
      %get3A_393 = arith.index_cast %add3A_392 : i32 to index
      %get3A_394 = tpu.vector_load %arg7[%get3A_393] {strides = array<i32>} : memref<16384xi32, #tpu.memory_space<vmem>>, vector<16xi32>,
      %gather3A_395 = tpu.vector_load_idx %arg6[%broadcast_in_dim3A_1, %get3A_366] : memref<1x100096xf32, #tpu.memory_space<vmem>>[vector<16xi32>, vector<16xi32>], vector<16xf32>,
      %gather3A_396 = tpu.vector_load_idx %arg6[%broadcast_in_dim3A_1, %get3A_370] : memref<1x100096xf32, #tpu.memory_space<vmem>>[vector<16xi32>, vector<16xi32>], vector<16xf32>,
      %gather3A_397 = tpu.vector_load_idx %arg6[%broadcast_in_dim3A_1, %get3A_374] : memref<1x100096xf32, #tpu.memory_space<vmem>>[vector<16xi32>, vector<16xi32>], vector<16xf32>,
      %gather3A_398 = tpu.vector_load_idx %arg6[%broadcast_in_dim3A_1, %get3A_378] : memref<1x100096xf32, #tpu.memory_space<vmem>>[vector<16xi32>, vector<16xi32>], vector<16xf32>,
      %gather3A_399 = tpu.vector_load_idx %arg6[%broadcast_in_dim3A_1, %get3A_382] : memref<1x100096xf32, #tpu.memory_space<vmem>>[vector<16xi32>, vector<16xi32>], vector<16xf32>,
      %gather3A_400 = tpu.vector_load_idx %arg6[%broadcast_in_dim3A_1, %get3A_386] : memref<1x100096xf32, #tpu.memory_space<vmem>>[vector<16xi32>, vector<16xi32>], vector<16xf32>,
      %gather3A_401 = tpu.vector_load_idx %arg6[%broadcast_in_dim3A_1, %get3A_390] : memref<1x100096xf32, #tpu.memory_space<vmem>>[vector<16xi32>, vector<16xi32>], vector<16xf32>,
      %gather3A_402 = tpu.vector_load_idx %arg6[%broadcast_in_dim3A_1, %get3A_394] : memref<1x100096xf32, #tpu.memory_space<vmem>>[vector<16xi32>, vector<16xi32>], vector<16xf32>,
      %mul3A_403 = arith.constant 128 : i32
      %mul3A_404 = arith.muli %scan3A_358, %mul3A_403 : i32
      %add3A_405 = arith.constant 0 : i32
      %add3A_406 = arith.addi %mul3A_404, %add3A_405 : i32
      %swap3A_407 = arith.constant 0 : i32
      %swap3A_408 = arith.index_cast %swap3A_407 : i32 to index
      %swap3A_409 = arith.index_cast %add3A_406 : i32 to index
      %swap3A_410 = tpu.vector_load %arg9[%swap3A_408, %swap3A_409] {strides = array<i32>} : memref<1x4096xf32, #tpu.memory_space<vmem>>, vector<16xf32>,
      tpu.vector_store %arg9[%swap3A_408, %swap3A_409], %gather3A_395 {strides = array<i32>} : memref<1x4096xf32, #tpu.memory_space<vmem>>, vector<16xf32>,
      %mul3A_411 = arith.constant 128 : i32
      %mul3A_412 = arith.muli %scan3A_358, %mul3A_411 : i32
      %add3A_413 = arith.constant 16 : i32
      %add3A_414 = arith.addi %mul3A_412, %add3A_413 : i32
      %swap3A_415 = arith.constant 0 : i32
      %swap3A_416 = arith.index_cast %swap3A_415 : i32 to index
      %swap3A_417 = arith.index_cast %add3A_414 : i32 to index
      %swap3A_418 = tpu.vector_load %arg9[%swap3A_416, %swap3A_417] {strides = array<i32>} : memref<1x4096xf32, #tpu.memory_space<vmem>>, vector<16xf32>,
      tpu.vector_store %arg9[%swap3A_416, %swap3A_417], %gather3A_396 {strides = array<i32>} : memref<1x4096xf32, #tpu.memory_space<vmem>>, vector<16xf32>,
      %mul3A_419 = arith.constant 128 : i32
      %mul3A_420 = arith.muli %scan3A_358, %mul3A_419 : i32
      %add3A_421 = arith.constant 32 : i32
      %add3A_422 = arith.addi %mul3A_420, %add3A_421 : i32
      %swap3A_423 = arith.constant 0 : i32
      %swap3A_424 = arith.index_cast %swap3A_423 : i32 to index
      %swap3A_425 = arith.index_cast %add3A_422 : i32 to index
      %swap3A_426 = tpu.vector_load %arg9[%swap3A_424, %swap3A_425] {strides = array<i32>} : memref<1x4096xf32, #tpu.memory_space<vmem>>, vector<16xf32>,
      tpu.vector_store %arg9[%swap3A_424, %swap3A_425], %gather3A_397 {strides = array<i32>} : memref<1x4096xf32, #tpu.memory_space<vmem>>, vector<16xf32>,
      %mul3A_427 = arith.constant 128 : i32
      %mul3A_428 = arith.muli %scan3A_358, %mul3A_427 : i32
      %add3A_429 = arith.constant 48 : i32
      %add3A_430 = arith.addi %mul3A_428, %add3A_429 : i32
      %swap3A_431 = arith.constant 0 : i32
      %swap3A_432 = arith.index_cast %swap3A_431 : i32 to index
      %swap3A_433 = arith.index_cast %add3A_430 : i32 to index
      %swap3A_434 = tpu.vector_load %arg9[%swap3A_432, %swap3A_433] {strides = array<i32>} : memref<1x4096xf32, #tpu.memory_space<vmem>>, vector<16xf32>,
      tpu.vector_store %arg9[%swap3A_432, %swap3A_433], %gather3A_398 {strides = array<i32>} : memref<1x4096xf32, #tpu.memory_space<vmem>>, vector<16xf32>,
      %mul3A_435 = arith.constant 128 : i32
      %mul3A_436 = arith.muli %scan3A_358, %mul3A_435 : i32
      %add3A_437 = arith.constant 64 : i32
      %add3A_438 = arith.addi %mul3A_436, %add3A_437 : i32
      %swap3A_439 = arith.constant 0 : i32
      %swap3A_440 = arith.index_cast %swap3A_439 : i32 to index
      %swap3A_441 = arith.index_cast %add3A_438 : i32 to index
      %swap3A_442 = tpu.vector_load %arg9[%swap3A_440, %swap3A_441] {strides = array<i32>} : memref<1x4096xf32, #tpu.memory_space<vmem>>, vector<16xf32>,
      tpu.vector_store %arg9[%swap3A_440, %swap3A_441], %gather3A_399 {strides = array<i32>} : memref<1x4096xf32, #tpu.memory_space<vmem>>, vector<16xf32>,
      %mul3A_443 = arith.constant 128 : i32
      %mul3A_444 = arith.muli %scan3A_358, %mul3A_443 : i32
      %add3A_445 = arith.constant 80 : i32
      %add3A_446 = arith.addi %mul3A_444, %add3A_445 : i32
      %swap3A_447 = arith.constant 0 : i32
      %swap3A_448 = arith.index_cast %swap3A_447 : i32 to index
      %swap3A_449 = arith.index_cast %add3A_446 : i32 to index
      %swap3A_450 = tpu.vector_load %arg9[%swap3A_448, %swap3A_449] {strides = array<i32>} : memref<1x4096xf32, #tpu.memory_space<vmem>>, vector<16xf32>,
      tpu.vector_store %arg9[%swap3A_448, %swap3A_449], %gather3A_400 {strides = array<i32>} : memref<1x4096xf32, #tpu.memory_space<vmem>>, vector<16xf32>,
      %mul3A_451 = arith.constant 128 : i32
      %mul3A_452 = arith.muli %scan3A_358, %mul3A_451 : i32
      %add3A_453 = arith.constant 96 : i32
      %add3A_454 = arith.addi %mul3A_452, %add3A_453 : i32
      %swap3A_455 = arith.constant 0 : i32
      %swap3A_456 = arith.index_cast %swap3A_455 : i32 to index
      %swap3A_457 = arith.index_cast %add3A_454 : i32 to index
      %swap3A_458 = tpu.vector_load %arg9[%swap3A_456, %swap3A_457] {strides = array<i32>} : memref<1x4096xf32, #tpu.memory_space<vmem>>, vector<16xf32>,
      tpu.vector_store %arg9[%swap3A_456, %swap3A_457], %gather3A_401 {strides = array<i32>} : memref<1x4096xf32, #tpu.memory_space<vmem>>, vector<16xf32>,
      %mul3A_459 = arith.constant 128 : i32
      %mul3A_460 = arith.muli %scan3A_358, %mul3A_459 : i32
      %add3A_461 = arith.constant 112 : i32
      %add3A_462 = arith.addi %mul3A_460, %add3A_461 : i32
      %swap3A_463 = arith.constant 0 : i32
      %swap3A_464 = arith.index_cast %swap3A_463 : i32 to index
      %swap3A_465 = arith.index_cast %add3A_462 : i32 to index
      %swap3A_466 = tpu.vector_load %arg9[%swap3A_464, %swap3A_465] {strides = array<i32>} : memref<1x4096xf32, #tpu.memory_space<vmem>>, vector<16xf32>,
      tpu.vector_store %arg9[%swap3A_464, %swap3A_465], %gather3A_402 {strides = array<i32>} : memref<1x4096xf32, #tpu.memory_space<vmem>>, vector<16xf32>,
    }
    %scan3A_238 = arith.constant 32 : i32
    %dma_start3A_239 = arith.constant 12288 : i32
    %dma_start3A_240 = tpu.memref_slice %arg5[%add3A_150, %dma_start3A_239] : memref<64x16384xf32, #tpu.memory_space<hbm>> -> memref<1x4096xf32, #tpu.memory_space<hbm>>
    %dma_start3A_241 = arith.constant 12288 : i32
    %dma_start3A_242 = tpu.memref_slice %arg5[%add3A_150, %dma_start3A_241] : memref<64x16384xf32, #tpu.memory_space<hbm>> -> memref<1x4096xf32, #tpu.memory_space<hbm>>
    tpu.enqueue_dma source(%arg9 : memref<1x4096xf32, #tpu.memory_space<vmem>>) target(%dma_start3A_242 : memref<1x4096xf32, #tpu.memory_space<hbm>>) target_semaphore(%arg12 : memref<!tpu.dma_semaphore, #tpu.memory_space<semaphore_mem>>)
    %dma_wait3A_243 = arith.constant 8192 : i32
    %dma_wait3A_244 = tpu.memref_slice %arg5[%add3A_150, %dma_wait3A_243] : memref<64x16384xf32, #tpu.memory_space<hbm>> -> memref<1x4096xf32, #tpu.memory_space<hbm>>
    %dma_wait3A_245 = arith.constant 8192 : i32
    %dma_wait3A_246 = tpu.memref_slice %arg5[%add3A_150, %dma_wait3A_245] : memref<64x16384xf32, #tpu.memory_space<hbm>> -> memref<1x4096xf32, #tpu.memory_space<hbm>>
    tpu.wait_dma2 semaphore(%arg11 : memref<!tpu.dma_semaphore, #tpu.memory_space<semaphore_mem>>) src(%arg8 : memref<1x4096xf32, #tpu.memory_space<vmem>>) dst(%dma_wait3A_246 : memref<1x4096xf32, #tpu.memory_space<hbm>>)
    %dma_wait3A_247 = arith.constant 12288 : i32
    %dma_wait3A_248 = tpu.memref_slice %arg5[%add3A_150, %dma_wait3A_247] : memref<64x16384xf32, #tpu.memory_space<hbm>> -> memref<1x4096xf32, #tpu.memory_space<hbm>>
    %dma_wait3A_249 = arith.constant 12288 : i32
    %dma_wait3A_250 = tpu.memref_slice %arg5[%add3A_150, %dma_wait3A_249] : memref<64x16384xf32, #tpu.memory_space<hbm>> -> memref<1x4096xf32, #tpu.memory_space<hbm>>
    tpu.wait_dma2 semaphore(%arg12 : memref<!tpu.dma_semaphore, #tpu.memory_space<semaphore_mem>>) src(%arg9 : memref<1x4096xf32, #tpu.memory_space<vmem>>) dst(%dma_wait3A_250 : memref<1x4096xf32, #tpu.memory_space<hbm>>)
    return
  }
}

</mosaic_0001>

<sc_bundles>
// kernel: _lookup.3.cloned.1.call-start
scs
__scs_entry_jumppad:
0x0: {  	(pc) =	sbr.rel $0x88, $3  }
0x1: {  	(tag) =	ssettag $0x0;
	lr =	simm.s32 $0x1  }
0x2: {  	[smem:$0x3F9E] =	sst lr;
	_ =	strace $0xD0000000  }
0x3: {  	_ = 	snop  }
0x4: {  	_ = 	snop  }
0x5: {  	_ = 	snop  }
0x6: {  	_ = 	snop  }
0x7: {  	_ = 	snop  }
__scs_overlays_trampoline_lowered:
0x8: {  	[smem:$0x3FAD] =	sst s0  }
0x9: {  	[smem:$0x3FAE] =	sst s1  }
0xa: {  	[smem:$0x3FAF] =	sst s2  }
0xb: {  	[smem:$0x3FB0] =	sst s3  }
0xc: {  	[smem:$0x3FB1] =	sst s4  }
0xd: {  	[smem:$0x3FB2] =	sst s5  }
0xe: {  	[smem:$0x3FB3] =	sst s6  }
0xf: {  	[smem:$0x3FB4] =	sst s7  }
0x10: {  	[smem:$0x3FB5] =	sst s8  }
0x11: {  	[smem:$0x3FB6] =	sst s9;
	s0 =	simm.s32 @!p0 $0x0  }
0x12: {  	s1 =	sld [smem:$0x3F9C];
	s0 =	simm.s32 @p0 $0x1  }
0x13: {  	[smem:$0x3FB7] =	sst s0;
	s0 =	simm.s32 @!p1 $0x0  }
0x14: {  	s2 =	sld [smem:$0x3F9B];
	s0 =	simm.s32 @p1 $0x1  }
0x15: {  	[smem:$0x3FB8] =	sst s0;
	s0 =	simm.s32 @!p2 $0x0  }
0x16: {  	s3 =	sld [smem:$0x3FDB];
	s0 =	simm.s32 @p2 $0x1  }
0x17: {  	s4 =	simm.s32 $0x1BF5;
	[smem:$0x3FBA] =	sst s0  }
0x18: {  	s0 =	sld [smem:$0x3F9D];
	_ =	swait.ge [sflag:s4], $0x0  }
0x19: {  	s7 =	sld [smem:$0x3F9E]  }
0x1a: {  	s8 =	sadd.s32 $0xFFFFE003, lr  }
0x1b: {  	s9 =	sadd.s32 $0xFFFFFEF7, lr;
	s5 =	simm.s32 $0xFFFFFFFF;
	p2 =	slt.u32 s8, $0xFFFFF086  }
0x1c: {  	p1 =	slt.u32 s9, $0xF7A;
	s5 =	simm.s32 @!p2 $0x0  }
0x1d: {  	s5 =	simm.s32 @p1 $0x1;
	p0 =	seq.s32 s7, s2  }
0x1e: {  	s7 =	smul.u32 @!p0 $0xF7A, s2;
	p2 =	seq.s32 @!p0 s5, $0x0  }
0x1f: {  	s9 =	smul.u32 $0xF7A, s1;
	s8 =	simm.s32 @!p0 $0x1BF5;
	p2 =	por !p2, p0  }
0x20: {  	[sflag:s8] =	ssyncset.s32 @!p0 $0xFFFFF086;
	s6 =	sadd.s32 @!p0 s3, s7;
	s7 =	simm.s32 @!p0 $0x108  }
0x21: {  	s3 =	sadd.s32 s3, s9;
	s6 =	sadd.s32 @!p0 $0x88, s6;
	s7 =	simm.s32 @p2 $0x1082  }
0x22: {  	[simem:s7], [sflag:s8] =	dma.local @!p0 [hbm:s6], $0xF7A  }
0x23: {  	s9 =	sor.u32 $0xD0000000, s2;
	s6 =	simm.s32 $0x108;
	_ =	swait.ge @!p0 [sflag:s8], $0x0  }
0x24: {  	s3 =	sadd.s32 $0x88, s3;
	s6 =	simm.s32 @!p1 $0x1082;
	[sflag:s4] =	ssyncset.s32 $0xFFFFF086  }
0x25: {  	[simem:s6], [sflag:s4] =	dma.local [hbm:s3], $0xF7A  }
0x26: {  	[smem:$0x3F9E] =	sst s1;
	(tag) =	ssettag s2;
	_ =	strace s9  }
0x27: {  	s1 =	sld [smem:$0x3FAE]  }
0x28: {  	s2 =	sld [smem:$0x3FAF]  }
0x29: {  	s4 =	sld [smem:$0x3FB1]  }
0x2a: {  	p0 =	seq.s32 s5, $0x0;
	s5 =	sld [smem:$0x3FB2]  }
0x2b: {  	s6 =	sld [smem:$0x3FB3]  }
0x2c: {  	s7 =	sld [smem:$0x3FB4]  }
0x2d: {  	s3 =	simm.s32 $0x108;
	s8 =	sld [smem:$0x3FB5]  }
0x2e: {  	s3 =	simm.s32 @!p0 $0x1082;
	s9 =	sld [smem:$0x3FB6]  }
0x2f: {  	lr =	sadd.s32 s0, s3;
	s0 =	sld [smem:$0x3FAD]  }
0x30: {  	s3 =	sld [smem:$0x3FB0]  }
0x31: {  	[smem:$0x3FB9] =	sst s10  }
0x32: {  	s10 =	sld [smem:$0x3FB7];
	_ =	sdelay $0x3  }
0x33: {  	p0 =	seq.s32 s10, $0x1;
	s10 =	sld [smem:$0x3FB9];
	_ =	sdelay $0x3  }
0x34: {  	[smem:$0x3FB9] =	sst s10  }
0x35: {  	s10 =	sld [smem:$0x3FB8];
	_ =	sdelay $0x3  }
0x36: {  	p1 =	seq.s32 s10, $0x1;
	s10 =	sld [smem:$0x3FB9];
	_ =	sdelay $0x3  }
0x37: {  	[smem:$0x3FB9] =	sst s10  }
0x38: {  	s10 =	sld [smem:$0x3FBA]  }
0x39: {  	_ = 	snop;
	(pc) =	sbr.ind lr, $3  }
0x3a: {  	_ = 	snop  }
0x3b: {  	_ = 	snop  }
0x3c: {  	p2 =	seq.s32 s10, $0x1;
	s10 =	sld [smem:$0x3FB9]  }
0x3d: {  	_ =	shalt  }
0x3e: {  	_ =	shalt  }
0x3f: {  	_ =	shalt  }
0x40: {  	_ =	shalt  }
0x41: {  	_ =	shalt  }
0x42: {  	_ =	shalt  }
0x43: {  	_ =	shalt  }
0x44: {  	_ =	shalt  }
0x45: {  	_ =	shalt  }
0x46: {  	_ =	shalt  }
0x47: {  	_ =	shalt  }
0x48: {  	_ =	shalt  }
0x49: {  	_ =	shalt  }
0x4a: {  	_ =	shalt  }
0x4b: {  	_ =	shalt  }
0x4c: {  	_ =	shalt  }
0x4d: {  	_ =	shalt  }
0x4e: {  	_ =	shalt  }
0x4f: {  	_ =	shalt  }
0x50: {  	_ =	shalt  }
0x51: {  	_ =	shalt  }
0x52: {  	_ =	shalt  }
0x53: {  	_ =	shalt  }
0x54: {  	_ =	shalt  }
0x55: {  	_ =	shalt  }
0x56: {  	_ =	shalt  }
0x57: {  	_ =	shalt  }
0x58: {  	_ =	shalt  }
0x59: {  	_ =	shalt  }
0x5a: {  	_ =	shalt  }
0x5b: {  	_ =	shalt  }
0x5c: {  	_ =	shalt  }
0x5d: {  	_ =	shalt  }
0x5e: {  	_ =	shalt  }
0x5f: {  	_ =	shalt  }
0x60: {  	_ =	shalt  }
0x61: {  	_ =	shalt  }
0x62: {  	_ =	shalt  }
0x63: {  	_ =	shalt  }
0x64: {  	_ =	shalt  }
0x65: {  	_ =	shalt  }
0x66: {  	_ =	shalt  }
0x67: {  	_ =	shalt  }
0x68: {  	_ =	shalt  }
0x69: {  	_ =	shalt  }
0x6a: {  	_ =	shalt  }
0x6b: {  	_ =	shalt  }
0x6c: {  	_ =	shalt  }
0x6d: {  	_ =	shalt  }
0x6e: {  	_ =	shalt  }
0x6f: {  	_ =	shalt  }
0x70: {  	_ =	shalt  }
0x71: {  	_ =	shalt  }
0x72: {  	_ =	shalt  }
0x73: {  	_ =	shalt  }
0x74: {  	_ =	shalt  }
0x75: {  	_ =	shalt  }
0x76: {  	_ =	shalt  }
0x77: {  	_ =	shalt  }
0x78: {  	_ =	shalt  }
0x79: {  	_ =	shalt  }
0x7a: {  	_ =	shalt  }
0x7b: {  	_ =	shalt  }
0x7c: {  	_ =	shalt  }
0x7d: {  	_ =	shalt  }
0x7e: {  	_ =	shalt  }
0x7f: {  	_ =	shalt  }
0x80: {  	_ =	shalt  }
0x81: {  	_ =	shalt  }
0x82: {  	_ =	shalt  }
0x83: {  	_ =	shalt  }
0x84: {  	_ =	shalt  }
0x85: {  	_ =	shalt  }
0x86: {  	_ =	shalt  }
0x87: {  	_ =	shalt  }
.Lfunc_end0:
.L_simem_size_0:
called_computation_lowered:
.L_overlay_start_0:
0x88: {  	s2 =	sld [smem:$0x3FD9]  }
0x89: {  	s3 =	sld [smem:$0x3FFE];
	_ =	sdelay $0x1  }
0x8a: {  	s1 =	srdreg.scid  }
0x8b: {  	s0 =	sand.u32 $0x1, s1  }
0x8c: {  	s18 =	sshll.u32 s0, $0xA;
	s2 =	sadd.s32 s3, s2  }
0x8d: {  	s2 =	sadd.s32 s2, s18  }
0x8e: {  	[smem:$0x3FC5] =	sst s2  }
0x8f: {  	_ = 	snop  }
0x90: {  	s2 =	sld [smem:$0x3FC9]  }
0x91: {  	s19 =	sld [smem:$0x3FC8]  }
0x92: {  	s4 =	sld [smem:$0x3FC7]  }
0x93: {  	s5 =	sld [smem:$0x3FD0];
	(tm) =	ssettm $0x1  }
0x94: {  	s6 =	sld [smem:$0x3FFB];
	_ =	sdelay $0x3  }
0x95: {  	_ =	strace s6  }
0x96: {  	s6 =	sld [smem:$0x3FFC];
	_ =	sdelay $0x3  }
0x97: {  	_ =	strace s6  }
0x98: {  	s6 =	sld [smem:$0x3FFD];
	_ =	sdelay $0x3  }
0x99: {  	_ =	strace s6  }
0x9a: {  	_ =	strace $0x8FFFFFFF  }
0x9b: {  	s20 =	sld [smem:$0x3FDB];
	_ =	sdelay $0x1  }
0x9c: {  	s7 =	simm.s32 $_scs_section_size  }
0x9d: {  	s8 =	simm.s32 $_size__tile_overlayer_lowered;
	s9 =	simm.s32 $_tile_overlayer_lowered  }
0x9e: {  	s23 =	simm.s32 $0x1BFF;
	s22 =	sshll.u32 s9, $0x1;
	s6 =	sadd.s32 s7, s20  }
0x9f: {  	s10 =	simm.s32 $0x0;
	s21 =	sshll.u32 s8, $0x1;
	s8 =	sadd.s32 s22, s6  }
0xa0: {  	[timem:s10], [sflag:s23] =	dma.local [hbm:s8], s21  }
0xa1: {  	_ =	swait.ge [sflag:s23], s21  }
0xa2: {  	s7 =	ssub.s32 $0x0, s21;
	[sflag:s23] =	ssyncset.done $0x0  }
0xa3: {  	[sflag:s23] =	ssyncadd.s32 s7;
	_ =	sdelay $0x1  }
0xa4: {  	s24 =	simm.s32 $0x1B8B  }
0xa5: {  	_ =	swait.ge [sflag:s24], $0x1  }
0xa6: {  	[sflag:s24] =	ssyncset.done $0x0  }
0xa7: {  	s25 =	simm.s32 $0x1B8E;
	[sflag:s24] =	ssyncadd.s32 $0xFFFFFFFF  }
0xa8: {  	s26 =	simm.s32 $execute0_lowered;
	[smem:$0x3FD2] =	sst s25  }
0xa9: {  	s7 =	sshll.u32 s26, $0x1;
	_ =	strace $0x80000046;
	[dreg:$0x1] =	wrdreg $0xFFFFFFFF  }
0xaa: {  	s28 =	simm.s32 $_size_execute0_lowered;
	s6 =	sadd.s32 s6, s7;
	[dreg:$0x0] =	wrdreg $0x0  }
0xab: {  	s7 =	sshll.u32 s28, $0x1;
	[dreg:$0x2] =	wrdreg s6  }
0xac: {  	[dreg:$0x3] =	wrdreg s7  }
0xad: {  	[dreg:$0x4] =	wrdreg $0xC0  }
0xae: {  	_ =	task [dreg:s10], $0x5FFFF  }
0xaf: {  	[dreg:$0x1] =	wrdreg $0xFFFFFFFF  }
0xb0: {  	[dreg:$0x0] =	wrdreg $0x60  }
0xb1: {  	[dreg:$0x2] =	wrdreg s2  }
0xb2: {  	[dreg:$0x3] =	wrdreg s19  }
0xb3: {  	[dreg:$0x4] =	wrdreg s4  }
0xb4: {  	[dreg:$0x5] =	wrdreg s5  }
0xb5: {  	[dreg:$0x6] =	wrdreg $0x9  }
0xb6: {  	_ =	task.clear_ibuf [dreg:s10], $0x7FFFF;
	_ =	strace $0x90000046  }
0xb7: {  	s29 =	simm.s32 $0x9;
	_ =	strace $0x80000048  }
0xb8: {  	_ =	swait.ge [sflag:s29], $0x1  }
0xb9: {  	[sflag:s29] =	ssyncadd.s32 $0xFFFFFFFF  }
0xba: {  	_ =	strace $0x90000048  }
0xbb: {  	_ =	sfence  }
0xbc: {  	s30 =	sld [smem:$0x0];
	_ =	sdelay $0x2  }
0xbd: {  	s31 =	sshll.u32 s1, $0xD;
	s1 =	sshrl.u32 s1, $0x2  }
0xbe: {  	s3 =	sand.u32 $0x4000, s31;
	s1 =	sadd.s32 s1, s30  }
0xbf: {  	s0 =	sor.u32 s3, s0;
	s1 =	sshll.u32 s1, $0x11  }
0xc0: {  	s0 =	sor.u32 s1, s0  }
0xc1: {  	s0 =	sadd.s32 $0x8F2B, s0  }
0xc2: {  	[sflag:s0] =	ssyncadd.remote.s32 $0x1  }
0xc3: {  	_ =	sfence.sel $0xFFFF  }
0xc4: {  	[dreg:$0x0] =	wrdreg $0xFFFFFFFF;
	(pc) =	sbr.abs _section_cstart, $3  }
0xc5: {  	[dreg:$0x1] =	wrdreg $0xFFFFFFFF  }
0xc6: {  	_ =	task.clear_ibuf [dreg:s10], $0x2FFFF;
	_ =	strace $0x9FFFFFFF  }
0xc7: {  	(tm) =	ssettm $0x7FFFFFFF  }
tec
execute0_lowered:
.L_overlay_start_1:
0x0: {  	(tag) =	ssettag $0x1  }
0x1: {  	s0 =	rddreg [dreg:$0x1]  }
0x2: {  	s1 =	rddreg [dreg:$0x2]  }
0x3: {  	s2 =	rddreg [dreg:$0x3];
	s3 =	srdreg.scid  }
0x4: {  	s5 =	stileid.u32;
	s28 =	simm.s32 $0x1D700;
	s29 =	simm.s32 $0x2  }
0x5: {  	s30 =	simm.s32 $0x3;
	s31 =	simm.s32 $0x0;
	s4 =	sand.u32 $0x1, s3  }
0x6: {  	s18 =	sshll.u32 s5, $0x9;
	s5 =	sshrl.u32 s5, $0x1;
	s3 =	simm.s32 $0x0  }
0x7: {  	s15 =	sadd.s32 $0x1000, s2;
	s17 =	sadd.s32 $0x2000, s2;
	s6 =	sshll.u32 s4, $0x8  }
0x8: {  	s7 =	sand.u32 $0x200, s18;
	s9 =	smul.u32 $0xC3800, s5;
	s4 =	ssub.s32 $0x2, s4  }
0x9: {  	[smem:$0x7FF] =	sst s3;
	s13 =	sshll.u32 s5, $0xA;
	s14 =	sshll.u32 s5, $0x11  }
0xa: {  	s8 =	sor.u32 s6, s7;
	s19 =	sshrl.u32 s4, $0x1;
	_ =	strace $0x80000047  }
0xb: {  	s7 =	sor.u32 s9, s8;
	s18 =	ssub.s32 s4, s19;
	s12 =	sadd.s32 $0x61C00, s9  }
0xc: {  	s22 =	sor.u32 s13, s8;
	s25 =	sor.u32 s14, s8;
	s16 =	sor.u32 $0x80, s8  }
0xd: {  	s19 =	sadd.s32 $0x3000, s2;
	s20 =	sshrl.u32 s7, $0x3;
	s21 =	sor.u32 s8, s12  }
0xe: {  	s24 =	sshrl.u32 s22, $0x3;
	s10 =	sshrl.u32 s25, $0x3;
	s11 =	sor.u32 s9, s16  }
0xf: {  	s12 =	sor.u32 s12, s16;
	s13 =	sor.u32 s13, s16;
	s14 =	sor.u32 s14, s16  }
0x10: {  	s18 =	smax.u32 s18, $0x1;
	s22 =	simm.s32 $0x18680;
	s25 =	simm.s32 $0x1  }
0x11: {  	s4 =	sadd.s32 s0, s20;
	s23 =	sshrl.u32 s21, $0x3;
	s6 =	sadd.s32 s1, s24  }
0x12: {  	s7 =	sadd.s32 s2, s10;
	s8 =	sadd.s32 s10, s15;
	s9 =	sadd.s32 s10, s17  }
0x13: {  	s11 =	sshrl.u32 s11, $0x3;
	s10 =	sadd.s32 s10, s19;
	s12 =	sshrl.u32 s12, $0x3  }
0x14: {  	s26 =	sshrl.u32 s13, $0x3;
	s20 =	sshrl.u32 s14, $0x3;
	s21 =	simm.s32 $0xC380  }
0x15: {  	s24 =	simm.s32 $0x4;
	s5 =	sadd.s32 s0, s23;
	s11 =	sadd.s32 s0, s11  }
0x16: {  	s12 =	sadd.s32 s0, s12;
	s13 =	sadd.s32 s1, s26;
	s14 =	sadd.s32 s2, s20  }
0x17: {  	s15 =	sadd.s32 s20, s15;
	s16 =	sadd.s32 s20, s17;
	s17 =	sadd.s32 s20, s19  }
0x18: {  	s19 =	simm.s32 $0x80;
	s20 =	simm.s32 $0x400;
	s26 =	simm.s32 $0x1C700  }
.LBB2_1:
0x19: {  	[tilespmem:s3], [sflag:$0x1] =	stream.strided.gather [hbm4b:s4+s19], $0xC380, s20, s19, $0x38;
	[tilespmem:$0x1E700] =	vst v63  }
0x1a: {  	_ = 	snop  }
0x1b: {  	[tilespmem:s21], [sflag:$0x1] =	stream.strided.gather [hbm4b:s5+s19], $0xC300, s20, s19, $0x38;
	[tilespmem:$0x1E700] =	vst v63  }
0x1c: {  	_ = 	snop  }
0x1d: {  	[tilespmem:s22], [sflag:$0x1] =	stream.linear.gather [hbm4b:s6+s3], $0x80, $0x38;
	[tilespmem:$0x1E700] =	vst v63  }
0x1e: {  	s0 =	rddreg [dreg:$0x0];
	s1 =	simm.s32 $0x18700  }
0x1f: {  	[tilespmem:s1], [sflag:$0x4] =	stream.linear.gather [hbm4b:s0+s3], $0x4000, $0x38;
	[tilespmem:$0x1E700] =	vst v63  }
0x20: {  	_ =	swait.ge [sflag:s24], $0x4000  }
0x21: {  	[sflag:s24] =	ssyncset.done $0x0  }
0x22: {  	[sflag:s24] =	ssyncadd.s32 $0xFFFFC000  }
0x23: {  	_ =	swait.ge [sflag:s25], $0xC380  }
0x24: {  	[sflag:s25] =	ssyncset.done $0x0  }
0x25: {  	[sflag:s25] =	ssyncadd.s32 $0xFFFF3C80  }
0x26: {  	_ =	swait.ge [sflag:s25], $0xC300  }
0x27: {  	[sflag:s25] =	ssyncset.done $0x0  }
0x28: {  	[sflag:s25] =	ssyncadd.s32 $0xFFFF3D00  }
0x29: {  	_ =	swait.ge [sflag:s25], $0x80  }
0x2a: {  	[sflag:s25] =	ssyncset.done $0x0  }
0x2b: {  	s0 =	simm.s32 $0x18780;
	[sflag:s25] =	ssyncadd.s32 $0xFFFFFF80  }
0x2c: {  	v0 =	vld [tilespmem:s0+$0xFFFFFFE0]  }
0x2d: {  	v1 =	vld [tilespmem:s0+$0xFFFFFFF0]  }
0x2e: {  	v2 =	vld [tilespmem:s0+$0xFFFFFF80]  }
0x2f: {  	v3 =	vld [tilespmem:s0+$0xFFFFFFA0]  }
0x30: {  	v4 =	vld [tilespmem:s0+$0xFFFFFFD0]  }
0x31: {  	v5 =	vld [tilespmem:s0+$0xFFFFFFB0]  }
0x32: {  	v6 =	vld [tilespmem:s0+$0xFFFFFFC0]  }
0x33: {  	v7 =	vld [tilespmem:s0+$0xFFFFFF90]  }
0x34: {  	v0 =	vld.idx.msk [tilespmem:v0+s3+$0x0], $0xffff  }
0x35: {  	v1 =	vld.idx.msk [tilespmem:v1+s3+$0x0], $0xffff  }
0x36: {  	v2 =	vld.idx.msk [tilespmem:v2+s3+$0x0], $0xffff  }
0x37: {  	v3 =	vld.idx.msk [tilespmem:v3+s3+$0x0], $0xffff  }
0x38: {  	v4 =	vld.idx.msk [tilespmem:v4+s3+$0x0], $0xffff  }
0x39: {  	v5 =	vld.idx.msk [tilespmem:v5+s3+$0x0], $0xffff  }
0x3a: {  	s2 =	simm.s32 $0x1C780;
	v6 =	vld.idx.msk [tilespmem:v6+s3+$0x0], $0xffff  }
0x3b: {  	v7 =	vld.idx.msk [tilespmem:v7+s3+$0x0], $0xffff;
	[tilespmem:s2+$0xFFFFFFF0] =	vst v1  }
0x3c: {  	[tilespmem:s2+$0xFFFFFF80] =	vst v2  }
0x3d: {  	[tilespmem:s2+$0xFFFFFFA0] =	vst v3  }
0x3e: {  	[tilespmem:s2+$0xFFFFFFD0] =	vst v4  }
0x3f: {  	[tilespmem:s2+$0xFFFFFFC0] =	vst v6  }
0x40: {  	[tilespmem:s2+$0xFFFFFFB0] =	vst v5  }
0x41: {  	[tilespmem:s2+$0xFFFFFF90] =	vst v7  }
0x42: {  	[tilespmem:s2+$0xFFFFFFE0] =	vst v0  }
0x43: {  	v0 =	vld [tilespmem:s0+$0x70]  }
0x44: {  	v6 =	vld [tilespmem:s0+$0x10]  }
0x45: {  	v7 =	vld [tilespmem:s0+$0x20]  }
0x46: {  	v8 =	vld [tilespmem:s0+$0x60]  }
0x47: {  	v5 =	vld [tilespmem:s0+$0x40]  }
0x48: {  	v2 =	vld [tilespmem:s0+$0x50]  }
0x49: {  	v3 =	vld [tilespmem:s0+$0x0]  }
0x4a: {  	v4 =	vld [tilespmem:s0+$0x30]  }
0x4b: {  	v1 =	vld.idx.msk [tilespmem:v0+s3+$0x0], $0xffff  }
0x4c: {  	v0 =	vld.idx.msk [tilespmem:v6+s3+$0x0], $0xffff  }
0x4d: {  	v7 =	vld.idx.msk [tilespmem:v7+s3+$0x0], $0xffff  }
0x4e: {  	s23 =	simm.s32 $0x0;
	s1 =	simm.s32 $0x1C780;
	v6 =	vld.idx.msk [tilespmem:v8+s3+$0x0], $0xffff  }
.LBB2_2:
0x4f: {  	s23 =	sadd.s32 $0x2, s23;
	v5 =	vld.idx.msk [tilespmem:v5+s3+$0x0], $0xffff;
	s2 =	sadd.s32 $0x100, s2;
	s0 =	sadd.s32 $0x100, s0  }
0x50: {  	p0 =	slt.u32 s23, $0x1E;
	v2 =	vld.idx.msk [tilespmem:v2+s3+$0x0], $0xffff  }
0x51: {  	v3 =	vld.idx.msk [tilespmem:v3+s3+$0x0], $0xffff  }
0x52: {  	v4 =	vld.idx.msk [tilespmem:v4+s3+$0x0], $0xffff  }
0x53: {  	[tilespmem:s1+$0x20] =	vst v7  }
0x54: {  	[tilespmem:s1+$0x70] =	vst v1  }
0x55: {  	[tilespmem:s1+$0x60] =	vst v6  }
0x56: {  	[tilespmem:s1+$0x50] =	vst v2  }
0x57: {  	[tilespmem:s1+$0x0] =	vst v3  }
0x58: {  	[tilespmem:s1+$0x40] =	vst v5  }
0x59: {  	[tilespmem:s1+$0x30] =	vst v4  }
0x5a: {  	[tilespmem:s1+$0x10] =	vst v0;
	s1 =	smov.u32 s2  }
0x5b: {  	v0 =	vld [tilespmem:s0+$0xFFFFFFE0]  }
0x5c: {  	v1 =	vld [tilespmem:s0+$0xFFFFFFF0]  }
0x5d: {  	v2 =	vld [tilespmem:s0+$0xFFFFFF80]  }
0x5e: {  	v3 =	vld [tilespmem:s0+$0xFFFFFFA0]  }
0x5f: {  	v4 =	vld [tilespmem:s0+$0xFFFFFFD0]  }
0x60: {  	v5 =	vld [tilespmem:s0+$0xFFFFFFB0]  }
0x61: {  	v6 =	vld [tilespmem:s0+$0xFFFFFFC0]  }
0x62: {  	v7 =	vld [tilespmem:s0+$0xFFFFFF90]  }
0x63: {  	v0 =	vld.idx.msk [tilespmem:v0+s3+$0x0], $0xffff  }
0x64: {  	v1 =	vld.idx.msk [tilespmem:v1+s3+$0x0], $0xffff  }
0x65: {  	v2 =	vld.idx.msk [tilespmem:v2+s3+$0x0], $0xffff  }
0x66: {  	v3 =	vld.idx.msk [tilespmem:v3+s3+$0x0], $0xffff  }
0x67: {  	v4 =	vld.idx.msk [tilespmem:v4+s3+$0x0], $0xffff  }
0x68: {  	v5 =	vld.idx.msk [tilespmem:v5+s3+$0x0], $0xffff  }
0x69: {  	v6 =	vld.idx.msk [tilespmem:v6+s3+$0x0], $0xffff  }
0x6a: {  	v7 =	vld.idx.msk [tilespmem:v7+s3+$0x0], $0xffff  }
0x6b: {  	[tilespmem:s2+$0xFFFFFFF0] =	vst v1  }
0x6c: {  	[tilespmem:s2+$0xFFFFFF80] =	vst v2  }
0x6d: {  	[tilespmem:s2+$0xFFFFFFA0] =	vst v3  }
0x6e: {  	[tilespmem:s2+$0xFFFFFFD0] =	vst v4  }
0x6f: {  	[tilespmem:s2+$0xFFFFFFC0] =	vst v6  }
0x70: {  	[tilespmem:s2+$0xFFFFFFB0] =	vst v5  }
0x71: {  	[tilespmem:s2+$0xFFFFFF90] =	vst v7  }
0x72: {  	[tilespmem:s2+$0xFFFFFFE0] =	vst v0  }
0x73: {  	v0 =	vld [tilespmem:s0+$0x70]  }
0x74: {  	v6 =	vld [tilespmem:s0+$0x10]  }
0x75: {  	v7 =	vld [tilespmem:s0+$0x20]  }
0x76: {  	v8 =	vld [tilespmem:s0+$0x60]  }
0x77: {  	v5 =	vld [tilespmem:s0+$0x40]  }
0x78: {  	v2 =	vld [tilespmem:s0+$0x50]  }
0x79: {  	v3 =	vld [tilespmem:s0+$0x0]  }
.Ltmp0:
0x7a: {  	v4 =	vld [tilespmem:s0+$0x30];
	(pc) =	sbr.rel @p0 .LBB2_2-.Ltmp0, $4  }
0x7b: {  	v1 =	vld.idx.msk [tilespmem:v0+s3+$0x0], $0xffff  }
0x7c: {  	v0 =	vld.idx.msk [tilespmem:v6+s3+$0x0], $0xffff  }
0x7d: {  	v7 =	vld.idx.msk [tilespmem:v7+s3+$0x0], $0xffff  }
0x7e: {  	v6 =	vld.idx.msk [tilespmem:v8+s3+$0x0], $0xffff  }
0x7f: {  	_ =	sdelay $0x3  }
0x80: {  	v5 =	vld.idx.msk [tilespmem:v5+s3+$0x0], $0xffff  }
0x81: {  	v2 =	vld.idx.msk [tilespmem:v2+s3+$0x0], $0xffff  }
0x82: {  	v3 =	vld.idx.msk [tilespmem:v3+s3+$0x0], $0xffff  }
0x83: {  	v4 =	vld.idx.msk [tilespmem:v4+s3+$0x0], $0xffff;
	[tilespmem:s1+$0x70] =	vst v1  }
0x84: {  	[tilespmem:s1+$0x10] =	vst v0  }
0x85: {  	[tilespmem:s1+$0x20] =	vst v7  }
0x86: {  	[tilespmem:s1+$0x60] =	vst v6  }
0x87: {  	[tilespmem:s1+$0x50] =	vst v2  }
0x88: {  	[tilespmem:s1+$0x0] =	vst v3  }
0x89: {  	[tilespmem:s1+$0x40] =	vst v5  }
0x8a: {  	s0 =	simm.s32 $0x197F0;
	[tilespmem:s1+$0x30] =	vst v4  }
0x8b: {  	[hbm4b:s7+s19] =	stream.strided.scatter [tilespmem:s26], [sflag:$0x2], $0x1000, s20, s19, $0x38;
	[tilespmem:$0x1E700] =	vst v63  }
0x8c: {  	v0 =	vld [tilespmem:s0+$0xFFFFFF70]  }
0x8d: {  	v1 =	vld [tilespmem:s0+$0xFFFFFF80]  }
0x8e: {  	v2 =	vld [tilespmem:s0+$0xFFFFFF10]  }
0x8f: {  	v3 =	vld [tilespmem:s0+$0xFFFFFF30]  }
0x90: {  	v4 =	vld [tilespmem:s0+$0xFFFFFF60]  }
0x91: {  	v5 =	vld [tilespmem:s0+$0xFFFFFF40]  }
0x92: {  	v6 =	vld [tilespmem:s0+$0xFFFFFF50]  }
0x93: {  	v7 =	vld [tilespmem:s0+$0xFFFFFF20]  }
0x94: {  	v0 =	vld.idx.msk [tilespmem:v0+s3+$0x0], $0xffff  }
0x95: {  	v1 =	vld.idx.msk [tilespmem:v1+s3+$0x0], $0xffff  }
0x96: {  	v2 =	vld.idx.msk [tilespmem:v2+s3+$0x0], $0xffff  }
0x97: {  	v3 =	vld.idx.msk [tilespmem:v3+s3+$0x0], $0xffff  }
0x98: {  	v4 =	vld.idx.msk [tilespmem:v4+s3+$0x0], $0xffff  }
0x99: {  	v5 =	vld.idx.msk [tilespmem:v5+s3+$0x0], $0xffff  }
0x9a: {  	s2 =	simm.s32 $0x1D780;
	v6 =	vld.idx.msk [tilespmem:v6+s3+$0x0], $0xffff  }
0x9b: {  	v7 =	vld.idx.msk [tilespmem:v7+s3+$0x0], $0xffff;
	[tilespmem:s2+$0xFFFFFFF0] =	vst v1  }
0x9c: {  	[tilespmem:s2+$0xFFFFFF80] =	vst v2  }
0x9d: {  	[tilespmem:s2+$0xFFFFFFA0] =	vst v3  }
0x9e: {  	[tilespmem:s2+$0xFFFFFFD0] =	vst v4  }
0x9f: {  	[tilespmem:s2+$0xFFFFFFC0] =	vst v6  }
0xa0: {  	[tilespmem:s2+$0xFFFFFFB0] =	vst v5  }
0xa1: {  	[tilespmem:s2+$0xFFFFFF90] =	vst v7  }
0xa2: {  	[tilespmem:s2+$0xFFFFFFE0] =	vst v0  }
0xa3: {  	v0 =	vld [tilespmem:s0+$0x0]  }
0xa4: {  	v6 =	vld [tilespmem:s0+$0xFFFFFFA0]  }
0xa5: {  	v7 =	vld [tilespmem:s0+$0xFFFFFFB0]  }
0xa6: {  	v8 =	vld [tilespmem:s0+$0xFFFFFFF0]  }
0xa7: {  	v5 =	vld [tilespmem:s0+$0xFFFFFFD0]  }
0xa8: {  	v2 =	vld [tilespmem:s0+$0xFFFFFFE0]  }
0xa9: {  	v3 =	vld [tilespmem:s0+$0xFFFFFF90]  }
0xaa: {  	v4 =	vld [tilespmem:s0+$0xFFFFFFC0]  }
0xab: {  	v1 =	vld.idx.msk [tilespmem:v0+s3+$0x0], $0xffff  }
0xac: {  	v0 =	vld.idx.msk [tilespmem:v6+s3+$0x0], $0xffff  }
0xad: {  	v7 =	vld.idx.msk [tilespmem:v7+s3+$0x0], $0xffff  }
0xae: {  	s23 =	simm.s32 $0x0;
	s1 =	simm.s32 $0x1D780;
	v6 =	vld.idx.msk [tilespmem:v8+s3+$0x0], $0xffff  }
.LBB2_4:
0xaf: {  	s23 =	sadd.s32 $0x2, s23;
	v5 =	vld.idx.msk [tilespmem:v5+s3+$0x0], $0xffff;
	s0 =	sadd.s32 $0x100, s0;
	s2 =	sadd.s32 $0x100, s2  }
0xb0: {  	p0 =	slt.u32 s23, $0x1E;
	v2 =	vld.idx.msk [tilespmem:v2+s3+$0x0], $0xffff  }
0xb1: {  	v3 =	vld.idx.msk [tilespmem:v3+s3+$0x0], $0xffff  }
0xb2: {  	v4 =	vld.idx.msk [tilespmem:v4+s3+$0x0], $0xffff  }
0xb3: {  	[tilespmem:s1+$0x20] =	vst v7  }
0xb4: {  	[tilespmem:s1+$0x70] =	vst v1  }
0xb5: {  	[tilespmem:s1+$0x60] =	vst v6  }
0xb6: {  	[tilespmem:s1+$0x50] =	vst v2  }
0xb7: {  	[tilespmem:s1+$0x0] =	vst v3  }
0xb8: {  	[tilespmem:s1+$0x40] =	vst v5  }
0xb9: {  	[tilespmem:s1+$0x30] =	vst v4  }
0xba: {  	[tilespmem:s1+$0x10] =	vst v0;
	s1 =	smov.u32 s2  }
0xbb: {  	v0 =	vld [tilespmem:s0+$0xFFFFFF70]  }
0xbc: {  	v1 =	vld [tilespmem:s0+$0xFFFFFF80]  }
0xbd: {  	v2 =	vld [tilespmem:s0+$0xFFFFFF10]  }
0xbe: {  	v3 =	vld [tilespmem:s0+$0xFFFFFF30]  }
0xbf: {  	v4 =	vld [tilespmem:s0+$0xFFFFFF60]  }
0xc0: {  	v5 =	vld [tilespmem:s0+$0xFFFFFF40]  }
0xc1: {  	v6 =	vld [tilespmem:s0+$0xFFFFFF50]  }
0xc2: {  	v7 =	vld [tilespmem:s0+$0xFFFFFF20]  }
0xc3: {  	v0 =	vld.idx.msk [tilespmem:v0+s3+$0x0], $0xffff  }
0xc4: {  	v1 =	vld.idx.msk [tilespmem:v1+s3+$0x0], $0xffff  }
0xc5: {  	v2 =	vld.idx.msk [tilespmem:v2+s3+$0x0], $0xffff  }
0xc6: {  	v3 =	vld.idx.msk [tilespmem:v3+s3+$0x0], $0xffff  }
0xc7: {  	v4 =	vld.idx.msk [tilespmem:v4+s3+$0x0], $0xffff  }
0xc8: {  	v5 =	vld.idx.msk [tilespmem:v5+s3+$0x0], $0xffff  }
0xc9: {  	v6 =	vld.idx.msk [tilespmem:v6+s3+$0x0], $0xffff  }
0xca: {  	v7 =	vld.idx.msk [tilespmem:v7+s3+$0x0], $0xffff  }
0xcb: {  	[tilespmem:s2+$0xFFFFFFF0] =	vst v1  }
0xcc: {  	[tilespmem:s2+$0xFFFFFF80] =	vst v2  }
0xcd: {  	[tilespmem:s2+$0xFFFFFFA0] =	vst v3  }
0xce: {  	[tilespmem:s2+$0xFFFFFFD0] =	vst v4  }
0xcf: {  	[tilespmem:s2+$0xFFFFFFC0] =	vst v6  }
0xd0: {  	[tilespmem:s2+$0xFFFFFFB0] =	vst v5  }
0xd1: {  	[tilespmem:s2+$0xFFFFFF90] =	vst v7  }
0xd2: {  	[tilespmem:s2+$0xFFFFFFE0] =	vst v0  }
0xd3: {  	v0 =	vld [tilespmem:s0+$0x0]  }
0xd4: {  	v6 =	vld [tilespmem:s0+$0xFFFFFFA0]  }
0xd5: {  	v7 =	vld [tilespmem:s0+$0xFFFFFFB0]  }
0xd6: {  	v8 =	vld [tilespmem:s0+$0xFFFFFFF0]  }
0xd7: {  	v5 =	vld [tilespmem:s0+$0xFFFFFFD0]  }
0xd8: {  	v2 =	vld [tilespmem:s0+$0xFFFFFFE0]  }
0xd9: {  	v3 =	vld [tilespmem:s0+$0xFFFFFF90]  }
.Ltmp1:
0xda: {  	v4 =	vld [tilespmem:s0+$0xFFFFFFC0];
	(pc) =	sbr.rel @p0 .LBB2_4-.Ltmp1, $4  }
0xdb: {  	v1 =	vld.idx.msk [tilespmem:v0+s3+$0x0], $0xffff  }
0xdc: {  	v0 =	vld.idx.msk [tilespmem:v6+s3+$0x0], $0xffff  }
0xdd: {  	v7 =	vld.idx.msk [tilespmem:v7+s3+$0x0], $0xffff  }
0xde: {  	v6 =	vld.idx.msk [tilespmem:v8+s3+$0x0], $0xffff  }
0xdf: {  	_ =	sdelay $0x3  }
0xe0: {  	v5 =	vld.idx.msk [tilespmem:v5+s3+$0x0], $0xffff  }
0xe1: {  	v2 =	vld.idx.msk [tilespmem:v2+s3+$0x0], $0xffff  }
0xe2: {  	v3 =	vld.idx.msk [tilespmem:v3+s3+$0x0], $0xffff  }
0xe3: {  	v4 =	vld.idx.msk [tilespmem:v4+s3+$0x0], $0xffff;
	[tilespmem:s1+$0x70] =	vst v1  }
0xe4: {  	[tilespmem:s1+$0x10] =	vst v0  }
0xe5: {  	[tilespmem:s1+$0x20] =	vst v7  }
0xe6: {  	[tilespmem:s1+$0x60] =	vst v6  }
0xe7: {  	[tilespmem:s1+$0x50] =	vst v2  }
0xe8: {  	[tilespmem:s1+$0x0] =	vst v3  }
0xe9: {  	[tilespmem:s1+$0x40] =	vst v5  }
0xea: {  	[tilespmem:s1+$0x30] =	vst v4  }
0xeb: {  	[hbm4b:s8+s19] =	stream.strided.scatter [tilespmem:s28], [sflag:$0x3], $0x1000, s20, s19, $0x38;
	[tilespmem:$0x1E700] =	vst v63  }
0xec: {  	_ =	swait.ge [sflag:s29], $0x1000  }
0xed: {  	[sflag:s29] =	ssyncset.done $0x0  }
0xee: {  	s0 =	simm.s32 $0x1A7F0;
	[sflag:s29] =	ssyncadd.s32 $0xFFFFF000  }
0xef: {  	v0 =	vld [tilespmem:s0+$0xFFFFFF70]  }
0xf0: {  	v1 =	vld [tilespmem:s0+$0xFFFFFF80]  }
0xf1: {  	v2 =	vld [tilespmem:s0+$0xFFFFFF10]  }
0xf2: {  	v3 =	vld [tilespmem:s0+$0xFFFFFF30]  }
0xf3: {  	v4 =	vld [tilespmem:s0+$0xFFFFFF60]  }
0xf4: {  	v5 =	vld [tilespmem:s0+$0xFFFFFF40]  }
0xf5: {  	v6 =	vld [tilespmem:s0+$0xFFFFFF50]  }
0xf6: {  	v7 =	vld [tilespmem:s0+$0xFFFFFF20]  }
0xf7: {  	v0 =	vld.idx.msk [tilespmem:v0+s3+$0x0], $0xffff  }
0xf8: {  	v1 =	vld.idx.msk [tilespmem:v1+s3+$0x0], $0xffff  }
0xf9: {  	v2 =	vld.idx.msk [tilespmem:v2+s3+$0x0], $0xffff  }
0xfa: {  	v3 =	vld.idx.msk [tilespmem:v3+s3+$0x0], $0xffff  }
0xfb: {  	v4 =	vld.idx.msk [tilespmem:v4+s3+$0x0], $0xffff  }
0xfc: {  	v5 =	vld.idx.msk [tilespmem:v5+s3+$0x0], $0xffff  }
0xfd: {  	s2 =	simm.s32 $0x1C780;
	v6 =	vld.idx.msk [tilespmem:v6+s3+$0x0], $0xffff  }
0xfe: {  	v7 =	vld.idx.msk [tilespmem:v7+s3+$0x0], $0xffff;
	[tilespmem:s2+$0xFFFFFFF0] =	vst v1  }
0xff: {  	[tilespmem:s2+$0xFFFFFF80] =	vst v2  }
0x100: {  	[tilespmem:s2+$0xFFFFFFA0] =	vst v3  }
0x101: {  	[tilespmem:s2+$0xFFFFFFD0] =	vst v4  }
0x102: {  	[tilespmem:s2+$0xFFFFFFC0] =	vst v6  }
0x103: {  	[tilespmem:s2+$0xFFFFFFB0] =	vst v5  }
0x104: {  	[tilespmem:s2+$0xFFFFFF90] =	vst v7  }
0x105: {  	[tilespmem:s2+$0xFFFFFFE0] =	vst v0  }
0x106: {  	v0 =	vld [tilespmem:s0+$0x0]  }
0x107: {  	v6 =	vld [tilespmem:s0+$0xFFFFFFA0]  }
0x108: {  	v7 =	vld [tilespmem:s0+$0xFFFFFFB0]  }
0x109: {  	v8 =	vld [tilespmem:s0+$0xFFFFFFF0]  }
0x10a: {  	v5 =	vld [tilespmem:s0+$0xFFFFFFD0]  }
0x10b: {  	v2 =	vld [tilespmem:s0+$0xFFFFFFE0]  }
0x10c: {  	v3 =	vld [tilespmem:s0+$0xFFFFFF90]  }
0x10d: {  	v4 =	vld [tilespmem:s0+$0xFFFFFFC0]  }
0x10e: {  	v1 =	vld.idx.msk [tilespmem:v0+s3+$0x0], $0xffff  }
0x10f: {  	v0 =	vld.idx.msk [tilespmem:v6+s3+$0x0], $0xffff  }
0x110: {  	v7 =	vld.idx.msk [tilespmem:v7+s3+$0x0], $0xffff  }
0x111: {  	s23 =	simm.s32 $0x0;
	s1 =	simm.s32 $0x1C780;
	v6 =	vld.idx.msk [tilespmem:v8+s3+$0x0], $0xffff  }
.LBB2_6:
0x112: {  	s23 =	sadd.s32 $0x2, s23;
	v5 =	vld.idx.msk [tilespmem:v5+s3+$0x0], $0xffff;
	s0 =	sadd.s32 $0x100, s0;
	s2 =	sadd.s32 $0x100, s2  }
0x113: {  	p0 =	slt.u32 s23, $0x1E;
	v2 =	vld.idx.msk [tilespmem:v2+s3+$0x0], $0xffff  }
0x114: {  	v3 =	vld.idx.msk [tilespmem:v3+s3+$0x0], $0xffff  }
0x115: {  	v4 =	vld.idx.msk [tilespmem:v4+s3+$0x0], $0xffff  }
0x116: {  	[tilespmem:s1+$0x20] =	vst v7  }
0x117: {  	[tilespmem:s1+$0x70] =	vst v1  }
0x118: {  	[tilespmem:s1+$0x60] =	vst v6  }
0x119: {  	[tilespmem:s1+$0x50] =	vst v2  }
0x11a: {  	[tilespmem:s1+$0x0] =	vst v3  }
0x11b: {  	[tilespmem:s1+$0x40] =	vst v5  }
0x11c: {  	[tilespmem:s1+$0x30] =	vst v4  }
0x11d: {  	[tilespmem:s1+$0x10] =	vst v0;
	s1 =	smov.u32 s2  }
0x11e: {  	v0 =	vld [tilespmem:s0+$0xFFFFFF70]  }
0x11f: {  	v1 =	vld [tilespmem:s0+$0xFFFFFF80]  }
0x120: {  	v2 =	vld [tilespmem:s0+$0xFFFFFF10]  }
0x121: {  	v3 =	vld [tilespmem:s0+$0xFFFFFF30]  }
0x122: {  	v4 =	vld [tilespmem:s0+$0xFFFFFF60]  }
0x123: {  	v5 =	vld [tilespmem:s0+$0xFFFFFF40]  }
0x124: {  	v6 =	vld [tilespmem:s0+$0xFFFFFF50]  }
0x125: {  	v7 =	vld [tilespmem:s0+$0xFFFFFF20]  }
0x126: {  	v0 =	vld.idx.msk [tilespmem:v0+s3+$0x0], $0xffff  }
0x127: {  	v1 =	vld.idx.msk [tilespmem:v1+s3+$0x0], $0xffff  }
0x128: {  	v2 =	vld.idx.msk [tilespmem:v2+s3+$0x0], $0xffff  }
0x129: {  	v3 =	vld.idx.msk [tilespmem:v3+s3+$0x0], $0xffff  }
0x12a: {  	v4 =	vld.idx.msk [tilespmem:v4+s3+$0x0], $0xffff  }
0x12b: {  	v5 =	vld.idx.msk [tilespmem:v5+s3+$0x0], $0xffff  }
0x12c: {  	v6 =	vld.idx.msk [tilespmem:v6+s3+$0x0], $0xffff  }
0x12d: {  	v7 =	vld.idx.msk [tilespmem:v7+s3+$0x0], $0xffff  }
0x12e: {  	[tilespmem:s2+$0xFFFFFFF0] =	vst v1  }
0x12f: {  	[tilespmem:s2+$0xFFFFFF80] =	vst v2  }
0x130: {  	[tilespmem:s2+$0xFFFFFFA0] =	vst v3  }
0x131: {  	[tilespmem:s2+$0xFFFFFFD0] =	vst v4  }
0x132: {  	[tilespmem:s2+$0xFFFFFFC0] =	vst v6  }
0x133: {  	[tilespmem:s2+$0xFFFFFFB0] =	vst v5  }
0x134: {  	[tilespmem:s2+$0xFFFFFF90] =	vst v7  }
0x135: {  	[tilespmem:s2+$0xFFFFFFE0] =	vst v0  }
0x136: {  	v0 =	vld [tilespmem:s0+$0x0]  }
0x137: {  	v6 =	vld [tilespmem:s0+$0xFFFFFFA0]  }
0x138: {  	v7 =	vld [tilespmem:s0+$0xFFFFFFB0]  }
0x139: {  	v8 =	vld [tilespmem:s0+$0xFFFFFFF0]  }
0x13a: {  	v5 =	vld [tilespmem:s0+$0xFFFFFFD0]  }
0x13b: {  	v2 =	vld [tilespmem:s0+$0xFFFFFFE0]  }
0x13c: {  	v3 =	vld [tilespmem:s0+$0xFFFFFF90]  }
.Ltmp2:
0x13d: {  	v4 =	vld [tilespmem:s0+$0xFFFFFFC0];
	(pc) =	sbr.rel @p0 .LBB2_6-.Ltmp2, $4  }
0x13e: {  	v1 =	vld.idx.msk [tilespmem:v0+s3+$0x0], $0xffff  }
0x13f: {  	v0 =	vld.idx.msk [tilespmem:v6+s3+$0x0], $0xffff  }
0x140: {  	v7 =	vld.idx.msk [tilespmem:v7+s3+$0x0], $0xffff  }
0x141: {  	v6 =	vld.idx.msk [tilespmem:v8+s3+$0x0], $0xffff  }
0x142: {  	_ =	sdelay $0x3  }
0x143: {  	v5 =	vld.idx.msk [tilespmem:v5+s3+$0x0], $0xffff  }
0x144: {  	v2 =	vld.idx.msk [tilespmem:v2+s3+$0x0], $0xffff  }
0x145: {  	v3 =	vld.idx.msk [tilespmem:v3+s3+$0x0], $0xffff  }
0x146: {  	v4 =	vld.idx.msk [tilespmem:v4+s3+$0x0], $0xffff;
	[tilespmem:s1+$0x70] =	vst v1  }
0x147: {  	[tilespmem:s1+$0x10] =	vst v0  }
0x148: {  	[tilespmem:s1+$0x20] =	vst v7  }
0x149: {  	[tilespmem:s1+$0x60] =	vst v6  }
0x14a: {  	[tilespmem:s1+$0x50] =	vst v2  }
0x14b: {  	[tilespmem:s1+$0x0] =	vst v3  }
0x14c: {  	[tilespmem:s1+$0x40] =	vst v5  }
0x14d: {  	[tilespmem:s1+$0x30] =	vst v4  }
0x14e: {  	[hbm4b:s9+s19] =	stream.strided.scatter [tilespmem:s26], [sflag:$0x2], $0x1000, s20, s19, $0x38;
	[tilespmem:$0x1E700] =	vst v63  }
0x14f: {  	_ =	swait.ge [sflag:s30], $0x1000  }
0x150: {  	[sflag:s30] =	ssyncset.done $0x0  }
0x151: {  	s0 =	simm.s32 $0x1B7F0;
	[sflag:s30] =	ssyncadd.s32 $0xFFFFF000  }
0x152: {  	v0 =	vld [tilespmem:s0+$0xFFFFFF70]  }
0x153: {  	v1 =	vld [tilespmem:s0+$0xFFFFFF80]  }
0x154: {  	v2 =	vld [tilespmem:s0+$0xFFFFFF10]  }
0x155: {  	v3 =	vld [tilespmem:s0+$0xFFFFFF30]  }
0x156: {  	v4 =	vld [tilespmem:s0+$0xFFFFFF60]  }
0x157: {  	v5 =	vld [tilespmem:s0+$0xFFFFFF40]  }
0x158: {  	v6 =	vld [tilespmem:s0+$0xFFFFFF50]  }
0x159: {  	v7 =	vld [tilespmem:s0+$0xFFFFFF20]  }
0x15a: {  	v0 =	vld.idx.msk [tilespmem:v0+s3+$0x0], $0xffff  }
0x15b: {  	v1 =	vld.idx.msk [tilespmem:v1+s3+$0x0], $0xffff  }
0x15c: {  	v2 =	vld.idx.msk [tilespmem:v2+s3+$0x0], $0xffff  }
0x15d: {  	v3 =	vld.idx.msk [tilespmem:v3+s3+$0x0], $0xffff  }
0x15e: {  	v4 =	vld.idx.msk [tilespmem:v4+s3+$0x0], $0xffff  }
0x15f: {  	v5 =	vld.idx.msk [tilespmem:v5+s3+$0x0], $0xffff  }
0x160: {  	s2 =	simm.s32 $0x1D780;
	v6 =	vld.idx.msk [tilespmem:v6+s3+$0x0], $0xffff  }
0x161: {  	v7 =	vld.idx.msk [tilespmem:v7+s3+$0x0], $0xffff;
	[tilespmem:s2+$0xFFFFFFF0] =	vst v1  }
0x162: {  	[tilespmem:s2+$0xFFFFFF80] =	vst v2  }
0x163: {  	[tilespmem:s2+$0xFFFFFFA0] =	vst v3  }
0x164: {  	[tilespmem:s2+$0xFFFFFFD0] =	vst v4  }
0x165: {  	[tilespmem:s2+$0xFFFFFFC0] =	vst v6  }
0x166: {  	[tilespmem:s2+$0xFFFFFFB0] =	vst v5  }
0x167: {  	[tilespmem:s2+$0xFFFFFF90] =	vst v7  }
0x168: {  	[tilespmem:s2+$0xFFFFFFE0] =	vst v0  }
0x169: {  	v0 =	vld [tilespmem:s0+$0x0]  }
0x16a: {  	v6 =	vld [tilespmem:s0+$0xFFFFFFA0]  }
0x16b: {  	v7 =	vld [tilespmem:s0+$0xFFFFFFB0]  }
0x16c: {  	v8 =	vld [tilespmem:s0+$0xFFFFFFF0]  }
0x16d: {  	v5 =	vld [tilespmem:s0+$0xFFFFFFD0]  }
0x16e: {  	v2 =	vld [tilespmem:s0+$0xFFFFFFE0]  }
0x16f: {  	v3 =	vld [tilespmem:s0+$0xFFFFFF90]  }
0x170: {  	v4 =	vld [tilespmem:s0+$0xFFFFFFC0]  }
0x171: {  	v1 =	vld.idx.msk [tilespmem:v0+s3+$0x0], $0xffff  }
0x172: {  	v0 =	vld.idx.msk [tilespmem:v6+s3+$0x0], $0xffff  }
0x173: {  	v7 =	vld.idx.msk [tilespmem:v7+s3+$0x0], $0xffff  }
0x174: {  	s23 =	simm.s32 $0x0;
	s1 =	simm.s32 $0x1D780;
	v6 =	vld.idx.msk [tilespmem:v8+s3+$0x0], $0xffff  }
.LBB2_8:
0x175: {  	s23 =	sadd.s32 $0x2, s23;
	v5 =	vld.idx.msk [tilespmem:v5+s3+$0x0], $0xffff;
	s0 =	sadd.s32 $0x100, s0;
	s2 =	sadd.s32 $0x100, s2  }
0x176: {  	p0 =	slt.u32 s23, $0x1E;
	v2 =	vld.idx.msk [tilespmem:v2+s3+$0x0], $0xffff  }
0x177: {  	v3 =	vld.idx.msk [tilespmem:v3+s3+$0x0], $0xffff  }
0x178: {  	v4 =	vld.idx.msk [tilespmem:v4+s3+$0x0], $0xffff  }
0x179: {  	[tilespmem:s1+$0x20] =	vst v7  }
0x17a: {  	[tilespmem:s1+$0x70] =	vst v1  }
0x17b: {  	[tilespmem:s1+$0x60] =	vst v6  }
0x17c: {  	[tilespmem:s1+$0x50] =	vst v2  }
0x17d: {  	[tilespmem:s1+$0x0] =	vst v3  }
0x17e: {  	[tilespmem:s1+$0x40] =	vst v5  }
0x17f: {  	[tilespmem:s1+$0x30] =	vst v4  }
0x180: {  	[tilespmem:s1+$0x10] =	vst v0;
	s1 =	smov.u32 s2  }
0x181: {  	v0 =	vld [tilespmem:s0+$0xFFFFFF70]  }
0x182: {  	v1 =	vld [tilespmem:s0+$0xFFFFFF80]  }
0x183: {  	v2 =	vld [tilespmem:s0+$0xFFFFFF10]  }
0x184: {  	v3 =	vld [tilespmem:s0+$0xFFFFFF30]  }
0x185: {  	v4 =	vld [tilespmem:s0+$0xFFFFFF60]  }
0x186: {  	v5 =	vld [tilespmem:s0+$0xFFFFFF40]  }
0x187: {  	v6 =	vld [tilespmem:s0+$0xFFFFFF50]  }
0x188: {  	v7 =	vld [tilespmem:s0+$0xFFFFFF20]  }
0x189: {  	v0 =	vld.idx.msk [tilespmem:v0+s3+$0x0], $0xffff  }
0x18a: {  	v1 =	vld.idx.msk [tilespmem:v1+s3+$0x0], $0xffff  }
0x18b: {  	v2 =	vld.idx.msk [tilespmem:v2+s3+$0x0], $0xffff  }
0x18c: {  	v3 =	vld.idx.msk [tilespmem:v3+s3+$0x0], $0xffff  }
0x18d: {  	v4 =	vld.idx.msk [tilespmem:v4+s3+$0x0], $0xffff  }
0x18e: {  	v5 =	vld.idx.msk [tilespmem:v5+s3+$0x0], $0xffff  }
0x18f: {  	v6 =	vld.idx.msk [tilespmem:v6+s3+$0x0], $0xffff  }
0x190: {  	v7 =	vld.idx.msk [tilespmem:v7+s3+$0x0], $0xffff  }
0x191: {  	[tilespmem:s2+$0xFFFFFFF0] =	vst v1  }
0x192: {  	[tilespmem:s2+$0xFFFFFF80] =	vst v2  }
0x193: {  	[tilespmem:s2+$0xFFFFFFA0] =	vst v3  }
0x194: {  	[tilespmem:s2+$0xFFFFFFD0] =	vst v4  }
0x195: {  	[tilespmem:s2+$0xFFFFFFC0] =	vst v6  }
0x196: {  	[tilespmem:s2+$0xFFFFFFB0] =	vst v5  }
0x197: {  	[tilespmem:s2+$0xFFFFFF90] =	vst v7  }
0x198: {  	[tilespmem:s2+$0xFFFFFFE0] =	vst v0  }
0x199: {  	v0 =	vld [tilespmem:s0+$0x0]  }
0x19a: {  	v6 =	vld [tilespmem:s0+$0xFFFFFFA0]  }
0x19b: {  	v7 =	vld [tilespmem:s0+$0xFFFFFFB0]  }
0x19c: {  	v8 =	vld [tilespmem:s0+$0xFFFFFFF0]  }
0x19d: {  	v5 =	vld [tilespmem:s0+$0xFFFFFFD0]  }
0x19e: {  	v2 =	vld [tilespmem:s0+$0xFFFFFFE0]  }
0x19f: {  	v3 =	vld [tilespmem:s0+$0xFFFFFF90]  }
.Ltmp3:
0x1a0: {  	v4 =	vld [tilespmem:s0+$0xFFFFFFC0];
	(pc) =	sbr.rel @p0 .LBB2_8-.Ltmp3, $4  }
0x1a1: {  	v1 =	vld.idx.msk [tilespmem:v0+s3+$0x0], $0xffff  }
0x1a2: {  	v0 =	vld.idx.msk [tilespmem:v6+s3+$0x0], $0xffff  }
0x1a3: {  	v7 =	vld.idx.msk [tilespmem:v7+s3+$0x0], $0xffff  }
0x1a4: {  	v6 =	vld.idx.msk [tilespmem:v8+s3+$0x0], $0xffff  }
0x1a5: {  	_ =	sdelay $0x3  }
0x1a6: {  	v5 =	vld.idx.msk [tilespmem:v5+s3+$0x0], $0xffff  }
0x1a7: {  	v2 =	vld.idx.msk [tilespmem:v2+s3+$0x0], $0xffff  }
0x1a8: {  	v3 =	vld.idx.msk [tilespmem:v3+s3+$0x0], $0xffff  }
0x1a9: {  	v4 =	vld.idx.msk [tilespmem:v4+s3+$0x0], $0xffff;
	[tilespmem:s1+$0x70] =	vst v1  }
0x1aa: {  	[tilespmem:s1+$0x10] =	vst v0  }
0x1ab: {  	[tilespmem:s1+$0x20] =	vst v7  }
0x1ac: {  	[tilespmem:s1+$0x60] =	vst v6  }
0x1ad: {  	[tilespmem:s1+$0x50] =	vst v2  }
0x1ae: {  	[tilespmem:s1+$0x0] =	vst v3  }
0x1af: {  	[tilespmem:s1+$0x40] =	vst v5  }
0x1b0: {  	[tilespmem:s1+$0x30] =	vst v4  }
0x1b1: {  	[hbm4b:s10+s19] =	stream.strided.scatter [tilespmem:s28], [sflag:$0x3], $0x1000, s20, s19, $0x38;
	[tilespmem:$0x1E700] =	vst v63  }
0x1b2: {  	_ = 	snop  }
0x1b3: {  	[tilespmem:s3], [sflag:$0x1] =	stream.strided.gather [hbm4b:s11+s19], $0xC380, s20, s19, $0x38;
	[tilespmem:$0x1E700] =	vst v63  }
0x1b4: {  	_ = 	snop  }
0x1b5: {  	[tilespmem:s21], [sflag:$0x1] =	stream.strided.gather [hbm4b:s12+s19], $0xC300, s20, s19, $0x38;
	[tilespmem:$0x1E700] =	vst v63  }
0x1b6: {  	_ = 	snop  }
0x1b7: {  	[tilespmem:s22], [sflag:$0x1] =	stream.linear.gather [hbm4b:s13+s3], $0x80, $0x38;
	[tilespmem:$0x1E700] =	vst v63  }
0x1b8: {  	_ =	swait.ge [sflag:s25], $0xC380  }
0x1b9: {  	[sflag:s25] =	ssyncset.done $0x0  }
0x1ba: {  	[sflag:s25] =	ssyncadd.s32 $0xFFFF3C80  }
0x1bb: {  	_ =	swait.ge [sflag:s25], $0xC300  }
0x1bc: {  	[sflag:s25] =	ssyncset.done $0x0  }
0x1bd: {  	[sflag:s25] =	ssyncadd.s32 $0xFFFF3D00  }
0x1be: {  	_ =	swait.ge [sflag:s25], $0x80  }
0x1bf: {  	[sflag:s25] =	ssyncset.done $0x0  }
0x1c0: {  	[sflag:s25] =	ssyncadd.s32 $0xFFFFFF80  }
0x1c1: {  	_ =	swait.ge [sflag:s29], $0x1000  }
0x1c2: {  	[sflag:s29] =	ssyncset.done $0x0  }
0x1c3: {  	s0 =	simm.s32 $0x18780;
	[sflag:s29] =	ssyncadd.s32 $0xFFFFF000  }
0x1c4: {  	v0 =	vld [tilespmem:s0+$0xFFFFFFE0]  }
0x1c5: {  	v1 =	vld [tilespmem:s0+$0xFFFFFFF0]  }
0x1c6: {  	v2 =	vld [tilespmem:s0+$0xFFFFFF80]  }
0x1c7: {  	v3 =	vld [tilespmem:s0+$0xFFFFFFA0]  }
0x1c8: {  	v4 =	vld [tilespmem:s0+$0xFFFFFFD0]  }
0x1c9: {  	v5 =	vld [tilespmem:s0+$0xFFFFFFB0]  }
0x1ca: {  	v6 =	vld [tilespmem:s0+$0xFFFFFFC0]  }
0x1cb: {  	v7 =	vld [tilespmem:s0+$0xFFFFFF90]  }
0x1cc: {  	v0 =	vld.idx.msk [tilespmem:v0+s3+$0x0], $0xffff  }
0x1cd: {  	v1 =	vld.idx.msk [tilespmem:v1+s3+$0x0], $0xffff  }
0x1ce: {  	v2 =	vld.idx.msk [tilespmem:v2+s3+$0x0], $0xffff  }
0x1cf: {  	v3 =	vld.idx.msk [tilespmem:v3+s3+$0x0], $0xffff  }
0x1d0: {  	v4 =	vld.idx.msk [tilespmem:v4+s3+$0x0], $0xffff  }
0x1d1: {  	v5 =	vld.idx.msk [tilespmem:v5+s3+$0x0], $0xffff  }
0x1d2: {  	s2 =	simm.s32 $0x1C780;
	v6 =	vld.idx.msk [tilespmem:v6+s3+$0x0], $0xffff  }
0x1d3: {  	v7 =	vld.idx.msk [tilespmem:v7+s3+$0x0], $0xffff;
	[tilespmem:s2+$0xFFFFFFF0] =	vst v1  }
0x1d4: {  	[tilespmem:s2+$0xFFFFFF80] =	vst v2  }
0x1d5: {  	[tilespmem:s2+$0xFFFFFFA0] =	vst v3  }
0x1d6: {  	[tilespmem:s2+$0xFFFFFFD0] =	vst v4  }
0x1d7: {  	[tilespmem:s2+$0xFFFFFFC0] =	vst v6  }
0x1d8: {  	[tilespmem:s2+$0xFFFFFFB0] =	vst v5  }
0x1d9: {  	[tilespmem:s2+$0xFFFFFF90] =	vst v7  }
0x1da: {  	[tilespmem:s2+$0xFFFFFFE0] =	vst v0  }
0x1db: {  	v0 =	vld [tilespmem:s0+$0x70]  }
0x1dc: {  	v6 =	vld [tilespmem:s0+$0x10]  }
0x1dd: {  	v7 =	vld [tilespmem:s0+$0x20]  }
0x1de: {  	v8 =	vld [tilespmem:s0+$0x60]  }
0x1df: {  	v5 =	vld [tilespmem:s0+$0x40]  }
0x1e0: {  	v2 =	vld [tilespmem:s0+$0x50]  }
0x1e1: {  	v3 =	vld [tilespmem:s0+$0x0]  }
0x1e2: {  	v4 =	vld [tilespmem:s0+$0x30]  }
0x1e3: {  	v1 =	vld.idx.msk [tilespmem:v0+s3+$0x0], $0xffff  }
0x1e4: {  	v0 =	vld.idx.msk [tilespmem:v6+s3+$0x0], $0xffff  }
0x1e5: {  	v7 =	vld.idx.msk [tilespmem:v7+s3+$0x0], $0xffff  }
0x1e6: {  	s23 =	simm.s32 $0x0;
	s1 =	simm.s32 $0x1C780;
	v6 =	vld.idx.msk [tilespmem:v8+s3+$0x0], $0xffff  }
.LBB2_10:
0x1e7: {  	s23 =	sadd.s32 $0x2, s23;
	v5 =	vld.idx.msk [tilespmem:v5+s3+$0x0], $0xffff;
	s2 =	sadd.s32 $0x100, s2;
	s0 =	sadd.s32 $0x100, s0  }
0x1e8: {  	p0 =	slt.u32 s23, $0x1E;
	v2 =	vld.idx.msk [tilespmem:v2+s3+$0x0], $0xffff  }
0x1e9: {  	v3 =	vld.idx.msk [tilespmem:v3+s3+$0x0], $0xffff  }
0x1ea: {  	v4 =	vld.idx.msk [tilespmem:v4+s3+$0x0], $0xffff  }
0x1eb: {  	[tilespmem:s1+$0x20] =	vst v7  }
0x1ec: {  	[tilespmem:s1+$0x70] =	vst v1  }
0x1ed: {  	[tilespmem:s1+$0x60] =	vst v6  }
0x1ee: {  	[tilespmem:s1+$0x50] =	vst v2  }
0x1ef: {  	[tilespmem:s1+$0x0] =	vst v3  }
0x1f0: {  	[tilespmem:s1+$0x40] =	vst v5  }
0x1f1: {  	[tilespmem:s1+$0x30] =	vst v4  }
0x1f2: {  	[tilespmem:s1+$0x10] =	vst v0;
	s1 =	smov.u32 s2  }
0x1f3: {  	v0 =	vld [tilespmem:s0+$0xFFFFFFE0]  }
0x1f4: {  	v1 =	vld [tilespmem:s0+$0xFFFFFFF0]  }
0x1f5: {  	v2 =	vld [tilespmem:s0+$0xFFFFFF80]  }
0x1f6: {  	v3 =	vld [tilespmem:s0+$0xFFFFFFA0]  }
0x1f7: {  	v4 =	vld [tilespmem:s0+$0xFFFFFFD0]  }
0x1f8: {  	v5 =	vld [tilespmem:s0+$0xFFFFFFB0]  }
0x1f9: {  	v6 =	vld [tilespmem:s0+$0xFFFFFFC0]  }
0x1fa: {  	v7 =	vld [tilespmem:s0+$0xFFFFFF90]  }
0x1fb: {  	v0 =	vld.idx.msk [tilespmem:v0+s3+$0x0], $0xffff  }
0x1fc: {  	v1 =	vld.idx.msk [tilespmem:v1+s3+$0x0], $0xffff  }
0x1fd: {  	v2 =	vld.idx.msk [tilespmem:v2+s3+$0x0], $0xffff  }
0x1fe: {  	v3 =	vld.idx.msk [tilespmem:v3+s3+$0x0], $0xffff  }
0x1ff: {  	v4 =	vld.idx.msk [tilespmem:v4+s3+$0x0], $0xffff  }
0x200: {  	v5 =	vld.idx.msk [tilespmem:v5+s3+$0x0], $0xffff  }
0x201: {  	v6 =	vld.idx.msk [tilespmem:v6+s3+$0x0], $0xffff  }
0x202: {  	v7 =	vld.idx.msk [tilespmem:v7+s3+$0x0], $0xffff  }
0x203: {  	[tilespmem:s2+$0xFFFFFFF0] =	vst v1  }
0x204: {  	[tilespmem:s2+$0xFFFFFF80] =	vst v2  }
0x205: {  	[tilespmem:s2+$0xFFFFFFA0] =	vst v3  }
0x206: {  	[tilespmem:s2+$0xFFFFFFD0] =	vst v4  }
0x207: {  	[tilespmem:s2+$0xFFFFFFC0] =	vst v6  }
0x208: {  	[tilespmem:s2+$0xFFFFFFB0] =	vst v5  }
0x209: {  	[tilespmem:s2+$0xFFFFFF90] =	vst v7  }
0x20a: {  	[tilespmem:s2+$0xFFFFFFE0] =	vst v0  }
0x20b: {  	v0 =	vld [tilespmem:s0+$0x70]  }
0x20c: {  	v6 =	vld [tilespmem:s0+$0x10]  }
0x20d: {  	v7 =	vld [tilespmem:s0+$0x20]  }
0x20e: {  	v8 =	vld [tilespmem:s0+$0x60]  }
0x20f: {  	v5 =	vld [tilespmem:s0+$0x40]  }
0x210: {  	v2 =	vld [tilespmem:s0+$0x50]  }
0x211: {  	v3 =	vld [tilespmem:s0+$0x0]  }
.Ltmp4:
0x212: {  	v4 =	vld [tilespmem:s0+$0x30];
	(pc) =	sbr.rel @p0 .LBB2_10-.Ltmp4, $4  }
0x213: {  	v1 =	vld.idx.msk [tilespmem:v0+s3+$0x0], $0xffff  }
0x214: {  	v0 =	vld.idx.msk [tilespmem:v6+s3+$0x0], $0xffff  }
0x215: {  	v7 =	vld.idx.msk [tilespmem:v7+s3+$0x0], $0xffff  }
0x216: {  	v6 =	vld.idx.msk [tilespmem:v8+s3+$0x0], $0xffff  }
0x217: {  	_ =	sdelay $0x3  }
0x218: {  	v5 =	vld.idx.msk [tilespmem:v5+s3+$0x0], $0xffff  }
0x219: {  	v2 =	vld.idx.msk [tilespmem:v2+s3+$0x0], $0xffff  }
0x21a: {  	v3 =	vld.idx.msk [tilespmem:v3+s3+$0x0], $0xffff  }
0x21b: {  	v4 =	vld.idx.msk [tilespmem:v4+s3+$0x0], $0xffff;
	[tilespmem:s1+$0x70] =	vst v1  }
0x21c: {  	[tilespmem:s1+$0x10] =	vst v0  }
0x21d: {  	[tilespmem:s1+$0x20] =	vst v7  }
0x21e: {  	[tilespmem:s1+$0x60] =	vst v6  }
0x21f: {  	[tilespmem:s1+$0x50] =	vst v2  }
0x220: {  	[tilespmem:s1+$0x0] =	vst v3  }
0x221: {  	[tilespmem:s1+$0x40] =	vst v5  }
0x222: {  	[tilespmem:s1+$0x30] =	vst v4  }
0x223: {  	[hbm4b:s14+s19] =	stream.strided.scatter [tilespmem:s26], [sflag:$0x2], $0x1000, s20, s19, $0x38;
	[tilespmem:$0x1E700] =	vst v63  }
0x224: {  	_ =	swait.ge [sflag:s30], $0x1000  }
0x225: {  	[sflag:s30] =	ssyncset.done $0x0  }
0x226: {  	s0 =	simm.s32 $0x197F0;
	[sflag:s30] =	ssyncadd.s32 $0xFFFFF000  }
0x227: {  	v0 =	vld [tilespmem:s0+$0xFFFFFF70]  }
0x228: {  	v1 =	vld [tilespmem:s0+$0xFFFFFF80]  }
0x229: {  	v2 =	vld [tilespmem:s0+$0xFFFFFF10]  }
0x22a: {  	v3 =	vld [tilespmem:s0+$0xFFFFFF30]  }
0x22b: {  	v4 =	vld [tilespmem:s0+$0xFFFFFF60]  }
0x22c: {  	v5 =	vld [tilespmem:s0+$0xFFFFFF40]  }
0x22d: {  	v6 =	vld [tilespmem:s0+$0xFFFFFF50]  }
0x22e: {  	v7 =	vld [tilespmem:s0+$0xFFFFFF20]  }
0x22f: {  	v0 =	vld.idx.msk [tilespmem:v0+s3+$0x0], $0xffff  }
0x230: {  	v1 =	vld.idx.msk [tilespmem:v1+s3+$0x0], $0xffff  }
0x231: {  	v2 =	vld.idx.msk [tilespmem:v2+s3+$0x0], $0xffff  }
0x232: {  	v3 =	vld.idx.msk [tilespmem:v3+s3+$0x0], $0xffff  }
0x233: {  	v4 =	vld.idx.msk [tilespmem:v4+s3+$0x0], $0xffff  }
0x234: {  	v5 =	vld.idx.msk [tilespmem:v5+s3+$0x0], $0xffff  }
0x235: {  	s2 =	simm.s32 $0x1D780;
	v6 =	vld.idx.msk [tilespmem:v6+s3+$0x0], $0xffff  }
0x236: {  	v7 =	vld.idx.msk [tilespmem:v7+s3+$0x0], $0xffff;
	[tilespmem:s2+$0xFFFFFFF0] =	vst v1  }
0x237: {  	[tilespmem:s2+$0xFFFFFF80] =	vst v2  }
0x238: {  	[tilespmem:s2+$0xFFFFFFA0] =	vst v3  }
0x239: {  	[tilespmem:s2+$0xFFFFFFD0] =	vst v4  }
0x23a: {  	[tilespmem:s2+$0xFFFFFFC0] =	vst v6  }
0x23b: {  	[tilespmem:s2+$0xFFFFFFB0] =	vst v5  }
0x23c: {  	[tilespmem:s2+$0xFFFFFF90] =	vst v7  }
0x23d: {  	[tilespmem:s2+$0xFFFFFFE0] =	vst v0  }
0x23e: {  	v0 =	vld [tilespmem:s0+$0x0]  }
0x23f: {  	v6 =	vld [tilespmem:s0+$0xFFFFFFA0]  }
0x240: {  	v7 =	vld [tilespmem:s0+$0xFFFFFFB0]  }
0x241: {  	v8 =	vld [tilespmem:s0+$0xFFFFFFF0]  }
0x242: {  	v5 =	vld [tilespmem:s0+$0xFFFFFFD0]  }
0x243: {  	v2 =	vld [tilespmem:s0+$0xFFFFFFE0]  }
0x244: {  	v3 =	vld [tilespmem:s0+$0xFFFFFF90]  }
0x245: {  	v4 =	vld [tilespmem:s0+$0xFFFFFFC0]  }
0x246: {  	v1 =	vld.idx.msk [tilespmem:v0+s3+$0x0], $0xffff  }
0x247: {  	v0 =	vld.idx.msk [tilespmem:v6+s3+$0x0], $0xffff  }
0x248: {  	v7 =	vld.idx.msk [tilespmem:v7+s3+$0x0], $0xffff  }
0x249: {  	s23 =	simm.s32 $0x0;
	s1 =	simm.s32 $0x1D780;
	v6 =	vld.idx.msk [tilespmem:v8+s3+$0x0], $0xffff  }
.LBB2_12:
0x24a: {  	s23 =	sadd.s32 $0x2, s23;
	v5 =	vld.idx.msk [tilespmem:v5+s3+$0x0], $0xffff;
	s0 =	sadd.s32 $0x100, s0;
	s2 =	sadd.s32 $0x100, s2  }
0x24b: {  	p0 =	slt.u32 s23, $0x1E;
	v2 =	vld.idx.msk [tilespmem:v2+s3+$0x0], $0xffff  }
0x24c: {  	v3 =	vld.idx.msk [tilespmem:v3+s3+$0x0], $0xffff  }
0x24d: {  	v4 =	vld.idx.msk [tilespmem:v4+s3+$0x0], $0xffff  }
0x24e: {  	[tilespmem:s1+$0x20] =	vst v7  }
0x24f: {  	[tilespmem:s1+$0x70] =	vst v1  }
0x250: {  	[tilespmem:s1+$0x60] =	vst v6  }
0x251: {  	[tilespmem:s1+$0x50] =	vst v2  }
0x252: {  	[tilespmem:s1+$0x0] =	vst v3  }
0x253: {  	[tilespmem:s1+$0x40] =	vst v5  }
0x254: {  	[tilespmem:s1+$0x30] =	vst v4  }
0x255: {  	[tilespmem:s1+$0x10] =	vst v0;
	s1 =	smov.u32 s2  }
0x256: {  	v0 =	vld [tilespmem:s0+$0xFFFFFF70]  }
0x257: {  	v1 =	vld [tilespmem:s0+$0xFFFFFF80]  }
0x258: {  	v2 =	vld [tilespmem:s0+$0xFFFFFF10]  }
0x259: {  	v3 =	vld [tilespmem:s0+$0xFFFFFF30]  }
0x25a: {  	v4 =	vld [tilespmem:s0+$0xFFFFFF60]  }
0x25b: {  	v5 =	vld [tilespmem:s0+$0xFFFFFF40]  }
0x25c: {  	v6 =	vld [tilespmem:s0+$0xFFFFFF50]  }
0x25d: {  	v7 =	vld [tilespmem:s0+$0xFFFFFF20]  }
0x25e: {  	v0 =	vld.idx.msk [tilespmem:v0+s3+$0x0], $0xffff  }
0x25f: {  	v1 =	vld.idx.msk [tilespmem:v1+s3+$0x0], $0xffff  }
0x260: {  	v2 =	vld.idx.msk [tilespmem:v2+s3+$0x0], $0xffff  }
0x261: {  	v3 =	vld.idx.msk [tilespmem:v3+s3+$0x0], $0xffff  }
0x262: {  	v4 =	vld.idx.msk [tilespmem:v4+s3+$0x0], $0xffff  }
0x263: {  	v5 =	vld.idx.msk [tilespmem:v5+s3+$0x0], $0xffff  }
0x264: {  	v6 =	vld.idx.msk [tilespmem:v6+s3+$0x0], $0xffff  }
0x265: {  	v7 =	vld.idx.msk [tilespmem:v7+s3+$0x0], $0xffff  }
0x266: {  	[tilespmem:s2+$0xFFFFFFF0] =	vst v1  }
0x267: {  	[tilespmem:s2+$0xFFFFFF80] =	vst v2  }
0x268: {  	[tilespmem:s2+$0xFFFFFFA0] =	vst v3  }
0x269: {  	[tilespmem:s2+$0xFFFFFFD0] =	vst v4  }
0x26a: {  	[tilespmem:s2+$0xFFFFFFC0] =	vst v6  }
0x26b: {  	[tilespmem:s2+$0xFFFFFFB0] =	vst v5  }
0x26c: {  	[tilespmem:s2+$0xFFFFFF90] =	vst v7  }
0x26d: {  	[tilespmem:s2+$0xFFFFFFE0] =	vst v0  }
0x26e: {  	v0 =	vld [tilespmem:s0+$0x0]  }
0x26f: {  	v6 =	vld [tilespmem:s0+$0xFFFFFFA0]  }
0x270: {  	v7 =	vld [tilespmem:s0+$0xFFFFFFB0]  }
0x271: {  	v8 =	vld [tilespmem:s0+$0xFFFFFFF0]  }
0x272: {  	v5 =	vld [tilespmem:s0+$0xFFFFFFD0]  }
0x273: {  	v2 =	vld [tilespmem:s0+$0xFFFFFFE0]  }
0x274: {  	v3 =	vld [tilespmem:s0+$0xFFFFFF90]  }
.Ltmp5:
0x275: {  	v4 =	vld [tilespmem:s0+$0xFFFFFFC0];
	(pc) =	sbr.rel @p0 .LBB2_12-.Ltmp5, $4  }
0x276: {  	v1 =	vld.idx.msk [tilespmem:v0+s3+$0x0], $0xffff  }
0x277: {  	v0 =	vld.idx.msk [tilespmem:v6+s3+$0x0], $0xffff  }
0x278: {  	v7 =	vld.idx.msk [tilespmem:v7+s3+$0x0], $0xffff  }
0x279: {  	v6 =	vld.idx.msk [tilespmem:v8+s3+$0x0], $0xffff  }
0x27a: {  	_ =	sdelay $0x3  }
0x27b: {  	v5 =	vld.idx.msk [tilespmem:v5+s3+$0x0], $0xffff  }
0x27c: {  	v2 =	vld.idx.msk [tilespmem:v2+s3+$0x0], $0xffff  }
0x27d: {  	v3 =	vld.idx.msk [tilespmem:v3+s3+$0x0], $0xffff  }
0x27e: {  	v4 =	vld.idx.msk [tilespmem:v4+s3+$0x0], $0xffff;
	[tilespmem:s1+$0x70] =	vst v1  }
0x27f: {  	[tilespmem:s1+$0x10] =	vst v0  }
0x280: {  	[tilespmem:s1+$0x20] =	vst v7  }
0x281: {  	[tilespmem:s1+$0x60] =	vst v6  }
0x282: {  	[tilespmem:s1+$0x50] =	vst v2  }
0x283: {  	[tilespmem:s1+$0x0] =	vst v3  }
0x284: {  	[tilespmem:s1+$0x40] =	vst v5  }
0x285: {  	[tilespmem:s1+$0x30] =	vst v4  }
0x286: {  	[hbm4b:s15+s19] =	stream.strided.scatter [tilespmem:s28], [sflag:$0x3], $0x1000, s20, s19, $0x38;
	[tilespmem:$0x1E700] =	vst v63  }
0x287: {  	_ =	swait.ge [sflag:s29], $0x1000  }
0x288: {  	[sflag:s29] =	ssyncset.done $0x0  }
0x289: {  	s0 =	simm.s32 $0x1A7F0;
	[sflag:s29] =	ssyncadd.s32 $0xFFFFF000  }
0x28a: {  	v0 =	vld [tilespmem:s0+$0xFFFFFF70]  }
0x28b: {  	v1 =	vld [tilespmem:s0+$0xFFFFFF80]  }
0x28c: {  	v2 =	vld [tilespmem:s0+$0xFFFFFF10]  }
0x28d: {  	v3 =	vld [tilespmem:s0+$0xFFFFFF30]  }
0x28e: {  	v4 =	vld [tilespmem:s0+$0xFFFFFF60]  }
0x28f: {  	v5 =	vld [tilespmem:s0+$0xFFFFFF40]  }
0x290: {  	v6 =	vld [tilespmem:s0+$0xFFFFFF50]  }
0x291: {  	v7 =	vld [tilespmem:s0+$0xFFFFFF20]  }
0x292: {  	v0 =	vld.idx.msk [tilespmem:v0+s3+$0x0], $0xffff  }
0x293: {  	v1 =	vld.idx.msk [tilespmem:v1+s3+$0x0], $0xffff  }
0x294: {  	v2 =	vld.idx.msk [tilespmem:v2+s3+$0x0], $0xffff  }
0x295: {  	v3 =	vld.idx.msk [tilespmem:v3+s3+$0x0], $0xffff  }
0x296: {  	v4 =	vld.idx.msk [tilespmem:v4+s3+$0x0], $0xffff  }
0x297: {  	v5 =	vld.idx.msk [tilespmem:v5+s3+$0x0], $0xffff  }
0x298: {  	s2 =	simm.s32 $0x1C780;
	v6 =	vld.idx.msk [tilespmem:v6+s3+$0x0], $0xffff  }
0x299: {  	v7 =	vld.idx.msk [tilespmem:v7+s3+$0x0], $0xffff;
	[tilespmem:s2+$0xFFFFFFF0] =	vst v1  }
0x29a: {  	[tilespmem:s2+$0xFFFFFF80] =	vst v2  }
0x29b: {  	[tilespmem:s2+$0xFFFFFFA0] =	vst v3  }
0x29c: {  	[tilespmem:s2+$0xFFFFFFD0] =	vst v4  }
0x29d: {  	[tilespmem:s2+$0xFFFFFFC0] =	vst v6  }
0x29e: {  	[tilespmem:s2+$0xFFFFFFB0] =	vst v5  }
0x29f: {  	[tilespmem:s2+$0xFFFFFF90] =	vst v7  }
0x2a0: {  	[tilespmem:s2+$0xFFFFFFE0] =	vst v0  }
0x2a1: {  	v0 =	vld [tilespmem:s0+$0x0]  }
0x2a2: {  	v6 =	vld [tilespmem:s0+$0xFFFFFFA0]  }
0x2a3: {  	v7 =	vld [tilespmem:s0+$0xFFFFFFB0]  }
0x2a4: {  	v8 =	vld [tilespmem:s0+$0xFFFFFFF0]  }
0x2a5: {  	v5 =	vld [tilespmem:s0+$0xFFFFFFD0]  }
0x2a6: {  	v2 =	vld [tilespmem:s0+$0xFFFFFFE0]  }
0x2a7: {  	v3 =	vld [tilespmem:s0+$0xFFFFFF90]  }
0x2a8: {  	v4 =	vld [tilespmem:s0+$0xFFFFFFC0]  }
0x2a9: {  	v1 =	vld.idx.msk [tilespmem:v0+s3+$0x0], $0xffff  }
0x2aa: {  	v0 =	vld.idx.msk [tilespmem:v6+s3+$0x0], $0xffff  }
0x2ab: {  	v7 =	vld.idx.msk [tilespmem:v7+s3+$0x0], $0xffff  }
0x2ac: {  	s23 =	simm.s32 $0x0;
	s1 =	simm.s32 $0x1C780;
	v6 =	vld.idx.msk [tilespmem:v8+s3+$0x0], $0xffff  }
.LBB2_14:
0x2ad: {  	s23 =	sadd.s32 $0x2, s23;
	v5 =	vld.idx.msk [tilespmem:v5+s3+$0x0], $0xffff;
	s0 =	sadd.s32 $0x100, s0;
	s2 =	sadd.s32 $0x100, s2  }
0x2ae: {  	p0 =	slt.u32 s23, $0x1E;
	v2 =	vld.idx.msk [tilespmem:v2+s3+$0x0], $0xffff  }
0x2af: {  	v3 =	vld.idx.msk [tilespmem:v3+s3+$0x0], $0xffff  }
0x2b0: {  	v4 =	vld.idx.msk [tilespmem:v4+s3+$0x0], $0xffff  }
0x2b1: {  	[tilespmem:s1+$0x20] =	vst v7  }
0x2b2: {  	[tilespmem:s1+$0x70] =	vst v1  }
0x2b3: {  	[tilespmem:s1+$0x60] =	vst v6  }
0x2b4: {  	[tilespmem:s1+$0x50] =	vst v2  }
0x2b5: {  	[tilespmem:s1+$0x0] =	vst v3  }
0x2b6: {  	[tilespmem:s1+$0x40] =	vst v5  }
0x2b7: {  	[tilespmem:s1+$0x30] =	vst v4  }
0x2b8: {  	[tilespmem:s1+$0x10] =	vst v0;
	s1 =	smov.u32 s2  }
0x2b9: {  	v0 =	vld [tilespmem:s0+$0xFFFFFF70]  }
0x2ba: {  	v1 =	vld [tilespmem:s0+$0xFFFFFF80]  }
0x2bb: {  	v2 =	vld [tilespmem:s0+$0xFFFFFF10]  }
0x2bc: {  	v3 =	vld [tilespmem:s0+$0xFFFFFF30]  }
0x2bd: {  	v4 =	vld [tilespmem:s0+$0xFFFFFF60]  }
0x2be: {  	v5 =	vld [tilespmem:s0+$0xFFFFFF40]  }
0x2bf: {  	v6 =	vld [tilespmem:s0+$0xFFFFFF50]  }
0x2c0: {  	v7 =	vld [tilespmem:s0+$0xFFFFFF20]  }
0x2c1: {  	v0 =	vld.idx.msk [tilespmem:v0+s3+$0x0], $0xffff  }
0x2c2: {  	v1 =	vld.idx.msk [tilespmem:v1+s3+$0x0], $0xffff  }
0x2c3: {  	v2 =	vld.idx.msk [tilespmem:v2+s3+$0x0], $0xffff  }
0x2c4: {  	v3 =	vld.idx.msk [tilespmem:v3+s3+$0x0], $0xffff  }
0x2c5: {  	v4 =	vld.idx.msk [tilespmem:v4+s3+$0x0], $0xffff  }
0x2c6: {  	v5 =	vld.idx.msk [tilespmem:v5+s3+$0x0], $0xffff  }
0x2c7: {  	v6 =	vld.idx.msk [tilespmem:v6+s3+$0x0], $0xffff  }
0x2c8: {  	v7 =	vld.idx.msk [tilespmem:v7+s3+$0x0], $0xffff  }
0x2c9: {  	[tilespmem:s2+$0xFFFFFFF0] =	vst v1  }
0x2ca: {  	[tilespmem:s2+$0xFFFFFF80] =	vst v2  }
0x2cb: {  	[tilespmem:s2+$0xFFFFFFA0] =	vst v3  }
0x2cc: {  	[tilespmem:s2+$0xFFFFFFD0] =	vst v4  }
0x2cd: {  	[tilespmem:s2+$0xFFFFFFC0] =	vst v6  }
0x2ce: {  	[tilespmem:s2+$0xFFFFFFB0] =	vst v5  }
0x2cf: {  	[tilespmem:s2+$0xFFFFFF90] =	vst v7  }
0x2d0: {  	[tilespmem:s2+$0xFFFFFFE0] =	vst v0  }
0x2d1: {  	v0 =	vld [tilespmem:s0+$0x0]  }
0x2d2: {  	v6 =	vld [tilespmem:s0+$0xFFFFFFA0]  }
0x2d3: {  	v7 =	vld [tilespmem:s0+$0xFFFFFFB0]  }
0x2d4: {  	v8 =	vld [tilespmem:s0+$0xFFFFFFF0]  }
0x2d5: {  	v5 =	vld [tilespmem:s0+$0xFFFFFFD0]  }
0x2d6: {  	v2 =	vld [tilespmem:s0+$0xFFFFFFE0]  }
0x2d7: {  	v3 =	vld [tilespmem:s0+$0xFFFFFF90]  }
.Ltmp6:
0x2d8: {  	v4 =	vld [tilespmem:s0+$0xFFFFFFC0];
	(pc) =	sbr.rel @p0 .LBB2_14-.Ltmp6, $4  }
0x2d9: {  	v1 =	vld.idx.msk [tilespmem:v0+s3+$0x0], $0xffff  }
0x2da: {  	v0 =	vld.idx.msk [tilespmem:v6+s3+$0x0], $0xffff  }
0x2db: {  	v7 =	vld.idx.msk [tilespmem:v7+s3+$0x0], $0xffff  }
0x2dc: {  	v6 =	vld.idx.msk [tilespmem:v8+s3+$0x0], $0xffff  }
0x2dd: {  	_ =	sdelay $0x3  }
0x2de: {  	v5 =	vld.idx.msk [tilespmem:v5+s3+$0x0], $0xffff  }
0x2df: {  	v2 =	vld.idx.msk [tilespmem:v2+s3+$0x0], $0xffff  }
0x2e0: {  	v3 =	vld.idx.msk [tilespmem:v3+s3+$0x0], $0xffff  }
0x2e1: {  	v4 =	vld.idx.msk [tilespmem:v4+s3+$0x0], $0xffff;
	[tilespmem:s1+$0x70] =	vst v1  }
0x2e2: {  	[tilespmem:s1+$0x10] =	vst v0  }
0x2e3: {  	[tilespmem:s1+$0x20] =	vst v7  }
0x2e4: {  	[tilespmem:s1+$0x60] =	vst v6  }
0x2e5: {  	[tilespmem:s1+$0x50] =	vst v2  }
0x2e6: {  	[tilespmem:s1+$0x0] =	vst v3  }
0x2e7: {  	[tilespmem:s1+$0x40] =	vst v5  }
0x2e8: {  	[tilespmem:s1+$0x30] =	vst v4  }
0x2e9: {  	[hbm4b:s16+s19] =	stream.strided.scatter [tilespmem:s26], [sflag:$0x2], $0x1000, s20, s19, $0x38;
	[tilespmem:$0x1E700] =	vst v63  }
0x2ea: {  	_ =	swait.ge [sflag:s30], $0x1000  }
0x2eb: {  	[sflag:s30] =	ssyncset.done $0x0  }
0x2ec: {  	s0 =	simm.s32 $0x1B7F0;
	[sflag:s30] =	ssyncadd.s32 $0xFFFFF000  }
0x2ed: {  	v0 =	vld [tilespmem:s0+$0xFFFFFF70]  }
0x2ee: {  	v1 =	vld [tilespmem:s0+$0xFFFFFF80]  }
0x2ef: {  	v2 =	vld [tilespmem:s0+$0xFFFFFF10]  }
0x2f0: {  	v3 =	vld [tilespmem:s0+$0xFFFFFF30]  }
0x2f1: {  	v4 =	vld [tilespmem:s0+$0xFFFFFF60]  }
0x2f2: {  	v5 =	vld [tilespmem:s0+$0xFFFFFF40]  }
0x2f3: {  	v6 =	vld [tilespmem:s0+$0xFFFFFF50]  }
0x2f4: {  	v7 =	vld [tilespmem:s0+$0xFFFFFF20]  }
0x2f5: {  	v0 =	vld.idx.msk [tilespmem:v0+s3+$0x0], $0xffff  }
0x2f6: {  	v1 =	vld.idx.msk [tilespmem:v1+s3+$0x0], $0xffff  }
0x2f7: {  	v2 =	vld.idx.msk [tilespmem:v2+s3+$0x0], $0xffff  }
0x2f8: {  	v3 =	vld.idx.msk [tilespmem:v3+s3+$0x0], $0xffff  }
0x2f9: {  	v4 =	vld.idx.msk [tilespmem:v4+s3+$0x0], $0xffff  }
0x2fa: {  	v5 =	vld.idx.msk [tilespmem:v5+s3+$0x0], $0xffff  }
0x2fb: {  	s2 =	simm.s32 $0x1D780;
	v6 =	vld.idx.msk [tilespmem:v6+s3+$0x0], $0xffff  }
0x2fc: {  	v7 =	vld.idx.msk [tilespmem:v7+s3+$0x0], $0xffff;
	[tilespmem:s2+$0xFFFFFFF0] =	vst v1  }
0x2fd: {  	[tilespmem:s2+$0xFFFFFF80] =	vst v2  }
0x2fe: {  	[tilespmem:s2+$0xFFFFFFA0] =	vst v3  }
0x2ff: {  	[tilespmem:s2+$0xFFFFFFD0] =	vst v4  }
0x300: {  	[tilespmem:s2+$0xFFFFFFC0] =	vst v6  }
0x301: {  	[tilespmem:s2+$0xFFFFFFB0] =	vst v5  }
0x302: {  	[tilespmem:s2+$0xFFFFFF90] =	vst v7  }
0x303: {  	[tilespmem:s2+$0xFFFFFFE0] =	vst v0  }
0x304: {  	v0 =	vld [tilespmem:s0+$0x0]  }
0x305: {  	v6 =	vld [tilespmem:s0+$0xFFFFFFA0]  }
0x306: {  	v7 =	vld [tilespmem:s0+$0xFFFFFFB0]  }
0x307: {  	v8 =	vld [tilespmem:s0+$0xFFFFFFF0]  }
0x308: {  	v5 =	vld [tilespmem:s0+$0xFFFFFFD0]  }
0x309: {  	v2 =	vld [tilespmem:s0+$0xFFFFFFE0]  }
0x30a: {  	v3 =	vld [tilespmem:s0+$0xFFFFFF90]  }
0x30b: {  	v4 =	vld [tilespmem:s0+$0xFFFFFFC0]  }
0x30c: {  	v1 =	vld.idx.msk [tilespmem:v0+s3+$0x0], $0xffff  }
0x30d: {  	v0 =	vld.idx.msk [tilespmem:v6+s3+$0x0], $0xffff  }
0x30e: {  	v7 =	vld.idx.msk [tilespmem:v7+s3+$0x0], $0xffff  }
0x30f: {  	s23 =	simm.s32 $0x0;
	s1 =	simm.s32 $0x1D780;
	v6 =	vld.idx.msk [tilespmem:v8+s3+$0x0], $0xffff  }
.LBB2_16:
0x310: {  	s23 =	sadd.s32 $0x2, s23;
	v5 =	vld.idx.msk [tilespmem:v5+s3+$0x0], $0xffff;
	s0 =	sadd.s32 $0x100, s0;
	s2 =	sadd.s32 $0x100, s2  }
0x311: {  	p0 =	slt.u32 s23, $0x1E;
	v2 =	vld.idx.msk [tilespmem:v2+s3+$0x0], $0xffff  }
0x312: {  	v3 =	vld.idx.msk [tilespmem:v3+s3+$0x0], $0xffff  }
0x313: {  	v4 =	vld.idx.msk [tilespmem:v4+s3+$0x0], $0xffff  }
0x314: {  	[tilespmem:s1+$0x20] =	vst v7  }
0x315: {  	[tilespmem:s1+$0x70] =	vst v1  }
0x316: {  	[tilespmem:s1+$0x60] =	vst v6  }
0x317: {  	[tilespmem:s1+$0x50] =	vst v2  }
0x318: {  	[tilespmem:s1+$0x0] =	vst v3  }
0x319: {  	[tilespmem:s1+$0x40] =	vst v5  }
0x31a: {  	[tilespmem:s1+$0x30] =	vst v4  }
0x31b: {  	[tilespmem:s1+$0x10] =	vst v0;
	s1 =	smov.u32 s2  }
0x31c: {  	v0 =	vld [tilespmem:s0+$0xFFFFFF70]  }
0x31d: {  	v1 =	vld [tilespmem:s0+$0xFFFFFF80]  }
0x31e: {  	v2 =	vld [tilespmem:s0+$0xFFFFFF10]  }
0x31f: {  	v3 =	vld [tilespmem:s0+$0xFFFFFF30]  }
0x320: {  	v4 =	vld [tilespmem:s0+$0xFFFFFF60]  }
0x321: {  	v5 =	vld [tilespmem:s0+$0xFFFFFF40]  }
0x322: {  	v6 =	vld [tilespmem:s0+$0xFFFFFF50]  }
0x323: {  	v7 =	vld [tilespmem:s0+$0xFFFFFF20]  }
0x324: {  	v0 =	vld.idx.msk [tilespmem:v0+s3+$0x0], $0xffff  }
0x325: {  	v1 =	vld.idx.msk [tilespmem:v1+s3+$0x0], $0xffff  }
0x326: {  	v2 =	vld.idx.msk [tilespmem:v2+s3+$0x0], $0xffff  }
0x327: {  	v3 =	vld.idx.msk [tilespmem:v3+s3+$0x0], $0xffff  }
0x328: {  	v4 =	vld.idx.msk [tilespmem:v4+s3+$0x0], $0xffff  }
0x329: {  	v5 =	vld.idx.msk [tilespmem:v5+s3+$0x0], $0xffff  }
0x32a: {  	v6 =	vld.idx.msk [tilespmem:v6+s3+$0x0], $0xffff  }
0x32b: {  	v7 =	vld.idx.msk [tilespmem:v7+s3+$0x0], $0xffff  }
0x32c: {  	[tilespmem:s2+$0xFFFFFFF0] =	vst v1  }
0x32d: {  	[tilespmem:s2+$0xFFFFFF80] =	vst v2  }
0x32e: {  	[tilespmem:s2+$0xFFFFFFA0] =	vst v3  }
0x32f: {  	[tilespmem:s2+$0xFFFFFFD0] =	vst v4  }
0x330: {  	[tilespmem:s2+$0xFFFFFFC0] =	vst v6  }
0x331: {  	[tilespmem:s2+$0xFFFFFFB0] =	vst v5  }
0x332: {  	[tilespmem:s2+$0xFFFFFF90] =	vst v7  }
0x333: {  	[tilespmem:s2+$0xFFFFFFE0] =	vst v0  }
0x334: {  	v0 =	vld [tilespmem:s0+$0x0]  }
0x335: {  	v6 =	vld [tilespmem:s0+$0xFFFFFFA0]  }
0x336: {  	v7 =	vld [tilespmem:s0+$0xFFFFFFB0]  }
0x337: {  	v8 =	vld [tilespmem:s0+$0xFFFFFFF0]  }
0x338: {  	v5 =	vld [tilespmem:s0+$0xFFFFFFD0]  }
0x339: {  	v2 =	vld [tilespmem:s0+$0xFFFFFFE0]  }
0x33a: {  	v3 =	vld [tilespmem:s0+$0xFFFFFF90]  }
.Ltmp7:
0x33b: {  	v4 =	vld [tilespmem:s0+$0xFFFFFFC0];
	(pc) =	sbr.rel @p0 .LBB2_16-.Ltmp7, $4  }
0x33c: {  	v1 =	vld.idx.msk [tilespmem:v0+s3+$0x0], $0xffff  }
0x33d: {  	v0 =	vld.idx.msk [tilespmem:v6+s3+$0x0], $0xffff  }
0x33e: {  	v7 =	vld.idx.msk [tilespmem:v7+s3+$0x0], $0xffff  }
0x33f: {  	v6 =	vld.idx.msk [tilespmem:v8+s3+$0x0], $0xffff  }
0x340: {  	_ =	sdelay $0x3  }
0x341: {  	v5 =	vld.idx.msk [tilespmem:v5+s3+$0x0], $0xffff  }
0x342: {  	v2 =	vld.idx.msk [tilespmem:v2+s3+$0x0], $0xffff  }
0x343: {  	v3 =	vld.idx.msk [tilespmem:v3+s3+$0x0], $0xffff  }
0x344: {  	v4 =	vld.idx.msk [tilespmem:v4+s3+$0x0], $0xffff;
	[tilespmem:s1+$0x70] =	vst v1  }
0x345: {  	[tilespmem:s1+$0x10] =	vst v0  }
0x346: {  	[tilespmem:s1+$0x20] =	vst v7  }
0x347: {  	[tilespmem:s1+$0x60] =	vst v6  }
0x348: {  	[tilespmem:s1+$0x50] =	vst v2  }
0x349: {  	[tilespmem:s1+$0x0] =	vst v3  }
0x34a: {  	[tilespmem:s1+$0x40] =	vst v5  }
0x34b: {  	s31 =	sadd.s32 $0x1, s31;
	[tilespmem:s1+$0x30] =	vst v4  }
0x34c: {  	[hbm4b:s17+s19] =	stream.strided.scatter [tilespmem:s28], [sflag:$0x3], $0x1000, s20, s19, $0x38;
	[tilespmem:$0x1E700] =	vst v63  }
0x34d: {  	p0 =	sne.s32 s31, s18;
	_ =	swait.ge [sflag:s29], $0x1000  }
.Ltmp8:
0x34e: {  	[sflag:s29] =	ssyncset.done $0x0;
	(pc) =	sbr.rel @p0 .LBB2_1-.Ltmp8, $4  }
0x34f: {  	[sflag:s29] =	ssyncadd.s32 $0xFFFFF000  }
0x350: {  	_ =	swait.ge [sflag:s30], $0x1000  }
0x351: {  	[sflag:s30] =	ssyncset.done $0x0  }
0x352: {  	[sflag:s30] =	ssyncadd.s32 $0xFFFFF000  }
0x353: {  	_ =	sfence.sel $0x180000  }
0x354: {  	[bflag:$0x0] =	sbarrier.arrive $0xFFFF  }
0x355: {  	_ =	strace $0x90000047  }
0x356: {  	s0 =	stileid.u32;
	[bflag:$0x2] =	sbarrier.arrive $0xFFFF  }
0x357: {  	p0 =	sne.s32 s0, $0x0;
	s0 =	rddreg [dreg:$0x4]  }
0x358: {  	s0 =	sadd.s32 @!p0 $0x100000, s0  }
0x359: {  	[sflag:s0] =	ssyncadd.tile.s32 @!p0 $0x1;
	_ =	shalt  }
.Lfunc_end2:
_tile_overlayer_lowered:
.L_overlay_start_2:
0x35a: {  	(tag) =	ssettag $0x2  }
0x35b: {  	s0 =	rddreg [dreg:$0x0];
	s2 =	stileid.u32  }
0x35c: {  	s1 =	rddreg [dreg:$0x1];
	p0 =	sne.s32 s2, $0x0  }
0x35d: {  	s3 =	rddreg [dreg:$0x2];
	[bflag:$0x3] =	sbarrier.arrive $0xFFFF;
	s2 =	simm.s32 @!p0 $0x1C04  }
0x35e: {  	[timem:s3], [sflag:s2] =	dma.local @!p0 [hbm:s0], s1  }
0x35f: {  	s0 =	simm.s32 @!p0 $0x4  }
0x360: {  	_ =	swait.ge @!p0 [sflag:s0], s1  }
0x361: {  	s1 =	ssub.s32 @!p0 $0x0, s1;
	[sflag:s0] =	ssyncset.done @!p0 $0x0  }
0x362: {  	[sflag:s0] =	ssyncadd.s32 @!p0 s1  }
0x363: {  	[bflag:$0x3] =	sbarrier.arrive $0xFFFF  }
0x364: {  	_ =	shalt  }

</sc_bundles>
